<compile_context>
chip_gen: v7x
topology: tpu7x:2x2x1
jax: 0.10.2.dev20260603
libtpu: 0.0.44.dev20260713+nightly
codegen_flags: <defaults>
</compile_context>

<pallas_src>
import functools

import jax
import jax.numpy as jnp
from jax import lax
from jax.experimental import pallas as pl
from jax.experimental.pallas import tpu as pltpu
from jax.experimental.pallas import tpu_sc as plsc

NC = 2
NS = 16
NW = NC * NS
LANES = 16
NBUF = 8
IDXW = 256


def _stage_body(Q, L, i0, i1, i2, i3, idx_ref, out_ref, vidx_ref):
  parts = []
  for in_ref in (i0, i1, i2, i3):
    x = in_ref[...]
    d = x.shape[0]
    xi = jax.lax.bitcast_convert_type(x, jnp.int32)
    rnd = lax.bitwise_and(lax.shift_right_logical(xi, 16), 1) + 0x7FFF
    b16 = lax.shift_right_logical(xi + rnd, 16)
    parts.append(lax.bitwise_or(b16[:d // 2, :],
                                lax.shift_left(b16[d // 2:, :], 16)))
  out_ref[...] = jnp.concatenate(parts, axis=0).T

  @pl.when(pl.program_id(0) == 0)
  def _():
    t = idx_ref[...]
    t = jnp.concatenate([t, t[:IDXW - L, :]], axis=0)
    ti = t.T
    q = ((ti >= Q).astype(jnp.int32) + (ti >= 2 * Q).astype(jnp.int32)
         + (ti >= 3 * Q).astype(jnp.int32))
    vidx_ref[...] = ti * 4 - q * (4 * Q - 1)


def _make_stage(V, D, B, L, Q, BK):
  grid = Q // BK
  qb = Q // BK
  last = (V - 1) // BK
  in_specs = [
      pl.BlockSpec(
          (D, BK),
          functools.partial(
              lambda g, j: (0, jnp.minimum(g * qb + j, last)), g))
      for g in range(4)
  ] + [pl.BlockSpec((L, B), lambda j: (0, 0))]
  return pl.pallas_call(
      functools.partial(_stage_body, Q, L),
      grid=(grid,),
      in_specs=in_specs,
      out_specs=[
          pl.BlockSpec((BK, 2 * D), lambda j: (j, 0)),
          pl.BlockSpec((B, IDXW), lambda j: (0, 0)),
      ],
      out_shape=[
          jax.ShapeDtypeStruct((Q, 2 * D), jnp.int32),
          jax.ShapeDtypeStruct((B, IDXW), jnp.int32),
      ],
  )


def _make_pool(B, L, D, chunks):
  assert sum(chunks) == L
  offs = [sum(chunks[:i]) for i in range(len(chunks))]
  assert B % NW == 0
  b_per_w = B // NW
  w32 = D // 2
  n_vld = w32 // LANES
  inv_l = 1.0 / float(L)

  mesh = plsc.VectorSubcoreMesh(
      core_axis_name="c", subcore_axis_name="s", num_cores=NC,
      num_subcores=NS)

  @functools.partial(
      pl.kernel,
      out_type=jax.ShapeDtypeStruct((B, 2 * D), jnp.float32),
      mesh=mesh,
      scratch_types=[
          pltpu.VMEM((b_per_w, IDXW), jnp.int32),
          pltpu.VMEM((NBUF, L, w32), jnp.int32),
          pltpu.VMEM((b_per_w, 2 * D), jnp.float32),
      ] + [pltpu.SemaphoreType.DMA] * NBUF,
      compiler_params=pltpu.CompilerParams(use_tc_tiling_on_sc=False),
  )
  def pool(idx_hbm, emb_hbm, out_hbm, idx_v, rows_v, out_v, *sems):
    wid = lax.axis_index("s") * NC + lax.axis_index("c")
    base = wid * b_per_w

    pltpu.sync_copy(idx_hbm.at[pl.ds(base, b_per_w)], idx_v)

    def issue(b, buf):
      for o, w in zip(offs, chunks):
        pltpu.async_copy(
            emb_hbm.at[idx_v.at[b, pl.ds(o, w)]],
            rows_v.at[buf, pl.ds(o, w)], sems[buf])

    def drain(b, buf):
      for o, w in zip(offs, chunks):
        pltpu.make_async_copy(
            emb_hbm.at[idx_v.at[b, pl.ds(o, w)]],
            rows_v.at[buf, pl.ds(o, w)],
            sems[buf]).wait()

    hi_mask = jnp.full((LANES,), -65536, jnp.int32)

    def accumulate(b, buf):
      zero = jnp.zeros((LANES,), jnp.float32)

      @plsc.parallel_loop(0, L, 2, unroll=4, carry=(zero,) * (4 * n_vld))
      def acc(j, a):
        out = []
        for p in range(2):
          for q in range(n_vld):
            v = rows_v[buf, j + p, pl.ds(q * LANES, LANES)]
            lo = lax.bitcast_convert_type(
                lax.shift_left(v, 16), jnp.float32)
            hi = lax.bitcast_convert_type(
                lax.bitwise_and(v, hi_mask), jnp.float32)
            k = (p * n_vld + q) * 2
            out.append(a[k] + lo)
            out.append(a[k + 1] + hi)
        return tuple(out)

      for q in range(n_vld):
        for h in range(2):
          val = (acc[q * 2 + h] + acc[(n_vld + q) * 2 + h]) * inv_l
          out_v[b, pl.ds(h * (D // 2) + q * LANES, LANES)] = val

    for b in range(NBUF):
      issue(b, b)

    def body(g, _):
      b0 = g * NBUF
      for ph in range(NBUF):
        b = b0 + ph
        drain(b, ph)
        accumulate(b, ph)

        @pl.when(b + NBUF < b_per_w)
        def _():
          issue(b + NBUF, ph)
      return 0

    lax.fori_loop(0, b_per_w // NBUF, body, 0)
    pltpu.sync_copy(out_v, out_hbm.at[pl.ds(base, b_per_w)])

  return pool


def _head_body(x_ref, wms_ref, w2_ref, b2_ref, wc_ref, bc_ref, o_ref):
  x = x_ref[...][:, :wms_ref.shape[0]]
  dims = (((1,), (1,)), ((), ()))
  xp = lax.dot_general(x, wms_ref[...], dims,
                       preferred_element_type=jnp.float32)
  h = jnp.maximum(
      lax.dot_general(xp, w2_ref[...], dims,
                      preferred_element_type=jnp.float32) + b2_ref[...], 0.0)
  lt = lax.dot_general(wc_ref[...], h, dims,
                       preferred_element_type=jnp.float32) + bc_ref[...]
  m = jnp.max(lt, axis=0, keepdims=True)
  e = jnp.exp(lt - m)
  o_ref[...] = e / jnp.sum(e, axis=0, keepdims=True)


def kernel(indices, emb, W_ms, W_clf2, b_clf2, W_clf, b_clf):
  B, L = indices.shape
  V, D = emb.shape
  OUT_DIM = W_clf.shape[0]

  Q = 256000
  embT = emb.T
  idxT = indices.astype(jnp.int32).T
  packed, vidx = _make_stage(V, D, B, L, Q, 2048)(embT, embT, embT, embT,
                                                  idxT)
  table = packed.reshape(4 * Q, D // 2)
  pool = _make_pool(B, L, D, (104, 96))
  x_ave = pool(vidx, table)

  head = pl.pallas_call(
      _head_body,
      out_shape=jax.ShapeDtypeStruct((OUT_DIM, B), jnp.float32),
  )
  out_t = head(x_ave, W_ms, W_clf2, b_clf2.reshape(1, D),
               W_clf, b_clf.reshape(OUT_DIM, 1))
  return out_t.T

# --- scband reference (transcript-rebuilt; emitter-appended) ---
"""Pipeline reference for scband-mlse-domain-55276229099737 (READ-ONLY COPY).

The authoritative reference and input builder live on the scoring server;
editing this copy changes nothing except your own understanding.
"""

import jax, jax.numpy as jnp
import numpy as np

VOCAB, D, B, L, OUT_DIM = 1000000, 64, 4096, 200, 2


def setup_inputs(seed: int = 0) -> dict:
    key = jax.random.key(seed)
    ks = jax.random.split(key, 6)
    indices = jax.random.randint(ks[0], (B, L), 0, VOCAB)
    emb = jax.random.normal(ks[1], (VOCAB, D), dtype=jnp.float32) * 0.1
    W_ms = jax.random.normal(ks[2], (D, D), dtype=jnp.float32) * (1.0 / np.sqrt(D))
    W_clf2 = jax.random.normal(ks[3], (D, D), dtype=jnp.float32) * (1.0 / np.sqrt(D))
    b_clf2 = jnp.zeros((D,), dtype=jnp.float32)
    W_clf = jax.random.normal(ks[4], (OUT_DIM, D), dtype=jnp.float32) * (1.0 / np.sqrt(D))
    b_clf = jnp.zeros((OUT_DIM,), dtype=jnp.float32)
    return {"indices": indices, "emb": emb, "W_ms": W_ms, "W_clf2": W_clf2,
            "b_clf2": b_clf2, "W_clf": W_clf, "b_clf": b_clf}


def reference(indices, emb, W_ms, W_clf2, b_clf2, W_clf, b_clf):
    # ave_vecs: embedding lookup (gather) then mean over tokens of each text
    gathered = jnp.take(emb, indices, axis=0)          # [B, L, D]
    x_ave = gathered.mean(axis=1)                       # [B, D]
    # ms[domain]: bias-free linear projection into shared space
    x_proj = x_ave @ W_ms.T                             # [B, D]
    # clf2 + relu
    h = jax.nn.relu(x_proj @ W_clf2.T + b_clf2)         # [B, D]
    # clf + softmax
    logits = h @ W_clf.T + b_clf                        # [B, OUT_DIM]
    out = jax.nn.softmax(logits, axis=1)
    return out

if __name__ == "__main__":
    import jax
    _d = setup_inputs()
    print(jax.jit(kernel)(*tuple(_d.values())))

</pallas_src>

<mosaic_0001>
#map = affine_map<(d0, d1) -> (0, 0)>
module attributes {stable_mosaic.version = 14 : i64} {
  func.func @pool(%arg0: i32, %arg1: i32, %arg2: memref<4096x256xi32, #tpu.memory_space<hbm>>, %arg3: memref<1024000x32xi32, #tpu.memory_space<hbm>>, %arg4: memref<4096x128xf32, #tpu.memory_space<hbm>>, %arg5: memref<128x256xi32, #tpu.memory_space<vmem>>, %arg6: memref<8x200x32xi32, #tpu.memory_space<vmem>>, %arg7: memref<128x128xf32, #tpu.memory_space<vmem>>, %arg8: memref<!tpu.dma_semaphore, #tpu.memory_space<semaphore_mem>>, %arg9: memref<!tpu.dma_semaphore, #tpu.memory_space<semaphore_mem>>, %arg10: memref<!tpu.dma_semaphore, #tpu.memory_space<semaphore_mem>>, %arg11: memref<!tpu.dma_semaphore, #tpu.memory_space<semaphore_mem>>, %arg12: memref<!tpu.dma_semaphore, #tpu.memory_space<semaphore_mem>>, %arg13: memref<!tpu.dma_semaphore, #tpu.memory_space<semaphore_mem>>, %arg14: memref<!tpu.dma_semaphore, #tpu.memory_space<semaphore_mem>>, %arg15: memref<!tpu.dma_semaphore, #tpu.memory_space<semaphore_mem>>) attributes {dimension_semantics = [#tpu.dimension_semantics<core_parallel>, #tpu.dimension_semantics<subcore_parallel>], iteration_bounds = array<i64: 2, 16>, scalar_prefetch = 0 : i64, scratch_operands = 11 : i64, tpu.core_type = #tpu.core_type<sc_vector_subcore>, window_params = [{transform_indices = #map}, {transform_indices = #map}, {transform_indices = #map}]} {
    %mul3A = arith.constant 2 : i32
    %mul3A_0 = arith.muli %arg1, %mul3A : i32
    %add3A = arith.addi %mul3A_0, %arg0 : i32
    %mul3A_1 = arith.constant 128 : i32
    %mul3A_2 = arith.muli %add3A, %mul3A_1 : i32
    "tpu.region"() ({
      %run_scoped3A = tpu.sem_alloc : memref<!tpu.dma_semaphore, #tpu.memory_space<semaphore_mem>>
      %dma_start3A_201 = arith.constant 0 : i32
      %dma_start3A_202 = tpu.memref_slice %arg2[%mul3A_2, %dma_start3A_201] : memref<4096x256xi32, #tpu.memory_space<hbm>> -> memref<128x256xi32, #tpu.memory_space<hbm>>
      %dma_start3A_203 = arith.constant 0 : i32
      %dma_start3A_204 = tpu.memref_slice %arg2[%mul3A_2, %dma_start3A_203] : memref<4096x256xi32, #tpu.memory_space<hbm>> -> memref<128x256xi32, #tpu.memory_space<hbm>>
      tpu.enqueue_dma source(%dma_start3A_204 : memref<128x256xi32, #tpu.memory_space<hbm>>) target(%arg5 : memref<128x256xi32, #tpu.memory_space<vmem>>) target_semaphore(%run_scoped3A : memref<!tpu.dma_semaphore, #tpu.memory_space<semaphore_mem>>)
      %dma_wait3A = arith.constant 0 : i32
      %dma_wait3A_205 = tpu.memref_slice %arg2[%mul3A_2, %dma_wait3A] : memref<4096x256xi32, #tpu.memory_space<hbm>> -> memref<128x256xi32, #tpu.memory_space<hbm>>
      %dma_wait3A_206 = arith.constant 0 : i32
      %dma_wait3A_207 = tpu.memref_slice %arg2[%mul3A_2, %dma_wait3A_206] : memref<4096x256xi32, #tpu.memory_space<hbm>> -> memref<128x256xi32, #tpu.memory_space<hbm>>
      tpu.wait_dma2 semaphore(%run_scoped3A : memref<!tpu.dma_semaphore, #tpu.memory_space<semaphore_mem>>) src(%dma_wait3A_207 : memref<128x256xi32, #tpu.memory_space<hbm>>) dst(%arg5 : memref<128x256xi32, #tpu.memory_space<vmem>>)
      tpu.yield
    }) : () -> ()
    %broadcast_in_dim3A = arith.constant -65536 : i32
    %broadcast_in_dim3A_3 = vector.broadcast %broadcast_in_dim3A : i32 to vector<16xi32>
    %dma_start3A = arith.constant 0 : i32
    %dma_start3A_4 = arith.constant 0 : i32
    %dma_start3A_5 = arith.constant 0 : i32
    %dma_start3A_6 = arith.constant 0 : i32
    %dma_start3A_7 = tpu.memref_slice %arg6[%dma_start3A_4, %dma_start3A_5, %dma_start3A_6] : memref<8x200x32xi32, #tpu.memory_space<vmem>> -> memref<1x104x32xi32, #tpu.memory_space<vmem>>
    %dma_start3A_8 = tpu.memref_squeeze %dma_start3A_7 : memref<1x104x32xi32, #tpu.memory_space<vmem>> -> memref<104x32xi32, #tpu.memory_space<vmem>>
    %dma_start3A_9 = arith.constant 0 : i32
    %dma_start3A_10 = tpu.memref_slice %arg5[%dma_start3A, %dma_start3A_9] : memref<128x256xi32, #tpu.memory_space<vmem>> -> memref<1x104xi32, #tpu.memory_space<vmem>>
    %dma_start3A_11 = tpu.memref_squeeze %dma_start3A_10 : memref<1x104xi32, #tpu.memory_space<vmem>> -> memref<104xi32, #tpu.memory_space<vmem>>
    %dma_start3A_12 = arith.constant 0 : i32
    %dma_start3A_13 = arith.constant 0 : i32
    %dma_start3A_14 = tpu.memref_slice %arg3[%dma_start3A_12, %dma_start3A_13] : memref<1024000x32xi32, #tpu.memory_space<hbm>> -> memref<1024000x32xi32, #tpu.memory_space<hbm>>
    tpu.enqueue_indirect_dma source(%dma_start3A_14 : memref<1024000x32xi32, #tpu.memory_space<hbm>>) target(%dma_start3A_8 : memref<104x32xi32, #tpu.memory_space<vmem>>) offsets(%dma_start3A_11 : memref<104xi32, #tpu.memory_space<vmem>>) semaphore(%arg8 : memref<!tpu.dma_semaphore, #tpu.memory_space<semaphore_mem>>)
    %dma_start3A_15 = arith.constant 0 : i32
    %dma_start3A_16 = arith.constant 0 : i32
    %dma_start3A_17 = arith.constant 104 : i32
    %dma_start3A_18 = arith.constant 0 : i32
    %dma_start3A_19 = tpu.memref_slice %arg6[%dma_start3A_16, %dma_start3A_17, %dma_start3A_18] : memref<8x200x32xi32, #tpu.memory_space<vmem>> -> memref<1x96x32xi32, #tpu.memory_space<vmem>>
    %dma_start3A_20 = tpu.memref_squeeze %dma_start3A_19 : memref<1x96x32xi32, #tpu.memory_space<vmem>> -> memref<96x32xi32, #tpu.memory_space<vmem>>
    %dma_start3A_21 = arith.constant 104 : i32
    %dma_start3A_22 = tpu.memref_slice %arg5[%dma_start3A_15, %dma_start3A_21] : memref<128x256xi32, #tpu.memory_space<vmem>> -> memref<1x96xi32, #tpu.memory_space<vmem>>
    %dma_start3A_23 = tpu.memref_squeeze %dma_start3A_22 : memref<1x96xi32, #tpu.memory_space<vmem>> -> memref<96xi32, #tpu.memory_space<vmem>>
    %dma_start3A_24 = arith.constant 0 : i32
    %dma_start3A_25 = arith.constant 0 : i32
    %dma_start3A_26 = tpu.memref_slice %arg3[%dma_start3A_24, %dma_start3A_25] : memref<1024000x32xi32, #tpu.memory_space<hbm>> -> memref<1024000x32xi32, #tpu.memory_space<hbm>>
    tpu.enqueue_indirect_dma source(%dma_start3A_26 : memref<1024000x32xi32, #tpu.memory_space<hbm>>) target(%dma_start3A_20 : memref<96x32xi32, #tpu.memory_space<vmem>>) offsets(%dma_start3A_23 : memref<96xi32, #tpu.memory_space<vmem>>) semaphore(%arg8 : memref<!tpu.dma_semaphore, #tpu.memory_space<semaphore_mem>>)
    %dma_start3A_27 = arith.constant 1 : i32
    %dma_start3A_28 = arith.constant 1 : i32
    %dma_start3A_29 = arith.constant 0 : i32
    %dma_start3A_30 = arith.constant 0 : i32
    %dma_start3A_31 = tpu.memref_slice %arg6[%dma_start3A_28, %dma_start3A_29, %dma_start3A_30] : memref<8x200x32xi32, #tpu.memory_space<vmem>> -> memref<1x104x32xi32, #tpu.memory_space<vmem>>
    %dma_start3A_32 = tpu.memref_squeeze %dma_start3A_31 : memref<1x104x32xi32, #tpu.memory_space<vmem>> -> memref<104x32xi32, #tpu.memory_space<vmem>>
    %dma_start3A_33 = arith.constant 0 : i32
    %dma_start3A_34 = tpu.memref_slice %arg5[%dma_start3A_27, %dma_start3A_33] : memref<128x256xi32, #tpu.memory_space<vmem>> -> memref<1x104xi32, #tpu.memory_space<vmem>>
    %dma_start3A_35 = tpu.memref_squeeze %dma_start3A_34 : memref<1x104xi32, #tpu.memory_space<vmem>> -> memref<104xi32, #tpu.memory_space<vmem>>
    %dma_start3A_36 = arith.constant 0 : i32
    %dma_start3A_37 = arith.constant 0 : i32
    %dma_start3A_38 = tpu.memref_slice %arg3[%dma_start3A_36, %dma_start3A_37] : memref<1024000x32xi32, #tpu.memory_space<hbm>> -> memref<1024000x32xi32, #tpu.memory_space<hbm>>
    tpu.enqueue_indirect_dma source(%dma_start3A_38 : memref<1024000x32xi32, #tpu.memory_space<hbm>>) target(%dma_start3A_32 : memref<104x32xi32, #tpu.memory_space<vmem>>) offsets(%dma_start3A_35 : memref<104xi32, #tpu.memory_space<vmem>>) semaphore(%arg9 : memref<!tpu.dma_semaphore, #tpu.memory_space<semaphore_mem>>)
    %dma_start3A_39 = arith.constant 1 : i32
    %dma_start3A_40 = arith.constant 1 : i32
    %dma_start3A_41 = arith.constant 104 : i32
    %dma_start3A_42 = arith.constant 0 : i32
    %dma_start3A_43 = tpu.memref_slice %arg6[%dma_start3A_40, %dma_start3A_41, %dma_start3A_42] : memref<8x200x32xi32, #tpu.memory_space<vmem>> -> memref<1x96x32xi32, #tpu.memory_space<vmem>>
    %dma_start3A_44 = tpu.memref_squeeze %dma_start3A_43 : memref<1x96x32xi32, #tpu.memory_space<vmem>> -> memref<96x32xi32, #tpu.memory_space<vmem>>
    %dma_start3A_45 = arith.constant 104 : i32
    %dma_start3A_46 = tpu.memref_slice %arg5[%dma_start3A_39, %dma_start3A_45] : memref<128x256xi32, #tpu.memory_space<vmem>> -> memref<1x96xi32, #tpu.memory_space<vmem>>
    %dma_start3A_47 = tpu.memref_squeeze %dma_start3A_46 : memref<1x96xi32, #tpu.memory_space<vmem>> -> memref<96xi32, #tpu.memory_space<vmem>>
    %dma_start3A_48 = arith.constant 0 : i32
    %dma_start3A_49 = arith.constant 0 : i32
    %dma_start3A_50 = tpu.memref_slice %arg3[%dma_start3A_48, %dma_start3A_49] : memref<1024000x32xi32, #tpu.memory_space<hbm>> -> memref<1024000x32xi32, #tpu.memory_space<hbm>>
    tpu.enqueue_indirect_dma source(%dma_start3A_50 : memref<1024000x32xi32, #tpu.memory_space<hbm>>) target(%dma_start3A_44 : memref<96x32xi32, #tpu.memory_space<vmem>>) offsets(%dma_start3A_47 : memref<96xi32, #tpu.memory_space<vmem>>) semaphore(%arg9 : memref<!tpu.dma_semaphore, #tpu.memory_space<semaphore_mem>>)
    %dma_start3A_51 = arith.constant 2 : i32
    %dma_start3A_52 = arith.constant 2 : i32
    %dma_start3A_53 = arith.constant 0 : i32
    %dma_start3A_54 = arith.constant 0 : i32
    %dma_start3A_55 = tpu.memref_slice %arg6[%dma_start3A_52, %dma_start3A_53, %dma_start3A_54] : memref<8x200x32xi32, #tpu.memory_space<vmem>> -> memref<1x104x32xi32, #tpu.memory_space<vmem>>
    %dma_start3A_56 = tpu.memref_squeeze %dma_start3A_55 : memref<1x104x32xi32, #tpu.memory_space<vmem>> -> memref<104x32xi32, #tpu.memory_space<vmem>>
    %dma_start3A_57 = arith.constant 0 : i32
    %dma_start3A_58 = tpu.memref_slice %arg5[%dma_start3A_51, %dma_start3A_57] : memref<128x256xi32, #tpu.memory_space<vmem>> -> memref<1x104xi32, #tpu.memory_space<vmem>>
    %dma_start3A_59 = tpu.memref_squeeze %dma_start3A_58 : memref<1x104xi32, #tpu.memory_space<vmem>> -> memref<104xi32, #tpu.memory_space<vmem>>
    %dma_start3A_60 = arith.constant 0 : i32
    %dma_start3A_61 = arith.constant 0 : i32
    %dma_start3A_62 = tpu.memref_slice %arg3[%dma_start3A_60, %dma_start3A_61] : memref<1024000x32xi32, #tpu.memory_space<hbm>> -> memref<1024000x32xi32, #tpu.memory_space<hbm>>
    tpu.enqueue_indirect_dma source(%dma_start3A_62 : memref<1024000x32xi32, #tpu.memory_space<hbm>>) target(%dma_start3A_56 : memref<104x32xi32, #tpu.memory_space<vmem>>) offsets(%dma_start3A_59 : memref<104xi32, #tpu.memory_space<vmem>>) semaphore(%arg10 : memref<!tpu.dma_semaphore, #tpu.memory_space<semaphore_mem>>)
    %dma_start3A_63 = arith.constant 2 : i32
    %dma_start3A_64 = arith.constant 2 : i32
    %dma_start3A_65 = arith.constant 104 : i32
    %dma_start3A_66 = arith.constant 0 : i32
    %dma_start3A_67 = tpu.memref_slice %arg6[%dma_start3A_64, %dma_start3A_65, %dma_start3A_66] : memref<8x200x32xi32, #tpu.memory_space<vmem>> -> memref<1x96x32xi32, #tpu.memory_space<vmem>>
    %dma_start3A_68 = tpu.memref_squeeze %dma_start3A_67 : memref<1x96x32xi32, #tpu.memory_space<vmem>> -> memref<96x32xi32, #tpu.memory_space<vmem>>
    %dma_start3A_69 = arith.constant 104 : i32
    %dma_start3A_70 = tpu.memref_slice %arg5[%dma_start3A_63, %dma_start3A_69] : memref<128x256xi32, #tpu.memory_space<vmem>> -> memref<1x96xi32, #tpu.memory_space<vmem>>
    %dma_start3A_71 = tpu.memref_squeeze %dma_start3A_70 : memref<1x96xi32, #tpu.memory_space<vmem>> -> memref<96xi32, #tpu.memory_space<vmem>>
    %dma_start3A_72 = arith.constant 0 : i32
    %dma_start3A_73 = arith.constant 0 : i32
    %dma_start3A_74 = tpu.memref_slice %arg3[%dma_start3A_72, %dma_start3A_73] : memref<1024000x32xi32, #tpu.memory_space<hbm>> -> memref<1024000x32xi32, #tpu.memory_space<hbm>>
    tpu.enqueue_indirect_dma source(%dma_start3A_74 : memref<1024000x32xi32, #tpu.memory_space<hbm>>) target(%dma_start3A_68 : memref<96x32xi32, #tpu.memory_space<vmem>>) offsets(%dma_start3A_71 : memref<96xi32, #tpu.memory_space<vmem>>) semaphore(%arg10 : memref<!tpu.dma_semaphore, #tpu.memory_space<semaphore_mem>>)
    %dma_start3A_75 = arith.constant 3 : i32
    %dma_start3A_76 = arith.constant 3 : i32
    %dma_start3A_77 = arith.constant 0 : i32
    %dma_start3A_78 = arith.constant 0 : i32
    %dma_start3A_79 = tpu.memref_slice %arg6[%dma_start3A_76, %dma_start3A_77, %dma_start3A_78] : memref<8x200x32xi32, #tpu.memory_space<vmem>> -> memref<1x104x32xi32, #tpu.memory_space<vmem>>
    %dma_start3A_80 = tpu.memref_squeeze %dma_start3A_79 : memref<1x104x32xi32, #tpu.memory_space<vmem>> -> memref<104x32xi32, #tpu.memory_space<vmem>>
    %dma_start3A_81 = arith.constant 0 : i32
    %dma_start3A_82 = tpu.memref_slice %arg5[%dma_start3A_75, %dma_start3A_81] : memref<128x256xi32, #tpu.memory_space<vmem>> -> memref<1x104xi32, #tpu.memory_space<vmem>>
    %dma_start3A_83 = tpu.memref_squeeze %dma_start3A_82 : memref<1x104xi32, #tpu.memory_space<vmem>> -> memref<104xi32, #tpu.memory_space<vmem>>
    %dma_start3A_84 = arith.constant 0 : i32
    %dma_start3A_85 = arith.constant 0 : i32
    %dma_start3A_86 = tpu.memref_slice %arg3[%dma_start3A_84, %dma_start3A_85] : memref<1024000x32xi32, #tpu.memory_space<hbm>> -> memref<1024000x32xi32, #tpu.memory_space<hbm>>
    tpu.enqueue_indirect_dma source(%dma_start3A_86 : memref<1024000x32xi32, #tpu.memory_space<hbm>>) target(%dma_start3A_80 : memref<104x32xi32, #tpu.memory_space<vmem>>) offsets(%dma_start3A_83 : memref<104xi32, #tpu.memory_space<vmem>>) semaphore(%arg11 : memref<!tpu.dma_semaphore, #tpu.memory_space<semaphore_mem>>)
    %dma_start3A_87 = arith.constant 3 : i32
    %dma_start3A_88 = arith.constant 3 : i32
    %dma_start3A_89 = arith.constant 104 : i32
    %dma_start3A_90 = arith.constant 0 : i32
    %dma_start3A_91 = tpu.memref_slice %arg6[%dma_start3A_88, %dma_start3A_89, %dma_start3A_90] : memref<8x200x32xi32, #tpu.memory_space<vmem>> -> memref<1x96x32xi32, #tpu.memory_space<vmem>>
    %dma_start3A_92 = tpu.memref_squeeze %dma_start3A_91 : memref<1x96x32xi32, #tpu.memory_space<vmem>> -> memref<96x32xi32, #tpu.memory_space<vmem>>
    %dma_start3A_93 = arith.constant 104 : i32
    %dma_start3A_94 = tpu.memref_slice %arg5[%dma_start3A_87, %dma_start3A_93] : memref<128x256xi32, #tpu.memory_space<vmem>> -> memref<1x96xi32, #tpu.memory_space<vmem>>
    %dma_start3A_95 = tpu.memref_squeeze %dma_start3A_94 : memref<1x96xi32, #tpu.memory_space<vmem>> -> memref<96xi32, #tpu.memory_space<vmem>>
    %dma_start3A_96 = arith.constant 0 : i32
    %dma_start3A_97 = arith.constant 0 : i32
    %dma_start3A_98 = tpu.memref_slice %arg3[%dma_start3A_96, %dma_start3A_97] : memref<1024000x32xi32, #tpu.memory_space<hbm>> -> memref<1024000x32xi32, #tpu.memory_space<hbm>>
    tpu.enqueue_indirect_dma source(%dma_start3A_98 : memref<1024000x32xi32, #tpu.memory_space<hbm>>) target(%dma_start3A_92 : memref<96x32xi32, #tpu.memory_space<vmem>>) offsets(%dma_start3A_95 : memref<96xi32, #tpu.memory_space<vmem>>) semaphore(%arg11 : memref<!tpu.dma_semaphore, #tpu.memory_space<semaphore_mem>>)
    %dma_start3A_99 = arith.constant 4 : i32
    %dma_start3A_100 = arith.constant 4 : i32
    %dma_start3A_101 = arith.constant 0 : i32
    %dma_start3A_102 = arith.constant 0 : i32
    %dma_start3A_103 = tpu.memref_slice %arg6[%dma_start3A_100, %dma_start3A_101, %dma_start3A_102] : memref<8x200x32xi32, #tpu.memory_space<vmem>> -> memref<1x104x32xi32, #tpu.memory_space<vmem>>
    %dma_start3A_104 = tpu.memref_squeeze %dma_start3A_103 : memref<1x104x32xi32, #tpu.memory_space<vmem>> -> memref<104x32xi32, #tpu.memory_space<vmem>>
    %dma_start3A_105 = arith.constant 0 : i32
    %dma_start3A_106 = tpu.memref_slice %arg5[%dma_start3A_99, %dma_start3A_105] : memref<128x256xi32, #tpu.memory_space<vmem>> -> memref<1x104xi32, #tpu.memory_space<vmem>>
    %dma_start3A_107 = tpu.memref_squeeze %dma_start3A_106 : memref<1x104xi32, #tpu.memory_space<vmem>> -> memref<104xi32, #tpu.memory_space<vmem>>
    %dma_start3A_108 = arith.constant 0 : i32
    %dma_start3A_109 = arith.constant 0 : i32
    %dma_start3A_110 = tpu.memref_slice %arg3[%dma_start3A_108, %dma_start3A_109] : memref<1024000x32xi32, #tpu.memory_space<hbm>> -> memref<1024000x32xi32, #tpu.memory_space<hbm>>
    tpu.enqueue_indirect_dma source(%dma_start3A_110 : memref<1024000x32xi32, #tpu.memory_space<hbm>>) target(%dma_start3A_104 : memref<104x32xi32, #tpu.memory_space<vmem>>) offsets(%dma_start3A_107 : memref<104xi32, #tpu.memory_space<vmem>>) semaphore(%arg12 : memref<!tpu.dma_semaphore, #tpu.memory_space<semaphore_mem>>)
    %dma_start3A_111 = arith.constant 4 : i32
    %dma_start3A_112 = arith.constant 4 : i32
    %dma_start3A_113 = arith.constant 104 : i32
    %dma_start3A_114 = arith.constant 0 : i32
    %dma_start3A_115 = tpu.memref_slice %arg6[%dma_start3A_112, %dma_start3A_113, %dma_start3A_114] : memref<8x200x32xi32, #tpu.memory_space<vmem>> -> memref<1x96x32xi32, #tpu.memory_space<vmem>>
    %dma_start3A_116 = tpu.memref_squeeze %dma_start3A_115 : memref<1x96x32xi32, #tpu.memory_space<vmem>> -> memref<96x32xi32, #tpu.memory_space<vmem>>
    %dma_start3A_117 = arith.constant 104 : i32
    %dma_start3A_118 = tpu.memref_slice %arg5[%dma_start3A_111, %dma_start3A_117] : memref<128x256xi32, #tpu.memory_space<vmem>> -> memref<1x96xi32, #tpu.memory_space<vmem>>
    %dma_start3A_119 = tpu.memref_squeeze %dma_start3A_118 : memref<1x96xi32, #tpu.memory_space<vmem>> -> memref<96xi32, #tpu.memory_space<vmem>>
    %dma_start3A_120 = arith.constant 0 : i32
    %dma_start3A_121 = arith.constant 0 : i32
    %dma_start3A_122 = tpu.memref_slice %arg3[%dma_start3A_120, %dma_start3A_121] : memref<1024000x32xi32, #tpu.memory_space<hbm>> -> memref<1024000x32xi32, #tpu.memory_space<hbm>>
    tpu.enqueue_indirect_dma source(%dma_start3A_122 : memref<1024000x32xi32, #tpu.memory_space<hbm>>) target(%dma_start3A_116 : memref<96x32xi32, #tpu.memory_space<vmem>>) offsets(%dma_start3A_119 : memref<96xi32, #tpu.memory_space<vmem>>) semaphore(%arg12 : memref<!tpu.dma_semaphore, #tpu.memory_space<semaphore_mem>>)
    %dma_start3A_123 = arith.constant 5 : i32
    %dma_start3A_124 = arith.constant 5 : i32
    %dma_start3A_125 = arith.constant 0 : i32
    %dma_start3A_126 = arith.constant 0 : i32
    %dma_start3A_127 = tpu.memref_slice %arg6[%dma_start3A_124, %dma_start3A_125, %dma_start3A_126] : memref<8x200x32xi32, #tpu.memory_space<vmem>> -> memref<1x104x32xi32, #tpu.memory_space<vmem>>
    %dma_start3A_128 = tpu.memref_squeeze %dma_start3A_127 : memref<1x104x32xi32, #tpu.memory_space<vmem>> -> memref<104x32xi32, #tpu.memory_space<vmem>>
    %dma_start3A_129 = arith.constant 0 : i32
    %dma_start3A_130 = tpu.memref_slice %arg5[%dma_start3A_123, %dma_start3A_129] : memref<128x256xi32, #tpu.memory_space<vmem>> -> memref<1x104xi32, #tpu.memory_space<vmem>>
    %dma_start3A_131 = tpu.memref_squeeze %dma_start3A_130 : memref<1x104xi32, #tpu.memory_space<vmem>> -> memref<104xi32, #tpu.memory_space<vmem>>
    %dma_start3A_132 = arith.constant 0 : i32
    %dma_start3A_133 = arith.constant 0 : i32
    %dma_start3A_134 = tpu.memref_slice %arg3[%dma_start3A_132, %dma_start3A_133] : memref<1024000x32xi32, #tpu.memory_space<hbm>> -> memref<1024000x32xi32, #tpu.memory_space<hbm>>
    tpu.enqueue_indirect_dma source(%dma_start3A_134 : memref<1024000x32xi32, #tpu.memory_space<hbm>>) target(%dma_start3A_128 : memref<104x32xi32, #tpu.memory_space<vmem>>) offsets(%dma_start3A_131 : memref<104xi32, #tpu.memory_space<vmem>>) semaphore(%arg13 : memref<!tpu.dma_semaphore, #tpu.memory_space<semaphore_mem>>)
    %dma_start3A_135 = arith.constant 5 : i32
    %dma_start3A_136 = arith.constant 5 : i32
    %dma_start3A_137 = arith.constant 104 : i32
    %dma_start3A_138 = arith.constant 0 : i32
    %dma_start3A_139 = tpu.memref_slice %arg6[%dma_start3A_136, %dma_start3A_137, %dma_start3A_138] : memref<8x200x32xi32, #tpu.memory_space<vmem>> -> memref<1x96x32xi32, #tpu.memory_space<vmem>>
    %dma_start3A_140 = tpu.memref_squeeze %dma_start3A_139 : memref<1x96x32xi32, #tpu.memory_space<vmem>> -> memref<96x32xi32, #tpu.memory_space<vmem>>
    %dma_start3A_141 = arith.constant 104 : i32
    %dma_start3A_142 = tpu.memref_slice %arg5[%dma_start3A_135, %dma_start3A_141] : memref<128x256xi32, #tpu.memory_space<vmem>> -> memref<1x96xi32, #tpu.memory_space<vmem>>
    %dma_start3A_143 = tpu.memref_squeeze %dma_start3A_142 : memref<1x96xi32, #tpu.memory_space<vmem>> -> memref<96xi32, #tpu.memory_space<vmem>>
    %dma_start3A_144 = arith.constant 0 : i32
    %dma_start3A_145 = arith.constant 0 : i32
    %dma_start3A_146 = tpu.memref_slice %arg3[%dma_start3A_144, %dma_start3A_145] : memref<1024000x32xi32, #tpu.memory_space<hbm>> -> memref<1024000x32xi32, #tpu.memory_space<hbm>>
    tpu.enqueue_indirect_dma source(%dma_start3A_146 : memref<1024000x32xi32, #tpu.memory_space<hbm>>) target(%dma_start3A_140 : memref<96x32xi32, #tpu.memory_space<vmem>>) offsets(%dma_start3A_143 : memref<96xi32, #tpu.memory_space<vmem>>) semaphore(%arg13 : memref<!tpu.dma_semaphore, #tpu.memory_space<semaphore_mem>>)
    %dma_start3A_147 = arith.constant 6 : i32
    %dma_start3A_148 = arith.constant 6 : i32
    %dma_start3A_149 = arith.constant 0 : i32
    %dma_start3A_150 = arith.constant 0 : i32
    %dma_start3A_151 = tpu.memref_slice %arg6[%dma_start3A_148, %dma_start3A_149, %dma_start3A_150] : memref<8x200x32xi32, #tpu.memory_space<vmem>> -> memref<1x104x32xi32, #tpu.memory_space<vmem>>
    %dma_start3A_152 = tpu.memref_squeeze %dma_start3A_151 : memref<1x104x32xi32, #tpu.memory_space<vmem>> -> memref<104x32xi32, #tpu.memory_space<vmem>>
    %dma_start3A_153 = arith.constant 0 : i32
    %dma_start3A_154 = tpu.memref_slice %arg5[%dma_start3A_147, %dma_start3A_153] : memref<128x256xi32, #tpu.memory_space<vmem>> -> memref<1x104xi32, #tpu.memory_space<vmem>>
    %dma_start3A_155 = tpu.memref_squeeze %dma_start3A_154 : memref<1x104xi32, #tpu.memory_space<vmem>> -> memref<104xi32, #tpu.memory_space<vmem>>
    %dma_start3A_156 = arith.constant 0 : i32
    %dma_start3A_157 = arith.constant 0 : i32
    %dma_start3A_158 = tpu.memref_slice %arg3[%dma_start3A_156, %dma_start3A_157] : memref<1024000x32xi32, #tpu.memory_space<hbm>> -> memref<1024000x32xi32, #tpu.memory_space<hbm>>
    tpu.enqueue_indirect_dma source(%dma_start3A_158 : memref<1024000x32xi32, #tpu.memory_space<hbm>>) target(%dma_start3A_152 : memref<104x32xi32, #tpu.memory_space<vmem>>) offsets(%dma_start3A_155 : memref<104xi32, #tpu.memory_space<vmem>>) semaphore(%arg14 : memref<!tpu.dma_semaphore, #tpu.memory_space<semaphore_mem>>)
    %dma_start3A_159 = arith.constant 6 : i32
    %dma_start3A_160 = arith.constant 6 : i32
    %dma_start3A_161 = arith.constant 104 : i32
    %dma_start3A_162 = arith.constant 0 : i32
    %dma_start3A_163 = tpu.memref_slice %arg6[%dma_start3A_160, %dma_start3A_161, %dma_start3A_162] : memref<8x200x32xi32, #tpu.memory_space<vmem>> -> memref<1x96x32xi32, #tpu.memory_space<vmem>>
    %dma_start3A_164 = tpu.memref_squeeze %dma_start3A_163 : memref<1x96x32xi32, #tpu.memory_space<vmem>> -> memref<96x32xi32, #tpu.memory_space<vmem>>
    %dma_start3A_165 = arith.constant 104 : i32
    %dma_start3A_166 = tpu.memref_slice %arg5[%dma_start3A_159, %dma_start3A_165] : memref<128x256xi32, #tpu.memory_space<vmem>> -> memref<1x96xi32, #tpu.memory_space<vmem>>
    %dma_start3A_167 = tpu.memref_squeeze %dma_start3A_166 : memref<1x96xi32, #tpu.memory_space<vmem>> -> memref<96xi32, #tpu.memory_space<vmem>>
    %dma_start3A_168 = arith.constant 0 : i32
    %dma_start3A_169 = arith.constant 0 : i32
    %dma_start3A_170 = tpu.memref_slice %arg3[%dma_start3A_168, %dma_start3A_169] : memref<1024000x32xi32, #tpu.memory_space<hbm>> -> memref<1024000x32xi32, #tpu.memory_space<hbm>>
    tpu.enqueue_indirect_dma source(%dma_start3A_170 : memref<1024000x32xi32, #tpu.memory_space<hbm>>) target(%dma_start3A_164 : memref<96x32xi32, #tpu.memory_space<vmem>>) offsets(%dma_start3A_167 : memref<96xi32, #tpu.memory_space<vmem>>) semaphore(%arg14 : memref<!tpu.dma_semaphore, #tpu.memory_space<semaphore_mem>>)
    %dma_start3A_171 = arith.constant 7 : i32
    %dma_start3A_172 = arith.constant 7 : i32
    %dma_start3A_173 = arith.constant 0 : i32
    %dma_start3A_174 = arith.constant 0 : i32
    %dma_start3A_175 = tpu.memref_slice %arg6[%dma_start3A_172, %dma_start3A_173, %dma_start3A_174] : memref<8x200x32xi32, #tpu.memory_space<vmem>> -> memref<1x104x32xi32, #tpu.memory_space<vmem>>
    %dma_start3A_176 = tpu.memref_squeeze %dma_start3A_175 : memref<1x104x32xi32, #tpu.memory_space<vmem>> -> memref<104x32xi32, #tpu.memory_space<vmem>>
    %dma_start3A_177 = arith.constant 0 : i32
    %dma_start3A_178 = tpu.memref_slice %arg5[%dma_start3A_171, %dma_start3A_177] : memref<128x256xi32, #tpu.memory_space<vmem>> -> memref<1x104xi32, #tpu.memory_space<vmem>>
    %dma_start3A_179 = tpu.memref_squeeze %dma_start3A_178 : memref<1x104xi32, #tpu.memory_space<vmem>> -> memref<104xi32, #tpu.memory_space<vmem>>
    %dma_start3A_180 = arith.constant 0 : i32
    %dma_start3A_181 = arith.constant 0 : i32
    %dma_start3A_182 = tpu.memref_slice %arg3[%dma_start3A_180, %dma_start3A_181] : memref<1024000x32xi32, #tpu.memory_space<hbm>> -> memref<1024000x32xi32, #tpu.memory_space<hbm>>
    tpu.enqueue_indirect_dma source(%dma_start3A_182 : memref<1024000x32xi32, #tpu.memory_space<hbm>>) target(%dma_start3A_176 : memref<104x32xi32, #tpu.memory_space<vmem>>) offsets(%dma_start3A_179 : memref<104xi32, #tpu.memory_space<vmem>>) semaphore(%arg15 : memref<!tpu.dma_semaphore, #tpu.memory_space<semaphore_mem>>)
    %dma_start3A_183 = arith.constant 7 : i32
    %dma_start3A_184 = arith.constant 7 : i32
    %dma_start3A_185 = arith.constant 104 : i32
    %dma_start3A_186 = arith.constant 0 : i32
    %dma_start3A_187 = tpu.memref_slice %arg6[%dma_start3A_184, %dma_start3A_185, %dma_start3A_186] : memref<8x200x32xi32, #tpu.memory_space<vmem>> -> memref<1x96x32xi32, #tpu.memory_space<vmem>>
    %dma_start3A_188 = tpu.memref_squeeze %dma_start3A_187 : memref<1x96x32xi32, #tpu.memory_space<vmem>> -> memref<96x32xi32, #tpu.memory_space<vmem>>
    %dma_start3A_189 = arith.constant 104 : i32
    %dma_start3A_190 = tpu.memref_slice %arg5[%dma_start3A_183, %dma_start3A_189] : memref<128x256xi32, #tpu.memory_space<vmem>> -> memref<1x96xi32, #tpu.memory_space<vmem>>
    %dma_start3A_191 = tpu.memref_squeeze %dma_start3A_190 : memref<1x96xi32, #tpu.memory_space<vmem>> -> memref<96xi32, #tpu.memory_space<vmem>>
    %dma_start3A_192 = arith.constant 0 : i32
    %dma_start3A_193 = arith.constant 0 : i32
    %dma_start3A_194 = tpu.memref_slice %arg3[%dma_start3A_192, %dma_start3A_193] : memref<1024000x32xi32, #tpu.memory_space<hbm>> -> memref<1024000x32xi32, #tpu.memory_space<hbm>>
    tpu.enqueue_indirect_dma source(%dma_start3A_194 : memref<1024000x32xi32, #tpu.memory_space<hbm>>) target(%dma_start3A_188 : memref<96x32xi32, #tpu.memory_space<vmem>>) offsets(%dma_start3A_191 : memref<96xi32, #tpu.memory_space<vmem>>) semaphore(%arg15 : memref<!tpu.dma_semaphore, #tpu.memory_space<semaphore_mem>>)
    %scan3A = arith.constant 0 : i32
    %scan3A_195 = arith.constant 0 : i32
    %scan3A_196 = arith.constant 16 : i32
    %scan3A_197 = arith.addi %scan3A_195, %scan3A_196 : i32
    %scan3A_198 = arith.constant 1 : i32
    %scan3A_199 = scf.for %scan3A_201 = %scan3A_195 to %scan3A_197 step %scan3A_198 iter_args(%scan3A_202 = %scan3A) -> (i32)  : i32 {
      %mul3A_203 = arith.constant 8 : i32
      %mul3A_204 = arith.muli %scan3A_201, %mul3A_203 : i32
      %add3A_205 = arith.constant 0 : i32
      %add3A_206 = arith.addi %mul3A_204, %add3A_205 : i32
      %dma_wait3A = arith.constant 0 : i32
      %dma_wait3A_207 = arith.constant 0 : i32
      %dma_wait3A_208 = arith.constant 0 : i32
      %dma_wait3A_209 = tpu.memref_slice %arg6[%dma_wait3A, %dma_wait3A_207, %dma_wait3A_208] : memref<8x200x32xi32, #tpu.memory_space<vmem>> -> memref<1x104x32xi32, #tpu.memory_space<vmem>>
      %dma_wait3A_210 = tpu.memref_squeeze %dma_wait3A_209 : memref<1x104x32xi32, #tpu.memory_space<vmem>> -> memref<104x32xi32, #tpu.memory_space<vmem>>
      %dma_wait3A_211 = arith.constant 0 : i32
      %dma_wait3A_212 = tpu.memref_slice %arg5[%add3A_206, %dma_wait3A_211] : memref<128x256xi32, #tpu.memory_space<vmem>> -> memref<1x104xi32, #tpu.memory_space<vmem>>
      %dma_wait3A_213 = tpu.memref_squeeze %dma_wait3A_212 : memref<1x104xi32, #tpu.memory_space<vmem>> -> memref<104xi32, #tpu.memory_space<vmem>>
      %dma_wait3A_214 = arith.constant 0 : i32
      %dma_wait3A_215 = arith.constant 0 : i32
      %dma_wait3A_216 = tpu.memref_slice %arg3[%dma_wait3A_214, %dma_wait3A_215] : memref<1024000x32xi32, #tpu.memory_space<hbm>> -> memref<1024000x32xi32, #tpu.memory_space<hbm>>
      tpu.wait_indirect_dma semaphore(%arg8 : memref<!tpu.dma_semaphore, #tpu.memory_space<semaphore_mem>>) src(%dma_wait3A_216 : memref<1024000x32xi32, #tpu.memory_space<hbm>>) dst(%dma_wait3A_210 : memref<104x32xi32, #tpu.memory_space<vmem>>)
      %dma_wait3A_217 = arith.constant 0 : i32
      %dma_wait3A_218 = arith.constant 104 : i32
      %dma_wait3A_219 = arith.constant 0 : i32
      %dma_wait3A_220 = tpu.memref_slice %arg6[%dma_wait3A_217, %dma_wait3A_218, %dma_wait3A_219] : memref<8x200x32xi32, #tpu.memory_space<vmem>> -> memref<1x96x32xi32, #tpu.memory_space<vmem>>
      %dma_wait3A_221 = tpu.memref_squeeze %dma_wait3A_220 : memref<1x96x32xi32, #tpu.memory_space<vmem>> -> memref<96x32xi32, #tpu.memory_space<vmem>>
      %dma_wait3A_222 = arith.constant 104 : i32
      %dma_wait3A_223 = tpu.memref_slice %arg5[%add3A_206, %dma_wait3A_222] : memref<128x256xi32, #tpu.memory_space<vmem>> -> memref<1x96xi32, #tpu.memory_space<vmem>>
      %dma_wait3A_224 = tpu.memref_squeeze %dma_wait3A_223 : memref<1x96xi32, #tpu.memory_space<vmem>> -> memref<96xi32, #tpu.memory_space<vmem>>
      %dma_wait3A_225 = arith.constant 0 : i32
      %dma_wait3A_226 = arith.constant 0 : i32
      %dma_wait3A_227 = tpu.memref_slice %arg3[%dma_wait3A_225, %dma_wait3A_226] : memref<1024000x32xi32, #tpu.memory_space<hbm>> -> memref<1024000x32xi32, #tpu.memory_space<hbm>>
      tpu.wait_indirect_dma semaphore(%arg8 : memref<!tpu.dma_semaphore, #tpu.memory_space<semaphore_mem>>) src(%dma_wait3A_227 : memref<1024000x32xi32, #tpu.memory_space<hbm>>) dst(%dma_wait3A_221 : memref<96x32xi32, #tpu.memory_space<vmem>>)
      %broadcast_in_dim3A_228 = arith.constant 0.000000e+00 : f32
      %broadcast_in_dim3A_229 = vector.broadcast %broadcast_in_dim3A_228 : f32 to vector<16xf32>
      %parallel_loop3A = arith.constant 0 : i32
      %parallel_loop3A_230 = arith.constant 200 : i32
      %parallel_loop3A_231 = arith.constant 2 : i32
      %parallel_loop3A_232:8 = scf.for %parallel_loop3A_784 = %parallel_loop3A to %parallel_loop3A_230 step %parallel_loop3A_231 iter_args(%parallel_loop3A_785 = %broadcast_in_dim3A_229, %parallel_loop3A_786 = %broadcast_in_dim3A_229, %parallel_loop3A_787 = %broadcast_in_dim3A_229, %parallel_loop3A_788 = %broadcast_in_dim3A_229, %parallel_loop3A_789 = %broadcast_in_dim3A_229, %parallel_loop3A_790 = %broadcast_in_dim3A_229, %parallel_loop3A_791 = %broadcast_in_dim3A_229, %parallel_loop3A_792 = %broadcast_in_dim3A_229) -> (vector<16xf32>, vector<16xf32>, vector<16xf32>, vector<16xf32>, vector<16xf32>, vector<16xf32>, vector<16xf32>, vector<16xf32>)  : i32 {
        %parallel_loop3A_793 = arith.constant 0 : i32
        %parallel_loop3A_794 = arith.addi %parallel_loop3A_784, %parallel_loop3A_793 : i32
        %parallel_loop3A_795 = arith.constant 0 : i32
        %parallel_loop3A_796 = arith.index_cast %parallel_loop3A_795 : i32 to index
        %parallel_loop3A_797 = arith.index_cast %parallel_loop3A_794 : i32 to index
        %parallel_loop3A_798 = arith.constant 0 : index
        %parallel_loop3A_799 = tpu.vector_load %arg6[%parallel_loop3A_796, %parallel_loop3A_797, %parallel_loop3A_798] {strides = array<i32>} : memref<8x200x32xi32, #tpu.memory_space<vmem>>, vector<1x1x16xi32>,
        %parallel_loop3A_800 = vector.shape_cast %parallel_loop3A_799 : vector<1x1x16xi32> to vector<16xi32>
        %parallel_loop3A_801 = arith.constant 16 : i32
        %parallel_loop3A_802 = vector.broadcast %parallel_loop3A_801 : i32 to vector<16xi32>
        %parallel_loop3A_803 = arith.shli %parallel_loop3A_800, %parallel_loop3A_802 : vector<16xi32>
        %parallel_loop3A_804 = tpu.bitcast %parallel_loop3A_803 : vector<16xi32> -> vector<16xf32>
        %parallel_loop3A_805 = arith.andi %parallel_loop3A_800, %broadcast_in_dim3A_3 : vector<16xi32>
        %parallel_loop3A_806 = tpu.bitcast %parallel_loop3A_805 : vector<16xi32> -> vector<16xf32>
        %parallel_loop3A_807 = arith.addf %parallel_loop3A_785, %parallel_loop3A_804 : vector<16xf32>
        %parallel_loop3A_808 = arith.addf %parallel_loop3A_786, %parallel_loop3A_806 : vector<16xf32>
        %parallel_loop3A_809 = arith.constant 0 : i32
        %parallel_loop3A_810 = arith.addi %parallel_loop3A_784, %parallel_loop3A_809 : i32
        %parallel_loop3A_811 = arith.constant 0 : i32
        %parallel_loop3A_812 = arith.index_cast %parallel_loop3A_811 : i32 to index
        %parallel_loop3A_813 = arith.index_cast %parallel_loop3A_810 : i32 to index
        %parallel_loop3A_814 = arith.constant 16 : index
        %parallel_loop3A_815 = tpu.vector_load %arg6[%parallel_loop3A_812, %parallel_loop3A_813, %parallel_loop3A_814] {strides = array<i32>} : memref<8x200x32xi32, #tpu.memory_space<vmem>>, vector<1x1x16xi32>,
        %parallel_loop3A_816 = vector.shape_cast %parallel_loop3A_815 : vector<1x1x16xi32> to vector<16xi32>
        %parallel_loop3A_817 = arith.constant 16 : i32
        %parallel_loop3A_818 = vector.broadcast %parallel_loop3A_817 : i32 to vector<16xi32>
        %parallel_loop3A_819 = arith.shli %parallel_loop3A_816, %parallel_loop3A_818 : vector<16xi32>
        %parallel_loop3A_820 = tpu.bitcast %parallel_loop3A_819 : vector<16xi32> -> vector<16xf32>
        %parallel_loop3A_821 = arith.andi %parallel_loop3A_816, %broadcast_in_dim3A_3 : vector<16xi32>
        %parallel_loop3A_822 = tpu.bitcast %parallel_loop3A_821 : vector<16xi32> -> vector<16xf32>
        %parallel_loop3A_823 = arith.addf %parallel_loop3A_787, %parallel_loop3A_820 : vector<16xf32>
        %parallel_loop3A_824 = arith.addf %parallel_loop3A_788, %parallel_loop3A_822 : vector<16xf32>
        %parallel_loop3A_825 = arith.constant 1 : i32
        %parallel_loop3A_826 = arith.addi %parallel_loop3A_784, %parallel_loop3A_825 : i32
        %parallel_loop3A_827 = arith.constant 0 : i32
        %parallel_loop3A_828 = arith.index_cast %parallel_loop3A_827 : i32 to index
        %parallel_loop3A_829 = arith.index_cast %parallel_loop3A_826 : i32 to index
        %parallel_loop3A_830 = arith.constant 0 : index
        %parallel_loop3A_831 = tpu.vector_load %arg6[%parallel_loop3A_828, %parallel_loop3A_829, %parallel_loop3A_830] {strides = array<i32>} : memref<8x200x32xi32, #tpu.memory_space<vmem>>, vector<1x1x16xi32>,
        %parallel_loop3A_832 = vector.shape_cast %parallel_loop3A_831 : vector<1x1x16xi32> to vector<16xi32>
        %parallel_loop3A_833 = arith.constant 16 : i32
        %parallel_loop3A_834 = vector.broadcast %parallel_loop3A_833 : i32 to vector<16xi32>
        %parallel_loop3A_835 = arith.shli %parallel_loop3A_832, %parallel_loop3A_834 : vector<16xi32>
        %parallel_loop3A_836 = tpu.bitcast %parallel_loop3A_835 : vector<16xi32> -> vector<16xf32>
        %parallel_loop3A_837 = arith.andi %parallel_loop3A_832, %broadcast_in_dim3A_3 : vector<16xi32>
        %parallel_loop3A_838 = tpu.bitcast %parallel_loop3A_837 : vector<16xi32> -> vector<16xf32>
        %parallel_loop3A_839 = arith.addf %parallel_loop3A_789, %parallel_loop3A_836 : vector<16xf32>
        %parallel_loop3A_840 = arith.addf %parallel_loop3A_790, %parallel_loop3A_838 : vector<16xf32>
        %parallel_loop3A_841 = arith.constant 1 : i32
        %parallel_loop3A_842 = arith.addi %parallel_loop3A_784, %parallel_loop3A_841 : i32
        %parallel_loop3A_843 = arith.constant 0 : i32
        %parallel_loop3A_844 = arith.index_cast %parallel_loop3A_843 : i32 to index
        %parallel_loop3A_845 = arith.index_cast %parallel_loop3A_842 : i32 to index
        %parallel_loop3A_846 = arith.constant 16 : index
        %parallel_loop3A_847 = tpu.vector_load %arg6[%parallel_loop3A_844, %parallel_loop3A_845, %parallel_loop3A_846] {strides = array<i32>} : memref<8x200x32xi32, #tpu.memory_space<vmem>>, vector<1x1x16xi32>,
        %parallel_loop3A_848 = vector.shape_cast %parallel_loop3A_847 : vector<1x1x16xi32> to vector<16xi32>
        %parallel_loop3A_849 = arith.constant 16 : i32
        %parallel_loop3A_850 = vector.broadcast %parallel_loop3A_849 : i32 to vector<16xi32>
        %parallel_loop3A_851 = arith.shli %parallel_loop3A_848, %parallel_loop3A_850 : vector<16xi32>
        %parallel_loop3A_852 = tpu.bitcast %parallel_loop3A_851 : vector<16xi32> -> vector<16xf32>
        %parallel_loop3A_853 = arith.andi %parallel_loop3A_848, %broadcast_in_dim3A_3 : vector<16xi32>
        %parallel_loop3A_854 = tpu.bitcast %parallel_loop3A_853 : vector<16xi32> -> vector<16xf32>
        %parallel_loop3A_855 = arith.addf %parallel_loop3A_791, %parallel_loop3A_852 : vector<16xf32>
        %parallel_loop3A_856 = arith.addf %parallel_loop3A_792, %parallel_loop3A_854 : vector<16xf32>
        scf.yield %parallel_loop3A_807, %parallel_loop3A_808, %parallel_loop3A_823, %parallel_loop3A_824, %parallel_loop3A_839, %parallel_loop3A_840, %parallel_loop3A_855, %parallel_loop3A_856 : vector<16xf32>, vector<16xf32>, vector<16xf32>, vector<16xf32>, vector<16xf32>, vector<16xf32>, vector<16xf32>, vector<16xf32>
      } {sc.loop_unroll_factor = 4 : i64, sc.parallel_access}
      %add3A_233 = arith.addf %parallel_loop3A_232#0, %parallel_loop3A_232#4 : vector<16xf32>
      %mul3A_234 = arith.constant 5.000000e-03 : f32
      %mul3A_235 = vector.broadcast %mul3A_234 : f32 to vector<16xf32>
      %mul3A_236 = arith.mulf %add3A_233, %mul3A_235 : vector<16xf32>
      %swap3A = arith.index_cast %add3A_206 : i32 to index
      %swap3A_237 = arith.constant 0 : index
      %swap3A_238 = tpu.vector_load %arg7[%swap3A, %swap3A_237] {strides = array<i32>} : memref<128x128xf32, #tpu.memory_space<vmem>>, vector<1x16xf32>,
      %swap3A_239 = vector.shape_cast %swap3A_238 : vector<1x16xf32> to vector<16xf32>
      %swap3A_240 = vector.shape_cast %mul3A_236 : vector<16xf32> to vector<1x16xf32>
      tpu.vector_store %arg7[%swap3A, %swap3A_237], %swap3A_240 {strides = array<i32>} : memref<128x128xf32, #tpu.memory_space<vmem>>, vector<1x16xf32>,
      %add3A_241 = arith.addf %parallel_loop3A_232#1, %parallel_loop3A_232#5 : vector<16xf32>
      %mul3A_242 = arith.constant 5.000000e-03 : f32
      %mul3A_243 = vector.broadcast %mul3A_242 : f32 to vector<16xf32>
      %mul3A_244 = arith.mulf %add3A_241, %mul3A_243 : vector<16xf32>
      %swap3A_245 = arith.index_cast %add3A_206 : i32 to index
      %swap3A_246 = arith.constant 32 : index
      %swap3A_247 = tpu.vector_load %arg7[%swap3A_245, %swap3A_246] {strides = array<i32>} : memref<128x128xf32, #tpu.memory_space<vmem>>, vector<1x16xf32>,
      %swap3A_248 = vector.shape_cast %swap3A_247 : vector<1x16xf32> to vector<16xf32>
      %swap3A_249 = vector.shape_cast %mul3A_244 : vector<16xf32> to vector<1x16xf32>
      tpu.vector_store %arg7[%swap3A_245, %swap3A_246], %swap3A_249 {strides = array<i32>} : memref<128x128xf32, #tpu.memory_space<vmem>>, vector<1x16xf32>,
      %add3A_250 = arith.addf %parallel_loop3A_232#2, %parallel_loop3A_232#6 : vector<16xf32>
      %mul3A_251 = arith.constant 5.000000e-03 : f32
      %mul3A_252 = vector.broadcast %mul3A_251 : f32 to vector<16xf32>
      %mul3A_253 = arith.mulf %add3A_250, %mul3A_252 : vector<16xf32>
      %swap3A_254 = arith.index_cast %add3A_206 : i32 to index
      %swap3A_255 = arith.constant 16 : index
      %swap3A_256 = tpu.vector_load %arg7[%swap3A_254, %swap3A_255] {strides = array<i32>} : memref<128x128xf32, #tpu.memory_space<vmem>>, vector<1x16xf32>,
      %swap3A_257 = vector.shape_cast %swap3A_256 : vector<1x16xf32> to vector<16xf32>
      %swap3A_258 = vector.shape_cast %mul3A_253 : vector<16xf32> to vector<1x16xf32>
      tpu.vector_store %arg7[%swap3A_254, %swap3A_255], %swap3A_258 {strides = array<i32>} : memref<128x128xf32, #tpu.memory_space<vmem>>, vector<1x16xf32>,
      %add3A_259 = arith.addf %parallel_loop3A_232#3, %parallel_loop3A_232#7 : vector<16xf32>
      %mul3A_260 = arith.constant 5.000000e-03 : f32
      %mul3A_261 = vector.broadcast %mul3A_260 : f32 to vector<16xf32>
      %mul3A_262 = arith.mulf %add3A_259, %mul3A_261 : vector<16xf32>
      %swap3A_263 = arith.index_cast %add3A_206 : i32 to index
      %swap3A_264 = arith.constant 48 : index
      %swap3A_265 = tpu.vector_load %arg7[%swap3A_263, %swap3A_264] {strides = array<i32>} : memref<128x128xf32, #tpu.memory_space<vmem>>, vector<1x16xf32>,
      %swap3A_266 = vector.shape_cast %swap3A_265 : vector<1x16xf32> to vector<16xf32>
      %swap3A_267 = vector.shape_cast %mul3A_262 : vector<16xf32> to vector<1x16xf32>
      tpu.vector_store %arg7[%swap3A_263, %swap3A_264], %swap3A_267 {strides = array<i32>} : memref<128x128xf32, #tpu.memory_space<vmem>>, vector<1x16xf32>,
      %add3A_268 = arith.constant 8 : i32
      %add3A_269 = arith.addi %add3A_206, %add3A_268 : i32
      %lt3A = arith.constant 128 : i32
      %lt3A_270 = arith.cmpi slt, %add3A_269, %lt3A : i32
      %convert_element_type3A = arith.extui %lt3A_270 : i1 to i32
      %cond3A = arith.constant 0 : i32
      %cond3A_271 = arith.cmpi ne, %convert_element_type3A, %cond3A : i32
      scf.if %cond3A_271 {
        %add3A_784 = arith.constant 8 : i32
        %add3A_785 = arith.addi %add3A_206, %add3A_784 : i32
        %dma_start3A_786 = arith.constant 0 : i32
        %dma_start3A_787 = arith.constant 0 : i32
        %dma_start3A_788 = arith.constant 0 : i32
        %dma_start3A_789 = tpu.memref_slice %arg6[%dma_start3A_786, %dma_start3A_787, %dma_start3A_788] : memref<8x200x32xi32, #tpu.memory_space<vmem>> -> memref<1x104x32xi32, #tpu.memory_space<vmem>>
        %dma_start3A_790 = tpu.memref_squeeze %dma_start3A_789 : memref<1x104x32xi32, #tpu.memory_space<vmem>> -> memref<104x32xi32, #tpu.memory_space<vmem>>
        %dma_start3A_791 = arith.constant 0 : i32
        %dma_start3A_792 = tpu.memref_slice %arg5[%add3A_785, %dma_start3A_791] : memref<128x256xi32, #tpu.memory_space<vmem>> -> memref<1x104xi32, #tpu.memory_space<vmem>>
        %dma_start3A_793 = tpu.memref_squeeze %dma_start3A_792 : memref<1x104xi32, #tpu.memory_space<vmem>> -> memref<104xi32, #tpu.memory_space<vmem>>
        %dma_start3A_794 = arith.constant 0 : i32
        %dma_start3A_795 = arith.constant 0 : i32
        %dma_start3A_796 = tpu.memref_slice %arg3[%dma_start3A_794, %dma_start3A_795] : memref<1024000x32xi32, #tpu.memory_space<hbm>> -> memref<1024000x32xi32, #tpu.memory_space<hbm>>
        tpu.enqueue_indirect_dma source(%dma_start3A_796 : memref<1024000x32xi32, #tpu.memory_space<hbm>>) target(%dma_start3A_790 : memref<104x32xi32, #tpu.memory_space<vmem>>) offsets(%dma_start3A_793 : memref<104xi32, #tpu.memory_space<vmem>>) semaphore(%arg8 : memref<!tpu.dma_semaphore, #tpu.memory_space<semaphore_mem>>)
        %dma_start3A_797 = arith.constant 0 : i32
        %dma_start3A_798 = arith.constant 104 : i32
        %dma_start3A_799 = arith.constant 0 : i32
        %dma_start3A_800 = tpu.memref_slice %arg6[%dma_start3A_797, %dma_start3A_798, %dma_start3A_799] : memref<8x200x32xi32, #tpu.memory_space<vmem>> -> memref<1x96x32xi32, #tpu.memory_space<vmem>>
        %dma_start3A_801 = tpu.memref_squeeze %dma_start3A_800 : memref<1x96x32xi32, #tpu.memory_space<vmem>> -> memref<96x32xi32, #tpu.memory_space<vmem>>
        %dma_start3A_802 = arith.constant 104 : i32
        %dma_start3A_803 = tpu.memref_slice %arg5[%add3A_785, %dma_start3A_802] : memref<128x256xi32, #tpu.memory_space<vmem>> -> memref<1x96xi32, #tpu.memory_space<vmem>>
        %dma_start3A_804 = tpu.memref_squeeze %dma_start3A_803 : memref<1x96xi32, #tpu.memory_space<vmem>> -> memref<96xi32, #tpu.memory_space<vmem>>
        %dma_start3A_805 = arith.constant 0 : i32
        %dma_start3A_806 = arith.constant 0 : i32
        %dma_start3A_807 = tpu.memref_slice %arg3[%dma_start3A_805, %dma_start3A_806] : memref<1024000x32xi32, #tpu.memory_space<hbm>> -> memref<1024000x32xi32, #tpu.memory_space<hbm>>
        tpu.enqueue_indirect_dma source(%dma_start3A_807 : memref<1024000x32xi32, #tpu.memory_space<hbm>>) target(%dma_start3A_801 : memref<96x32xi32, #tpu.memory_space<vmem>>) offsets(%dma_start3A_804 : memref<96xi32, #tpu.memory_space<vmem>>) semaphore(%arg8 : memref<!tpu.dma_semaphore, #tpu.memory_space<semaphore_mem>>)
      } else {
      }
      %add3A_272 = arith.constant 1 : i32
      %add3A_273 = arith.addi %mul3A_204, %add3A_272 : i32
      %dma_wait3A_274 = arith.constant 1 : i32
      %dma_wait3A_275 = arith.constant 0 : i32
      %dma_wait3A_276 = arith.constant 0 : i32
      %dma_wait3A_277 = tpu.memref_slice %arg6[%dma_wait3A_274, %dma_wait3A_275, %dma_wait3A_276] : memref<8x200x32xi32, #tpu.memory_space<vmem>> -> memref<1x104x32xi32, #tpu.memory_space<vmem>>
      %dma_wait3A_278 = tpu.memref_squeeze %dma_wait3A_277 : memref<1x104x32xi32, #tpu.memory_space<vmem>> -> memref<104x32xi32, #tpu.memory_space<vmem>>
      %dma_wait3A_279 = arith.constant 0 : i32
      %dma_wait3A_280 = tpu.memref_slice %arg5[%add3A_273, %dma_wait3A_279] : memref<128x256xi32, #tpu.memory_space<vmem>> -> memref<1x104xi32, #tpu.memory_space<vmem>>
      %dma_wait3A_281 = tpu.memref_squeeze %dma_wait3A_280 : memref<1x104xi32, #tpu.memory_space<vmem>> -> memref<104xi32, #tpu.memory_space<vmem>>
      %dma_wait3A_282 = arith.constant 0 : i32
      %dma_wait3A_283 = arith.constant 0 : i32
      %dma_wait3A_284 = tpu.memref_slice %arg3[%dma_wait3A_282, %dma_wait3A_283] : memref<1024000x32xi32, #tpu.memory_space<hbm>> -> memref<1024000x32xi32, #tpu.memory_space<hbm>>
      tpu.wait_indirect_dma semaphore(%arg9 : memref<!tpu.dma_semaphore, #tpu.memory_space<semaphore_mem>>) src(%dma_wait3A_284 : memref<1024000x32xi32, #tpu.memory_space<hbm>>) dst(%dma_wait3A_278 : memref<104x32xi32, #tpu.memory_space<vmem>>)
      %dma_wait3A_285 = arith.constant 1 : i32
      %dma_wait3A_286 = arith.constant 104 : i32
      %dma_wait3A_287 = arith.constant 0 : i32
      %dma_wait3A_288 = tpu.memref_slice %arg6[%dma_wait3A_285, %dma_wait3A_286, %dma_wait3A_287] : memref<8x200x32xi32, #tpu.memory_space<vmem>> -> memref<1x96x32xi32, #tpu.memory_space<vmem>>
      %dma_wait3A_289 = tpu.memref_squeeze %dma_wait3A_288 : memref<1x96x32xi32, #tpu.memory_space<vmem>> -> memref<96x32xi32, #tpu.memory_space<vmem>>
      %dma_wait3A_290 = arith.constant 104 : i32
      %dma_wait3A_291 = tpu.memref_slice %arg5[%add3A_273, %dma_wait3A_290] : memref<128x256xi32, #tpu.memory_space<vmem>> -> memref<1x96xi32, #tpu.memory_space<vmem>>
      %dma_wait3A_292 = tpu.memref_squeeze %dma_wait3A_291 : memref<1x96xi32, #tpu.memory_space<vmem>> -> memref<96xi32, #tpu.memory_space<vmem>>
      %dma_wait3A_293 = arith.constant 0 : i32
      %dma_wait3A_294 = arith.constant 0 : i32
      %dma_wait3A_295 = tpu.memref_slice %arg3[%dma_wait3A_293, %dma_wait3A_294] : memref<1024000x32xi32, #tpu.memory_space<hbm>> -> memref<1024000x32xi32, #tpu.memory_space<hbm>>
      tpu.wait_indirect_dma semaphore(%arg9 : memref<!tpu.dma_semaphore, #tpu.memory_space<semaphore_mem>>) src(%dma_wait3A_295 : memref<1024000x32xi32, #tpu.memory_space<hbm>>) dst(%dma_wait3A_289 : memref<96x32xi32, #tpu.memory_space<vmem>>)
      %broadcast_in_dim3A_296 = arith.constant 0.000000e+00 : f32
      %broadcast_in_dim3A_297 = vector.broadcast %broadcast_in_dim3A_296 : f32 to vector<16xf32>
      %parallel_loop3A_298 = arith.constant 0 : i32
      %parallel_loop3A_299 = arith.constant 200 : i32
      %parallel_loop3A_300 = arith.constant 2 : i32
      %parallel_loop3A_301:8 = scf.for %parallel_loop3A_784 = %parallel_loop3A_298 to %parallel_loop3A_299 step %parallel_loop3A_300 iter_args(%parallel_loop3A_785 = %broadcast_in_dim3A_297, %parallel_loop3A_786 = %broadcast_in_dim3A_297, %parallel_loop3A_787 = %broadcast_in_dim3A_297, %parallel_loop3A_788 = %broadcast_in_dim3A_297, %parallel_loop3A_789 = %broadcast_in_dim3A_297, %parallel_loop3A_790 = %broadcast_in_dim3A_297, %parallel_loop3A_791 = %broadcast_in_dim3A_297, %parallel_loop3A_792 = %broadcast_in_dim3A_297) -> (vector<16xf32>, vector<16xf32>, vector<16xf32>, vector<16xf32>, vector<16xf32>, vector<16xf32>, vector<16xf32>, vector<16xf32>)  : i32 {
        %parallel_loop3A_793 = arith.constant 0 : i32
        %parallel_loop3A_794 = arith.addi %parallel_loop3A_784, %parallel_loop3A_793 : i32
        %parallel_loop3A_795 = arith.constant 1 : i32
        %parallel_loop3A_796 = arith.index_cast %parallel_loop3A_795 : i32 to index
        %parallel_loop3A_797 = arith.index_cast %parallel_loop3A_794 : i32 to index
        %parallel_loop3A_798 = arith.constant 0 : index
        %parallel_loop3A_799 = tpu.vector_load %arg6[%parallel_loop3A_796, %parallel_loop3A_797, %parallel_loop3A_798] {strides = array<i32>} : memref<8x200x32xi32, #tpu.memory_space<vmem>>, vector<1x1x16xi32>,
        %parallel_loop3A_800 = vector.shape_cast %parallel_loop3A_799 : vector<1x1x16xi32> to vector<16xi32>
        %parallel_loop3A_801 = arith.constant 16 : i32
        %parallel_loop3A_802 = vector.broadcast %parallel_loop3A_801 : i32 to vector<16xi32>
        %parallel_loop3A_803 = arith.shli %parallel_loop3A_800, %parallel_loop3A_802 : vector<16xi32>
        %parallel_loop3A_804 = tpu.bitcast %parallel_loop3A_803 : vector<16xi32> -> vector<16xf32>
        %parallel_loop3A_805 = arith.andi %parallel_loop3A_800, %broadcast_in_dim3A_3 : vector<16xi32>
        %parallel_loop3A_806 = tpu.bitcast %parallel_loop3A_805 : vector<16xi32> -> vector<16xf32>
        %parallel_loop3A_807 = arith.addf %parallel_loop3A_785, %parallel_loop3A_804 : vector<16xf32>
        %parallel_loop3A_808 = arith.addf %parallel_loop3A_786, %parallel_loop3A_806 : vector<16xf32>
        %parallel_loop3A_809 = arith.constant 0 : i32
        %parallel_loop3A_810 = arith.addi %parallel_loop3A_784, %parallel_loop3A_809 : i32
        %parallel_loop3A_811 = arith.constant 1 : i32
        %parallel_loop3A_812 = arith.index_cast %parallel_loop3A_811 : i32 to index
        %parallel_loop3A_813 = arith.index_cast %parallel_loop3A_810 : i32 to index
        %parallel_loop3A_814 = arith.constant 16 : index
        %parallel_loop3A_815 = tpu.vector_load %arg6[%parallel_loop3A_812, %parallel_loop3A_813, %parallel_loop3A_814] {strides = array<i32>} : memref<8x200x32xi32, #tpu.memory_space<vmem>>, vector<1x1x16xi32>,
        %parallel_loop3A_816 = vector.shape_cast %parallel_loop3A_815 : vector<1x1x16xi32> to vector<16xi32>
        %parallel_loop3A_817 = arith.constant 16 : i32
        %parallel_loop3A_818 = vector.broadcast %parallel_loop3A_817 : i32 to vector<16xi32>
        %parallel_loop3A_819 = arith.shli %parallel_loop3A_816, %parallel_loop3A_818 : vector<16xi32>
        %parallel_loop3A_820 = tpu.bitcast %parallel_loop3A_819 : vector<16xi32> -> vector<16xf32>
        %parallel_loop3A_821 = arith.andi %parallel_loop3A_816, %broadcast_in_dim3A_3 : vector<16xi32>
        %parallel_loop3A_822 = tpu.bitcast %parallel_loop3A_821 : vector<16xi32> -> vector<16xf32>
        %parallel_loop3A_823 = arith.addf %parallel_loop3A_787, %parallel_loop3A_820 : vector<16xf32>
        %parallel_loop3A_824 = arith.addf %parallel_loop3A_788, %parallel_loop3A_822 : vector<16xf32>
        %parallel_loop3A_825 = arith.constant 1 : i32
        %parallel_loop3A_826 = arith.addi %parallel_loop3A_784, %parallel_loop3A_825 : i32
        %parallel_loop3A_827 = arith.constant 1 : i32
        %parallel_loop3A_828 = arith.index_cast %parallel_loop3A_827 : i32 to index
        %parallel_loop3A_829 = arith.index_cast %parallel_loop3A_826 : i32 to index
        %parallel_loop3A_830 = arith.constant 0 : index
        %parallel_loop3A_831 = tpu.vector_load %arg6[%parallel_loop3A_828, %parallel_loop3A_829, %parallel_loop3A_830] {strides = array<i32>} : memref<8x200x32xi32, #tpu.memory_space<vmem>>, vector<1x1x16xi32>,
        %parallel_loop3A_832 = vector.shape_cast %parallel_loop3A_831 : vector<1x1x16xi32> to vector<16xi32>
        %parallel_loop3A_833 = arith.constant 16 : i32
        %parallel_loop3A_834 = vector.broadcast %parallel_loop3A_833 : i32 to vector<16xi32>
        %parallel_loop3A_835 = arith.shli %parallel_loop3A_832, %parallel_loop3A_834 : vector<16xi32>
        %parallel_loop3A_836 = tpu.bitcast %parallel_loop3A_835 : vector<16xi32> -> vector<16xf32>
        %parallel_loop3A_837 = arith.andi %parallel_loop3A_832, %broadcast_in_dim3A_3 : vector<16xi32>
        %parallel_loop3A_838 = tpu.bitcast %parallel_loop3A_837 : vector<16xi32> -> vector<16xf32>
        %parallel_loop3A_839 = arith.addf %parallel_loop3A_789, %parallel_loop3A_836 : vector<16xf32>
        %parallel_loop3A_840 = arith.addf %parallel_loop3A_790, %parallel_loop3A_838 : vector<16xf32>
        %parallel_loop3A_841 = arith.constant 1 : i32
        %parallel_loop3A_842 = arith.addi %parallel_loop3A_784, %parallel_loop3A_841 : i32
        %parallel_loop3A_843 = arith.constant 1 : i32
        %parallel_loop3A_844 = arith.index_cast %parallel_loop3A_843 : i32 to index
        %parallel_loop3A_845 = arith.index_cast %parallel_loop3A_842 : i32 to index
        %parallel_loop3A_846 = arith.constant 16 : index
        %parallel_loop3A_847 = tpu.vector_load %arg6[%parallel_loop3A_844, %parallel_loop3A_845, %parallel_loop3A_846] {strides = array<i32>} : memref<8x200x32xi32, #tpu.memory_space<vmem>>, vector<1x1x16xi32>,
        %parallel_loop3A_848 = vector.shape_cast %parallel_loop3A_847 : vector<1x1x16xi32> to vector<16xi32>
        %parallel_loop3A_849 = arith.constant 16 : i32
        %parallel_loop3A_850 = vector.broadcast %parallel_loop3A_849 : i32 to vector<16xi32>
        %parallel_loop3A_851 = arith.shli %parallel_loop3A_848, %parallel_loop3A_850 : vector<16xi32>
        %parallel_loop3A_852 = tpu.bitcast %parallel_loop3A_851 : vector<16xi32> -> vector<16xf32>
        %parallel_loop3A_853 = arith.andi %parallel_loop3A_848, %broadcast_in_dim3A_3 : vector<16xi32>
        %parallel_loop3A_854 = tpu.bitcast %parallel_loop3A_853 : vector<16xi32> -> vector<16xf32>
        %parallel_loop3A_855 = arith.addf %parallel_loop3A_791, %parallel_loop3A_852 : vector<16xf32>
        %parallel_loop3A_856 = arith.addf %parallel_loop3A_792, %parallel_loop3A_854 : vector<16xf32>
        scf.yield %parallel_loop3A_807, %parallel_loop3A_808, %parallel_loop3A_823, %parallel_loop3A_824, %parallel_loop3A_839, %parallel_loop3A_840, %parallel_loop3A_855, %parallel_loop3A_856 : vector<16xf32>, vector<16xf32>, vector<16xf32>, vector<16xf32>, vector<16xf32>, vector<16xf32>, vector<16xf32>, vector<16xf32>
      } {sc.loop_unroll_factor = 4 : i64, sc.parallel_access}
      %add3A_302 = arith.addf %parallel_loop3A_301#0, %parallel_loop3A_301#4 : vector<16xf32>
      %mul3A_303 = arith.constant 5.000000e-03 : f32
      %mul3A_304 = vector.broadcast %mul3A_303 : f32 to vector<16xf32>
      %mul3A_305 = arith.mulf %add3A_302, %mul3A_304 : vector<16xf32>
      %swap3A_306 = arith.index_cast %add3A_273 : i32 to index
      %swap3A_307 = arith.constant 0 : index
      %swap3A_308 = tpu.vector_load %arg7[%swap3A_306, %swap3A_307] {strides = array<i32>} : memref<128x128xf32, #tpu.memory_space<vmem>>, vector<1x16xf32>,
      %swap3A_309 = vector.shape_cast %swap3A_308 : vector<1x16xf32> to vector<16xf32>
      %swap3A_310 = vector.shape_cast %mul3A_305 : vector<16xf32> to vector<1x16xf32>
      tpu.vector_store %arg7[%swap3A_306, %swap3A_307], %swap3A_310 {strides = array<i32>} : memref<128x128xf32, #tpu.memory_space<vmem>>, vector<1x16xf32>,
      %add3A_311 = arith.addf %parallel_loop3A_301#1, %parallel_loop3A_301#5 : vector<16xf32>
      %mul3A_312 = arith.constant 5.000000e-03 : f32
      %mul3A_313 = vector.broadcast %mul3A_312 : f32 to vector<16xf32>
      %mul3A_314 = arith.mulf %add3A_311, %mul3A_313 : vector<16xf32>
      %swap3A_315 = arith.index_cast %add3A_273 : i32 to index
      %swap3A_316 = arith.constant 32 : index
      %swap3A_317 = tpu.vector_load %arg7[%swap3A_315, %swap3A_316] {strides = array<i32>} : memref<128x128xf32, #tpu.memory_space<vmem>>, vector<1x16xf32>,
      %swap3A_318 = vector.shape_cast %swap3A_317 : vector<1x16xf32> to vector<16xf32>
      %swap3A_319 = vector.shape_cast %mul3A_314 : vector<16xf32> to vector<1x16xf32>
      tpu.vector_store %arg7[%swap3A_315, %swap3A_316], %swap3A_319 {strides = array<i32>} : memref<128x128xf32, #tpu.memory_space<vmem>>, vector<1x16xf32>,
      %add3A_320 = arith.addf %parallel_loop3A_301#2, %parallel_loop3A_301#6 : vector<16xf32>
      %mul3A_321 = arith.constant 5.000000e-03 : f32
      %mul3A_322 = vector.broadcast %mul3A_321 : f32 to vector<16xf32>
      %mul3A_323 = arith.mulf %add3A_320, %mul3A_322 : vector<16xf32>
      %swap3A_324 = arith.index_cast %add3A_273 : i32 to index
      %swap3A_325 = arith.constant 16 : index
      %swap3A_326 = tpu.vector_load %arg7[%swap3A_324, %swap3A_325] {strides = array<i32>} : memref<128x128xf32, #tpu.memory_space<vmem>>, vector<1x16xf32>,
      %swap3A_327 = vector.shape_cast %swap3A_326 : vector<1x16xf32> to vector<16xf32>
      %swap3A_328 = vector.shape_cast %mul3A_323 : vector<16xf32> to vector<1x16xf32>
      tpu.vector_store %arg7[%swap3A_324, %swap3A_325], %swap3A_328 {strides = array<i32>} : memref<128x128xf32, #tpu.memory_space<vmem>>, vector<1x16xf32>,
      %add3A_329 = arith.addf %parallel_loop3A_301#3, %parallel_loop3A_301#7 : vector<16xf32>
      %mul3A_330 = arith.constant 5.000000e-03 : f32
      %mul3A_331 = vector.broadcast %mul3A_330 : f32 to vector<16xf32>
      %mul3A_332 = arith.mulf %add3A_329, %mul3A_331 : vector<16xf32>
      %swap3A_333 = arith.index_cast %add3A_273 : i32 to index
      %swap3A_334 = arith.constant 48 : index
      %swap3A_335 = tpu.vector_load %arg7[%swap3A_333, %swap3A_334] {strides = array<i32>} : memref<128x128xf32, #tpu.memory_space<vmem>>, vector<1x16xf32>,
      %swap3A_336 = vector.shape_cast %swap3A_335 : vector<1x16xf32> to vector<16xf32>
      %swap3A_337 = vector.shape_cast %mul3A_332 : vector<16xf32> to vector<1x16xf32>
      tpu.vector_store %arg7[%swap3A_333, %swap3A_334], %swap3A_337 {strides = array<i32>} : memref<128x128xf32, #tpu.memory_space<vmem>>, vector<1x16xf32>,
      %add3A_338 = arith.constant 8 : i32
      %add3A_339 = arith.addi %add3A_273, %add3A_338 : i32
      %lt3A_340 = arith.constant 128 : i32
      %lt3A_341 = arith.cmpi slt, %add3A_339, %lt3A_340 : i32
      %convert_element_type3A_342 = arith.extui %lt3A_341 : i1 to i32
      %cond3A_343 = arith.constant 0 : i32
      %cond3A_344 = arith.cmpi ne, %convert_element_type3A_342, %cond3A_343 : i32
      scf.if %cond3A_344 {
        %add3A_784 = arith.constant 8 : i32
        %add3A_785 = arith.addi %add3A_273, %add3A_784 : i32
        %dma_start3A_786 = arith.constant 1 : i32
        %dma_start3A_787 = arith.constant 0 : i32
        %dma_start3A_788 = arith.constant 0 : i32
        %dma_start3A_789 = tpu.memref_slice %arg6[%dma_start3A_786, %dma_start3A_787, %dma_start3A_788] : memref<8x200x32xi32, #tpu.memory_space<vmem>> -> memref<1x104x32xi32, #tpu.memory_space<vmem>>
        %dma_start3A_790 = tpu.memref_squeeze %dma_start3A_789 : memref<1x104x32xi32, #tpu.memory_space<vmem>> -> memref<104x32xi32, #tpu.memory_space<vmem>>
        %dma_start3A_791 = arith.constant 0 : i32
        %dma_start3A_792 = tpu.memref_slice %arg5[%add3A_785, %dma_start3A_791] : memref<128x256xi32, #tpu.memory_space<vmem>> -> memref<1x104xi32, #tpu.memory_space<vmem>>
        %dma_start3A_793 = tpu.memref_squeeze %dma_start3A_792 : memref<1x104xi32, #tpu.memory_space<vmem>> -> memref<104xi32, #tpu.memory_space<vmem>>
        %dma_start3A_794 = arith.constant 0 : i32
        %dma_start3A_795 = arith.constant 0 : i32
        %dma_start3A_796 = tpu.memref_slice %arg3[%dma_start3A_794, %dma_start3A_795] : memref<1024000x32xi32, #tpu.memory_space<hbm>> -> memref<1024000x32xi32, #tpu.memory_space<hbm>>
        tpu.enqueue_indirect_dma source(%dma_start3A_796 : memref<1024000x32xi32, #tpu.memory_space<hbm>>) target(%dma_start3A_790 : memref<104x32xi32, #tpu.memory_space<vmem>>) offsets(%dma_start3A_793 : memref<104xi32, #tpu.memory_space<vmem>>) semaphore(%arg9 : memref<!tpu.dma_semaphore, #tpu.memory_space<semaphore_mem>>)
        %dma_start3A_797 = arith.constant 1 : i32
        %dma_start3A_798 = arith.constant 104 : i32
        %dma_start3A_799 = arith.constant 0 : i32
        %dma_start3A_800 = tpu.memref_slice %arg6[%dma_start3A_797, %dma_start3A_798, %dma_start3A_799] : memref<8x200x32xi32, #tpu.memory_space<vmem>> -> memref<1x96x32xi32, #tpu.memory_space<vmem>>
        %dma_start3A_801 = tpu.memref_squeeze %dma_start3A_800 : memref<1x96x32xi32, #tpu.memory_space<vmem>> -> memref<96x32xi32, #tpu.memory_space<vmem>>
        %dma_start3A_802 = arith.constant 104 : i32
        %dma_start3A_803 = tpu.memref_slice %arg5[%add3A_785, %dma_start3A_802] : memref<128x256xi32, #tpu.memory_space<vmem>> -> memref<1x96xi32, #tpu.memory_space<vmem>>
        %dma_start3A_804 = tpu.memref_squeeze %dma_start3A_803 : memref<1x96xi32, #tpu.memory_space<vmem>> -> memref<96xi32, #tpu.memory_space<vmem>>
        %dma_start3A_805 = arith.constant 0 : i32
        %dma_start3A_806 = arith.constant 0 : i32
        %dma_start3A_807 = tpu.memref_slice %arg3[%dma_start3A_805, %dma_start3A_806] : memref<1024000x32xi32, #tpu.memory_space<hbm>> -> memref<1024000x32xi32, #tpu.memory_space<hbm>>
        tpu.enqueue_indirect_dma source(%dma_start3A_807 : memref<1024000x32xi32, #tpu.memory_space<hbm>>) target(%dma_start3A_801 : memref<96x32xi32, #tpu.memory_space<vmem>>) offsets(%dma_start3A_804 : memref<96xi32, #tpu.memory_space<vmem>>) semaphore(%arg9 : memref<!tpu.dma_semaphore, #tpu.memory_space<semaphore_mem>>)
      } else {
      }
      %add3A_345 = arith.constant 2 : i32
      %add3A_346 = arith.addi %mul3A_204, %add3A_345 : i32
      %dma_wait3A_347 = arith.constant 2 : i32
      %dma_wait3A_348 = arith.constant 0 : i32
      %dma_wait3A_349 = arith.constant 0 : i32
      %dma_wait3A_350 = tpu.memref_slice %arg6[%dma_wait3A_347, %dma_wait3A_348, %dma_wait3A_349] : memref<8x200x32xi32, #tpu.memory_space<vmem>> -> memref<1x104x32xi32, #tpu.memory_space<vmem>>
      %dma_wait3A_351 = tpu.memref_squeeze %dma_wait3A_350 : memref<1x104x32xi32, #tpu.memory_space<vmem>> -> memref<104x32xi32, #tpu.memory_space<vmem>>
      %dma_wait3A_352 = arith.constant 0 : i32
      %dma_wait3A_353 = tpu.memref_slice %arg5[%add3A_346, %dma_wait3A_352] : memref<128x256xi32, #tpu.memory_space<vmem>> -> memref<1x104xi32, #tpu.memory_space<vmem>>
      %dma_wait3A_354 = tpu.memref_squeeze %dma_wait3A_353 : memref<1x104xi32, #tpu.memory_space<vmem>> -> memref<104xi32, #tpu.memory_space<vmem>>
      %dma_wait3A_355 = arith.constant 0 : i32
      %dma_wait3A_356 = arith.constant 0 : i32
      %dma_wait3A_357 = tpu.memref_slice %arg3[%dma_wait3A_355, %dma_wait3A_356] : memref<1024000x32xi32, #tpu.memory_space<hbm>> -> memref<1024000x32xi32, #tpu.memory_space<hbm>>
      tpu.wait_indirect_dma semaphore(%arg10 : memref<!tpu.dma_semaphore, #tpu.memory_space<semaphore_mem>>) src(%dma_wait3A_357 : memref<1024000x32xi32, #tpu.memory_space<hbm>>) dst(%dma_wait3A_351 : memref<104x32xi32, #tpu.memory_space<vmem>>)
      %dma_wait3A_358 = arith.constant 2 : i32
      %dma_wait3A_359 = arith.constant 104 : i32
      %dma_wait3A_360 = arith.constant 0 : i32
      %dma_wait3A_361 = tpu.memref_slice %arg6[%dma_wait3A_358, %dma_wait3A_359, %dma_wait3A_360] : memref<8x200x32xi32, #tpu.memory_space<vmem>> -> memref<1x96x32xi32, #tpu.memory_space<vmem>>
      %dma_wait3A_362 = tpu.memref_squeeze %dma_wait3A_361 : memref<1x96x32xi32, #tpu.memory_space<vmem>> -> memref<96x32xi32, #tpu.memory_space<vmem>>
      %dma_wait3A_363 = arith.constant 104 : i32
      %dma_wait3A_364 = tpu.memref_slice %arg5[%add3A_346, %dma_wait3A_363] : memref<128x256xi32, #tpu.memory_space<vmem>> -> memref<1x96xi32, #tpu.memory_space<vmem>>
      %dma_wait3A_365 = tpu.memref_squeeze %dma_wait3A_364 : memref<1x96xi32, #tpu.memory_space<vmem>> -> memref<96xi32, #tpu.memory_space<vmem>>
      %dma_wait3A_366 = arith.constant 0 : i32
      %dma_wait3A_367 = arith.constant 0 : i32
      %dma_wait3A_368 = tpu.memref_slice %arg3[%dma_wait3A_366, %dma_wait3A_367] : memref<1024000x32xi32, #tpu.memory_space<hbm>> -> memref<1024000x32xi32, #tpu.memory_space<hbm>>
      tpu.wait_indirect_dma semaphore(%arg10 : memref<!tpu.dma_semaphore, #tpu.memory_space<semaphore_mem>>) src(%dma_wait3A_368 : memref<1024000x32xi32, #tpu.memory_space<hbm>>) dst(%dma_wait3A_362 : memref<96x32xi32, #tpu.memory_space<vmem>>)
      %broadcast_in_dim3A_369 = arith.constant 0.000000e+00 : f32
      %broadcast_in_dim3A_370 = vector.broadcast %broadcast_in_dim3A_369 : f32 to vector<16xf32>
      %parallel_loop3A_371 = arith.constant 0 : i32
      %parallel_loop3A_372 = arith.constant 200 : i32
      %parallel_loop3A_373 = arith.constant 2 : i32
      %parallel_loop3A_374:8 = scf.for %parallel_loop3A_784 = %parallel_loop3A_371 to %parallel_loop3A_372 step %parallel_loop3A_373 iter_args(%parallel_loop3A_785 = %broadcast_in_dim3A_370, %parallel_loop3A_786 = %broadcast_in_dim3A_370, %parallel_loop3A_787 = %broadcast_in_dim3A_370, %parallel_loop3A_788 = %broadcast_in_dim3A_370, %parallel_loop3A_789 = %broadcast_in_dim3A_370, %parallel_loop3A_790 = %broadcast_in_dim3A_370, %parallel_loop3A_791 = %broadcast_in_dim3A_370, %parallel_loop3A_792 = %broadcast_in_dim3A_370) -> (vector<16xf32>, vector<16xf32>, vector<16xf32>, vector<16xf32>, vector<16xf32>, vector<16xf32>, vector<16xf32>, vector<16xf32>)  : i32 {
        %parallel_loop3A_793 = arith.constant 0 : i32
        %parallel_loop3A_794 = arith.addi %parallel_loop3A_784, %parallel_loop3A_793 : i32
        %parallel_loop3A_795 = arith.constant 2 : i32
        %parallel_loop3A_796 = arith.index_cast %parallel_loop3A_795 : i32 to index
        %parallel_loop3A_797 = arith.index_cast %parallel_loop3A_794 : i32 to index
        %parallel_loop3A_798 = arith.constant 0 : index
        %parallel_loop3A_799 = tpu.vector_load %arg6[%parallel_loop3A_796, %parallel_loop3A_797, %parallel_loop3A_798] {strides = array<i32>} : memref<8x200x32xi32, #tpu.memory_space<vmem>>, vector<1x1x16xi32>,
        %parallel_loop3A_800 = vector.shape_cast %parallel_loop3A_799 : vector<1x1x16xi32> to vector<16xi32>
        %parallel_loop3A_801 = arith.constant 16 : i32
        %parallel_loop3A_802 = vector.broadcast %parallel_loop3A_801 : i32 to vector<16xi32>
        %parallel_loop3A_803 = arith.shli %parallel_loop3A_800, %parallel_loop3A_802 : vector<16xi32>
        %parallel_loop3A_804 = tpu.bitcast %parallel_loop3A_803 : vector<16xi32> -> vector<16xf32>
        %parallel_loop3A_805 = arith.andi %parallel_loop3A_800, %broadcast_in_dim3A_3 : vector<16xi32>
        %parallel_loop3A_806 = tpu.bitcast %parallel_loop3A_805 : vector<16xi32> -> vector<16xf32>
        %parallel_loop3A_807 = arith.addf %parallel_loop3A_785, %parallel_loop3A_804 : vector<16xf32>
        %parallel_loop3A_808 = arith.addf %parallel_loop3A_786, %parallel_loop3A_806 : vector<16xf32>
        %parallel_loop3A_809 = arith.constant 0 : i32
        %parallel_loop3A_810 = arith.addi %parallel_loop3A_784, %parallel_loop3A_809 : i32
        %parallel_loop3A_811 = arith.constant 2 : i32
        %parallel_loop3A_812 = arith.index_cast %parallel_loop3A_811 : i32 to index
        %parallel_loop3A_813 = arith.index_cast %parallel_loop3A_810 : i32 to index
        %parallel_loop3A_814 = arith.constant 16 : index
        %parallel_loop3A_815 = tpu.vector_load %arg6[%parallel_loop3A_812, %parallel_loop3A_813, %parallel_loop3A_814] {strides = array<i32>} : memref<8x200x32xi32, #tpu.memory_space<vmem>>, vector<1x1x16xi32>,
        %parallel_loop3A_816 = vector.shape_cast %parallel_loop3A_815 : vector<1x1x16xi32> to vector<16xi32>
        %parallel_loop3A_817 = arith.constant 16 : i32
        %parallel_loop3A_818 = vector.broadcast %parallel_loop3A_817 : i32 to vector<16xi32>
        %parallel_loop3A_819 = arith.shli %parallel_loop3A_816, %parallel_loop3A_818 : vector<16xi32>
        %parallel_loop3A_820 = tpu.bitcast %parallel_loop3A_819 : vector<16xi32> -> vector<16xf32>
        %parallel_loop3A_821 = arith.andi %parallel_loop3A_816, %broadcast_in_dim3A_3 : vector<16xi32>
        %parallel_loop3A_822 = tpu.bitcast %parallel_loop3A_821 : vector<16xi32> -> vector<16xf32>
        %parallel_loop3A_823 = arith.addf %parallel_loop3A_787, %parallel_loop3A_820 : vector<16xf32>
        %parallel_loop3A_824 = arith.addf %parallel_loop3A_788, %parallel_loop3A_822 : vector<16xf32>
        %parallel_loop3A_825 = arith.constant 1 : i32
        %parallel_loop3A_826 = arith.addi %parallel_loop3A_784, %parallel_loop3A_825 : i32
        %parallel_loop3A_827 = arith.constant 2 : i32
        %parallel_loop3A_828 = arith.index_cast %parallel_loop3A_827 : i32 to index
        %parallel_loop3A_829 = arith.index_cast %parallel_loop3A_826 : i32 to index
        %parallel_loop3A_830 = arith.constant 0 : index
        %parallel_loop3A_831 = tpu.vector_load %arg6[%parallel_loop3A_828, %parallel_loop3A_829, %parallel_loop3A_830] {strides = array<i32>} : memref<8x200x32xi32, #tpu.memory_space<vmem>>, vector<1x1x16xi32>,
        %parallel_loop3A_832 = vector.shape_cast %parallel_loop3A_831 : vector<1x1x16xi32> to vector<16xi32>
        %parallel_loop3A_833 = arith.constant 16 : i32
        %parallel_loop3A_834 = vector.broadcast %parallel_loop3A_833 : i32 to vector<16xi32>
        %parallel_loop3A_835 = arith.shli %parallel_loop3A_832, %parallel_loop3A_834 : vector<16xi32>
        %parallel_loop3A_836 = tpu.bitcast %parallel_loop3A_835 : vector<16xi32> -> vector<16xf32>
        %parallel_loop3A_837 = arith.andi %parallel_loop3A_832, %broadcast_in_dim3A_3 : vector<16xi32>
        %parallel_loop3A_838 = tpu.bitcast %parallel_loop3A_837 : vector<16xi32> -> vector<16xf32>
        %parallel_loop3A_839 = arith.addf %parallel_loop3A_789, %parallel_loop3A_836 : vector<16xf32>
        %parallel_loop3A_840 = arith.addf %parallel_loop3A_790, %parallel_loop3A_838 : vector<16xf32>
        %parallel_loop3A_841 = arith.constant 1 : i32
        %parallel_loop3A_842 = arith.addi %parallel_loop3A_784, %parallel_loop3A_841 : i32
        %parallel_loop3A_843 = arith.constant 2 : i32
        %parallel_loop3A_844 = arith.index_cast %parallel_loop3A_843 : i32 to index
        %parallel_loop3A_845 = arith.index_cast %parallel_loop3A_842 : i32 to index
        %parallel_loop3A_846 = arith.constant 16 : index
        %parallel_loop3A_847 = tpu.vector_load %arg6[%parallel_loop3A_844, %parallel_loop3A_845, %parallel_loop3A_846] {strides = array<i32>} : memref<8x200x32xi32, #tpu.memory_space<vmem>>, vector<1x1x16xi32>,
        %parallel_loop3A_848 = vector.shape_cast %parallel_loop3A_847 : vector<1x1x16xi32> to vector<16xi32>
        %parallel_loop3A_849 = arith.constant 16 : i32
        %parallel_loop3A_850 = vector.broadcast %parallel_loop3A_849 : i32 to vector<16xi32>
        %parallel_loop3A_851 = arith.shli %parallel_loop3A_848, %parallel_loop3A_850 : vector<16xi32>
        %parallel_loop3A_852 = tpu.bitcast %parallel_loop3A_851 : vector<16xi32> -> vector<16xf32>
        %parallel_loop3A_853 = arith.andi %parallel_loop3A_848, %broadcast_in_dim3A_3 : vector<16xi32>
        %parallel_loop3A_854 = tpu.bitcast %parallel_loop3A_853 : vector<16xi32> -> vector<16xf32>
        %parallel_loop3A_855 = arith.addf %parallel_loop3A_791, %parallel_loop3A_852 : vector<16xf32>
        %parallel_loop3A_856 = arith.addf %parallel_loop3A_792, %parallel_loop3A_854 : vector<16xf32>
        scf.yield %parallel_loop3A_807, %parallel_loop3A_808, %parallel_loop3A_823, %parallel_loop3A_824, %parallel_loop3A_839, %parallel_loop3A_840, %parallel_loop3A_855, %parallel_loop3A_856 : vector<16xf32>, vector<16xf32>, vector<16xf32>, vector<16xf32>, vector<16xf32>, vector<16xf32>, vector<16xf32>, vector<16xf32>
      } {sc.loop_unroll_factor = 4 : i64, sc.parallel_access}
      %add3A_375 = arith.addf %parallel_loop3A_374#0, %parallel_loop3A_374#4 : vector<16xf32>
      %mul3A_376 = arith.constant 5.000000e-03 : f32
      %mul3A_377 = vector.broadcast %mul3A_376 : f32 to vector<16xf32>
      %mul3A_378 = arith.mulf %add3A_375, %mul3A_377 : vector<16xf32>
      %swap3A_379 = arith.index_cast %add3A_346 : i32 to index
      %swap3A_380 = arith.constant 0 : index
      %swap3A_381 = tpu.vector_load %arg7[%swap3A_379, %swap3A_380] {strides = array<i32>} : memref<128x128xf32, #tpu.memory_space<vmem>>, vector<1x16xf32>,
      %swap3A_382 = vector.shape_cast %swap3A_381 : vector<1x16xf32> to vector<16xf32>
      %swap3A_383 = vector.shape_cast %mul3A_378 : vector<16xf32> to vector<1x16xf32>
      tpu.vector_store %arg7[%swap3A_379, %swap3A_380], %swap3A_383 {strides = array<i32>} : memref<128x128xf32, #tpu.memory_space<vmem>>, vector<1x16xf32>,
      %add3A_384 = arith.addf %parallel_loop3A_374#1, %parallel_loop3A_374#5 : vector<16xf32>
      %mul3A_385 = arith.constant 5.000000e-03 : f32
      %mul3A_386 = vector.broadcast %mul3A_385 : f32 to vector<16xf32>
      %mul3A_387 = arith.mulf %add3A_384, %mul3A_386 : vector<16xf32>
      %swap3A_388 = arith.index_cast %add3A_346 : i32 to index
      %swap3A_389 = arith.constant 32 : index
      %swap3A_390 = tpu.vector_load %arg7[%swap3A_388, %swap3A_389] {strides = array<i32>} : memref<128x128xf32, #tpu.memory_space<vmem>>, vector<1x16xf32>,
      %swap3A_391 = vector.shape_cast %swap3A_390 : vector<1x16xf32> to vector<16xf32>
      %swap3A_392 = vector.shape_cast %mul3A_387 : vector<16xf32> to vector<1x16xf32>
      tpu.vector_store %arg7[%swap3A_388, %swap3A_389], %swap3A_392 {strides = array<i32>} : memref<128x128xf32, #tpu.memory_space<vmem>>, vector<1x16xf32>,
      %add3A_393 = arith.addf %parallel_loop3A_374#2, %parallel_loop3A_374#6 : vector<16xf32>
      %mul3A_394 = arith.constant 5.000000e-03 : f32
      %mul3A_395 = vector.broadcast %mul3A_394 : f32 to vector<16xf32>
      %mul3A_396 = arith.mulf %add3A_393, %mul3A_395 : vector<16xf32>
      %swap3A_397 = arith.index_cast %add3A_346 : i32 to index
      %swap3A_398 = arith.constant 16 : index
      %swap3A_399 = tpu.vector_load %arg7[%swap3A_397, %swap3A_398] {strides = array<i32>} : memref<128x128xf32, #tpu.memory_space<vmem>>, vector<1x16xf32>,
      %swap3A_400 = vector.shape_cast %swap3A_399 : vector<1x16xf32> to vector<16xf32>
      %swap3A_401 = vector.shape_cast %mul3A_396 : vector<16xf32> to vector<1x16xf32>
      tpu.vector_store %arg7[%swap3A_397, %swap3A_398], %swap3A_401 {strides = array<i32>} : memref<128x128xf32, #tpu.memory_space<vmem>>, vector<1x16xf32>,
      %add3A_402 = arith.addf %parallel_loop3A_374#3, %parallel_loop3A_374#7 : vector<16xf32>
      %mul3A_403 = arith.constant 5.000000e-03 : f32
      %mul3A_404 = vector.broadcast %mul3A_403 : f32 to vector<16xf32>
      %mul3A_405 = arith.mulf %add3A_402, %mul3A_404 : vector<16xf32>
      %swap3A_406 = arith.index_cast %add3A_346 : i32 to index
      %swap3A_407 = arith.constant 48 : index
      %swap3A_408 = tpu.vector_load %arg7[%swap3A_406, %swap3A_407] {strides = array<i32>} : memref<128x128xf32, #tpu.memory_space<vmem>>, vector<1x16xf32>,
      %swap3A_409 = vector.shape_cast %swap3A_408 : vector<1x16xf32> to vector<16xf32>
      %swap3A_410 = vector.shape_cast %mul3A_405 : vector<16xf32> to vector<1x16xf32>
      tpu.vector_store %arg7[%swap3A_406, %swap3A_407], %swap3A_410 {strides = array<i32>} : memref<128x128xf32, #tpu.memory_space<vmem>>, vector<1x16xf32>,
      %add3A_411 = arith.constant 8 : i32
      %add3A_412 = arith.addi %add3A_346, %add3A_411 : i32
      %lt3A_413 = arith.constant 128 : i32
      %lt3A_414 = arith.cmpi slt, %add3A_412, %lt3A_413 : i32
      %convert_element_type3A_415 = arith.extui %lt3A_414 : i1 to i32
      %cond3A_416 = arith.constant 0 : i32
      %cond3A_417 = arith.cmpi ne, %convert_element_type3A_415, %cond3A_416 : i32
      scf.if %cond3A_417 {
        %add3A_784 = arith.constant 8 : i32
        %add3A_785 = arith.addi %add3A_346, %add3A_784 : i32
        %dma_start3A_786 = arith.constant 2 : i32
        %dma_start3A_787 = arith.constant 0 : i32
        %dma_start3A_788 = arith.constant 0 : i32
        %dma_start3A_789 = tpu.memref_slice %arg6[%dma_start3A_786, %dma_start3A_787, %dma_start3A_788] : memref<8x200x32xi32, #tpu.memory_space<vmem>> -> memref<1x104x32xi32, #tpu.memory_space<vmem>>
        %dma_start3A_790 = tpu.memref_squeeze %dma_start3A_789 : memref<1x104x32xi32, #tpu.memory_space<vmem>> -> memref<104x32xi32, #tpu.memory_space<vmem>>
        %dma_start3A_791 = arith.constant 0 : i32
        %dma_start3A_792 = tpu.memref_slice %arg5[%add3A_785, %dma_start3A_791] : memref<128x256xi32, #tpu.memory_space<vmem>> -> memref<1x104xi32, #tpu.memory_space<vmem>>
        %dma_start3A_793 = tpu.memref_squeeze %dma_start3A_792 : memref<1x104xi32, #tpu.memory_space<vmem>> -> memref<104xi32, #tpu.memory_space<vmem>>
        %dma_start3A_794 = arith.constant 0 : i32
        %dma_start3A_795 = arith.constant 0 : i32
        %dma_start3A_796 = tpu.memref_slice %arg3[%dma_start3A_794, %dma_start3A_795] : memref<1024000x32xi32, #tpu.memory_space<hbm>> -> memref<1024000x32xi32, #tpu.memory_space<hbm>>
        tpu.enqueue_indirect_dma source(%dma_start3A_796 : memref<1024000x32xi32, #tpu.memory_space<hbm>>) target(%dma_start3A_790 : memref<104x32xi32, #tpu.memory_space<vmem>>) offsets(%dma_start3A_793 : memref<104xi32, #tpu.memory_space<vmem>>) semaphore(%arg10 : memref<!tpu.dma_semaphore, #tpu.memory_space<semaphore_mem>>)
        %dma_start3A_797 = arith.constant 2 : i32
        %dma_start3A_798 = arith.constant 104 : i32
        %dma_start3A_799 = arith.constant 0 : i32
        %dma_start3A_800 = tpu.memref_slice %arg6[%dma_start3A_797, %dma_start3A_798, %dma_start3A_799] : memref<8x200x32xi32, #tpu.memory_space<vmem>> -> memref<1x96x32xi32, #tpu.memory_space<vmem>>
        %dma_start3A_801 = tpu.memref_squeeze %dma_start3A_800 : memref<1x96x32xi32, #tpu.memory_space<vmem>> -> memref<96x32xi32, #tpu.memory_space<vmem>>
        %dma_start3A_802 = arith.constant 104 : i32
        %dma_start3A_803 = tpu.memref_slice %arg5[%add3A_785, %dma_start3A_802] : memref<128x256xi32, #tpu.memory_space<vmem>> -> memref<1x96xi32, #tpu.memory_space<vmem>>
        %dma_start3A_804 = tpu.memref_squeeze %dma_start3A_803 : memref<1x96xi32, #tpu.memory_space<vmem>> -> memref<96xi32, #tpu.memory_space<vmem>>
        %dma_start3A_805 = arith.constant 0 : i32
        %dma_start3A_806 = arith.constant 0 : i32
        %dma_start3A_807 = tpu.memref_slice %arg3[%dma_start3A_805, %dma_start3A_806] : memref<1024000x32xi32, #tpu.memory_space<hbm>> -> memref<1024000x32xi32, #tpu.memory_space<hbm>>
        tpu.enqueue_indirect_dma source(%dma_start3A_807 : memref<1024000x32xi32, #tpu.memory_space<hbm>>) target(%dma_start3A_801 : memref<96x32xi32, #tpu.memory_space<vmem>>) offsets(%dma_start3A_804 : memref<96xi32, #tpu.memory_space<vmem>>) semaphore(%arg10 : memref<!tpu.dma_semaphore, #tpu.memory_space<semaphore_mem>>)
      } else {
      }
      %add3A_418 = arith.constant 3 : i32
      %add3A_419 = arith.addi %mul3A_204, %add3A_418 : i32
      %dma_wait3A_420 = arith.constant 3 : i32
      %dma_wait3A_421 = arith.constant 0 : i32
      %dma_wait3A_422 = arith.constant 0 : i32
      %dma_wait3A_423 = tpu.memref_slice %arg6[%dma_wait3A_420, %dma_wait3A_421, %dma_wait3A_422] : memref<8x200x32xi32, #tpu.memory_space<vmem>> -> memref<1x104x32xi32, #tpu.memory_space<vmem>>
      %dma_wait3A_424 = tpu.memref_squeeze %dma_wait3A_423 : memref<1x104x32xi32, #tpu.memory_space<vmem>> -> memref<104x32xi32, #tpu.memory_space<vmem>>
      %dma_wait3A_425 = arith.constant 0 : i32
      %dma_wait3A_426 = tpu.memref_slice %arg5[%add3A_419, %dma_wait3A_425] : memref<128x256xi32, #tpu.memory_space<vmem>> -> memref<1x104xi32, #tpu.memory_space<vmem>>
      %dma_wait3A_427 = tpu.memref_squeeze %dma_wait3A_426 : memref<1x104xi32, #tpu.memory_space<vmem>> -> memref<104xi32, #tpu.memory_space<vmem>>
      %dma_wait3A_428 = arith.constant 0 : i32
      %dma_wait3A_429 = arith.constant 0 : i32
      %dma_wait3A_430 = tpu.memref_slice %arg3[%dma_wait3A_428, %dma_wait3A_429] : memref<1024000x32xi32, #tpu.memory_space<hbm>> -> memref<1024000x32xi32, #tpu.memory_space<hbm>>
      tpu.wait_indirect_dma semaphore(%arg11 : memref<!tpu.dma_semaphore, #tpu.memory_space<semaphore_mem>>) src(%dma_wait3A_430 : memref<1024000x32xi32, #tpu.memory_space<hbm>>) dst(%dma_wait3A_424 : memref<104x32xi32, #tpu.memory_space<vmem>>)
      %dma_wait3A_431 = arith.constant 3 : i32
      %dma_wait3A_432 = arith.constant 104 : i32
      %dma_wait3A_433 = arith.constant 0 : i32
      %dma_wait3A_434 = tpu.memref_slice %arg6[%dma_wait3A_431, %dma_wait3A_432, %dma_wait3A_433] : memref<8x200x32xi32, #tpu.memory_space<vmem>> -> memref<1x96x32xi32, #tpu.memory_space<vmem>>
      %dma_wait3A_435 = tpu.memref_squeeze %dma_wait3A_434 : memref<1x96x32xi32, #tpu.memory_space<vmem>> -> memref<96x32xi32, #tpu.memory_space<vmem>>
      %dma_wait3A_436 = arith.constant 104 : i32
      %dma_wait3A_437 = tpu.memref_slice %arg5[%add3A_419, %dma_wait3A_436] : memref<128x256xi32, #tpu.memory_space<vmem>> -> memref<1x96xi32, #tpu.memory_space<vmem>>
      %dma_wait3A_438 = tpu.memref_squeeze %dma_wait3A_437 : memref<1x96xi32, #tpu.memory_space<vmem>> -> memref<96xi32, #tpu.memory_space<vmem>>
      %dma_wait3A_439 = arith.constant 0 : i32
      %dma_wait3A_440 = arith.constant 0 : i32
      %dma_wait3A_441 = tpu.memref_slice %arg3[%dma_wait3A_439, %dma_wait3A_440] : memref<1024000x32xi32, #tpu.memory_space<hbm>> -> memref<1024000x32xi32, #tpu.memory_space<hbm>>
      tpu.wait_indirect_dma semaphore(%arg11 : memref<!tpu.dma_semaphore, #tpu.memory_space<semaphore_mem>>) src(%dma_wait3A_441 : memref<1024000x32xi32, #tpu.memory_space<hbm>>) dst(%dma_wait3A_435 : memref<96x32xi32, #tpu.memory_space<vmem>>)
      %broadcast_in_dim3A_442 = arith.constant 0.000000e+00 : f32
      %broadcast_in_dim3A_443 = vector.broadcast %broadcast_in_dim3A_442 : f32 to vector<16xf32>
      %parallel_loop3A_444 = arith.constant 0 : i32
      %parallel_loop3A_445 = arith.constant 200 : i32
      %parallel_loop3A_446 = arith.constant 2 : i32
      %parallel_loop3A_447:8 = scf.for %parallel_loop3A_784 = %parallel_loop3A_444 to %parallel_loop3A_445 step %parallel_loop3A_446 iter_args(%parallel_loop3A_785 = %broadcast_in_dim3A_443, %parallel_loop3A_786 = %broadcast_in_dim3A_443, %parallel_loop3A_787 = %broadcast_in_dim3A_443, %parallel_loop3A_788 = %broadcast_in_dim3A_443, %parallel_loop3A_789 = %broadcast_in_dim3A_443, %parallel_loop3A_790 = %broadcast_in_dim3A_443, %parallel_loop3A_791 = %broadcast_in_dim3A_443, %parallel_loop3A_792 = %broadcast_in_dim3A_443) -> (vector<16xf32>, vector<16xf32>, vector<16xf32>, vector<16xf32>, vector<16xf32>, vector<16xf32>, vector<16xf32>, vector<16xf32>)  : i32 {
        %parallel_loop3A_793 = arith.constant 0 : i32
        %parallel_loop3A_794 = arith.addi %parallel_loop3A_784, %parallel_loop3A_793 : i32
        %parallel_loop3A_795 = arith.constant 3 : i32
        %parallel_loop3A_796 = arith.index_cast %parallel_loop3A_795 : i32 to index
        %parallel_loop3A_797 = arith.index_cast %parallel_loop3A_794 : i32 to index
        %parallel_loop3A_798 = arith.constant 0 : index
        %parallel_loop3A_799 = tpu.vector_load %arg6[%parallel_loop3A_796, %parallel_loop3A_797, %parallel_loop3A_798] {strides = array<i32>} : memref<8x200x32xi32, #tpu.memory_space<vmem>>, vector<1x1x16xi32>,
        %parallel_loop3A_800 = vector.shape_cast %parallel_loop3A_799 : vector<1x1x16xi32> to vector<16xi32>
        %parallel_loop3A_801 = arith.constant 16 : i32
        %parallel_loop3A_802 = vector.broadcast %parallel_loop3A_801 : i32 to vector<16xi32>
        %parallel_loop3A_803 = arith.shli %parallel_loop3A_800, %parallel_loop3A_802 : vector<16xi32>
        %parallel_loop3A_804 = tpu.bitcast %parallel_loop3A_803 : vector<16xi32> -> vector<16xf32>
        %parallel_loop3A_805 = arith.andi %parallel_loop3A_800, %broadcast_in_dim3A_3 : vector<16xi32>
        %parallel_loop3A_806 = tpu.bitcast %parallel_loop3A_805 : vector<16xi32> -> vector<16xf32>
        %parallel_loop3A_807 = arith.addf %parallel_loop3A_785, %parallel_loop3A_804 : vector<16xf32>
        %parallel_loop3A_808 = arith.addf %parallel_loop3A_786, %parallel_loop3A_806 : vector<16xf32>
        %parallel_loop3A_809 = arith.constant 0 : i32
        %parallel_loop3A_810 = arith.addi %parallel_loop3A_784, %parallel_loop3A_809 : i32
        %parallel_loop3A_811 = arith.constant 3 : i32
        %parallel_loop3A_812 = arith.index_cast %parallel_loop3A_811 : i32 to index
        %parallel_loop3A_813 = arith.index_cast %parallel_loop3A_810 : i32 to index
        %parallel_loop3A_814 = arith.constant 16 : index
        %parallel_loop3A_815 = tpu.vector_load %arg6[%parallel_loop3A_812, %parallel_loop3A_813, %parallel_loop3A_814] {strides = array<i32>} : memref<8x200x32xi32, #tpu.memory_space<vmem>>, vector<1x1x16xi32>,
        %parallel_loop3A_816 = vector.shape_cast %parallel_loop3A_815 : vector<1x1x16xi32> to vector<16xi32>
        %parallel_loop3A_817 = arith.constant 16 : i32
        %parallel_loop3A_818 = vector.broadcast %parallel_loop3A_817 : i32 to vector<16xi32>
        %parallel_loop3A_819 = arith.shli %parallel_loop3A_816, %parallel_loop3A_818 : vector<16xi32>
        %parallel_loop3A_820 = tpu.bitcast %parallel_loop3A_819 : vector<16xi32> -> vector<16xf32>
        %parallel_loop3A_821 = arith.andi %parallel_loop3A_816, %broadcast_in_dim3A_3 : vector<16xi32>
        %parallel_loop3A_822 = tpu.bitcast %parallel_loop3A_821 : vector<16xi32> -> vector<16xf32>
        %parallel_loop3A_823 = arith.addf %parallel_loop3A_787, %parallel_loop3A_820 : vector<16xf32>
        %parallel_loop3A_824 = arith.addf %parallel_loop3A_788, %parallel_loop3A_822 : vector<16xf32>
        %parallel_loop3A_825 = arith.constant 1 : i32
        %parallel_loop3A_826 = arith.addi %parallel_loop3A_784, %parallel_loop3A_825 : i32
        %parallel_loop3A_827 = arith.constant 3 : i32
        %parallel_loop3A_828 = arith.index_cast %parallel_loop3A_827 : i32 to index
        %parallel_loop3A_829 = arith.index_cast %parallel_loop3A_826 : i32 to index
        %parallel_loop3A_830 = arith.constant 0 : index
        %parallel_loop3A_831 = tpu.vector_load %arg6[%parallel_loop3A_828, %parallel_loop3A_829, %parallel_loop3A_830] {strides = array<i32>} : memref<8x200x32xi32, #tpu.memory_space<vmem>>, vector<1x1x16xi32>,
        %parallel_loop3A_832 = vector.shape_cast %parallel_loop3A_831 : vector<1x1x16xi32> to vector<16xi32>
        %parallel_loop3A_833 = arith.constant 16 : i32
        %parallel_loop3A_834 = vector.broadcast %parallel_loop3A_833 : i32 to vector<16xi32>
        %parallel_loop3A_835 = arith.shli %parallel_loop3A_832, %parallel_loop3A_834 : vector<16xi32>
        %parallel_loop3A_836 = tpu.bitcast %parallel_loop3A_835 : vector<16xi32> -> vector<16xf32>
        %parallel_loop3A_837 = arith.andi %parallel_loop3A_832, %broadcast_in_dim3A_3 : vector<16xi32>
        %parallel_loop3A_838 = tpu.bitcast %parallel_loop3A_837 : vector<16xi32> -> vector<16xf32>
        %parallel_loop3A_839 = arith.addf %parallel_loop3A_789, %parallel_loop3A_836 : vector<16xf32>
        %parallel_loop3A_840 = arith.addf %parallel_loop3A_790, %parallel_loop3A_838 : vector<16xf32>
        %parallel_loop3A_841 = arith.constant 1 : i32
        %parallel_loop3A_842 = arith.addi %parallel_loop3A_784, %parallel_loop3A_841 : i32
        %parallel_loop3A_843 = arith.constant 3 : i32
        %parallel_loop3A_844 = arith.index_cast %parallel_loop3A_843 : i32 to index
        %parallel_loop3A_845 = arith.index_cast %parallel_loop3A_842 : i32 to index
        %parallel_loop3A_846 = arith.constant 16 : index
        %parallel_loop3A_847 = tpu.vector_load %arg6[%parallel_loop3A_844, %parallel_loop3A_845, %parallel_loop3A_846] {strides = array<i32>} : memref<8x200x32xi32, #tpu.memory_space<vmem>>, vector<1x1x16xi32>,
        %parallel_loop3A_848 = vector.shape_cast %parallel_loop3A_847 : vector<1x1x16xi32> to vector<16xi32>
        %parallel_loop3A_849 = arith.constant 16 : i32
        %parallel_loop3A_850 = vector.broadcast %parallel_loop3A_849 : i32 to vector<16xi32>
        %parallel_loop3A_851 = arith.shli %parallel_loop3A_848, %parallel_loop3A_850 : vector<16xi32>
        %parallel_loop3A_852 = tpu.bitcast %parallel_loop3A_851 : vector<16xi32> -> vector<16xf32>
        %parallel_loop3A_853 = arith.andi %parallel_loop3A_848, %broadcast_in_dim3A_3 : vector<16xi32>
        %parallel_loop3A_854 = tpu.bitcast %parallel_loop3A_853 : vector<16xi32> -> vector<16xf32>
        %parallel_loop3A_855 = arith.addf %parallel_loop3A_791, %parallel_loop3A_852 : vector<16xf32>
        %parallel_loop3A_856 = arith.addf %parallel_loop3A_792, %parallel_loop3A_854 : vector<16xf32>
        scf.yield %parallel_loop3A_807, %parallel_loop3A_808, %parallel_loop3A_823, %parallel_loop3A_824, %parallel_loop3A_839, %parallel_loop3A_840, %parallel_loop3A_855, %parallel_loop3A_856 : vector<16xf32>, vector<16xf32>, vector<16xf32>, vector<16xf32>, vector<16xf32>, vector<16xf32>, vector<16xf32>, vector<16xf32>
      } {sc.loop_unroll_factor = 4 : i64, sc.parallel_access}
      %add3A_448 = arith.addf %parallel_loop3A_447#0, %parallel_loop3A_447#4 : vector<16xf32>
      %mul3A_449 = arith.constant 5.000000e-03 : f32
      %mul3A_450 = vector.broadcast %mul3A_449 : f32 to vector<16xf32>
      %mul3A_451 = arith.mulf %add3A_448, %mul3A_450 : vector<16xf32>
      %swap3A_452 = arith.index_cast %add3A_419 : i32 to index
      %swap3A_453 = arith.constant 0 : index
      %swap3A_454 = tpu.vector_load %arg7[%swap3A_452, %swap3A_453] {strides = array<i32>} : memref<128x128xf32, #tpu.memory_space<vmem>>, vector<1x16xf32>,
      %swap3A_455 = vector.shape_cast %swap3A_454 : vector<1x16xf32> to vector<16xf32>
      %swap3A_456 = vector.shape_cast %mul3A_451 : vector<16xf32> to vector<1x16xf32>
      tpu.vector_store %arg7[%swap3A_452, %swap3A_453], %swap3A_456 {strides = array<i32>} : memref<128x128xf32, #tpu.memory_space<vmem>>, vector<1x16xf32>,
      %add3A_457 = arith.addf %parallel_loop3A_447#1, %parallel_loop3A_447#5 : vector<16xf32>
      %mul3A_458 = arith.constant 5.000000e-03 : f32
      %mul3A_459 = vector.broadcast %mul3A_458 : f32 to vector<16xf32>
      %mul3A_460 = arith.mulf %add3A_457, %mul3A_459 : vector<16xf32>
      %swap3A_461 = arith.index_cast %add3A_419 : i32 to index
      %swap3A_462 = arith.constant 32 : index
      %swap3A_463 = tpu.vector_load %arg7[%swap3A_461, %swap3A_462] {strides = array<i32>} : memref<128x128xf32, #tpu.memory_space<vmem>>, vector<1x16xf32>,
      %swap3A_464 = vector.shape_cast %swap3A_463 : vector<1x16xf32> to vector<16xf32>
      %swap3A_465 = vector.shape_cast %mul3A_460 : vector<16xf32> to vector<1x16xf32>
      tpu.vector_store %arg7[%swap3A_461, %swap3A_462], %swap3A_465 {strides = array<i32>} : memref<128x128xf32, #tpu.memory_space<vmem>>, vector<1x16xf32>,
      %add3A_466 = arith.addf %parallel_loop3A_447#2, %parallel_loop3A_447#6 : vector<16xf32>
      %mul3A_467 = arith.constant 5.000000e-03 : f32
      %mul3A_468 = vector.broadcast %mul3A_467 : f32 to vector<16xf32>
      %mul3A_469 = arith.mulf %add3A_466, %mul3A_468 : vector<16xf32>
      %swap3A_470 = arith.index_cast %add3A_419 : i32 to index
      %swap3A_471 = arith.constant 16 : index
      %swap3A_472 = tpu.vector_load %arg7[%swap3A_470, %swap3A_471] {strides = array<i32>} : memref<128x128xf32, #tpu.memory_space<vmem>>, vector<1x16xf32>,
      %swap3A_473 = vector.shape_cast %swap3A_472 : vector<1x16xf32> to vector<16xf32>
      %swap3A_474 = vector.shape_cast %mul3A_469 : vector<16xf32> to vector<1x16xf32>
      tpu.vector_store %arg7[%swap3A_470, %swap3A_471], %swap3A_474 {strides = array<i32>} : memref<128x128xf32, #tpu.memory_space<vmem>>, vector<1x16xf32>,
      %add3A_475 = arith.addf %parallel_loop3A_447#3, %parallel_loop3A_447#7 : vector<16xf32>
      %mul3A_476 = arith.constant 5.000000e-03 : f32
      %mul3A_477 = vector.broadcast %mul3A_476 : f32 to vector<16xf32>
      %mul3A_478 = arith.mulf %add3A_475, %mul3A_477 : vector<16xf32>
      %swap3A_479 = arith.index_cast %add3A_419 : i32 to index
      %swap3A_480 = arith.constant 48 : index
      %swap3A_481 = tpu.vector_load %arg7[%swap3A_479, %swap3A_480] {strides = array<i32>} : memref<128x128xf32, #tpu.memory_space<vmem>>, vector<1x16xf32>,
      %swap3A_482 = vector.shape_cast %swap3A_481 : vector<1x16xf32> to vector<16xf32>
      %swap3A_483 = vector.shape_cast %mul3A_478 : vector<16xf32> to vector<1x16xf32>
      tpu.vector_store %arg7[%swap3A_479, %swap3A_480], %swap3A_483 {strides = array<i32>} : memref<128x128xf32, #tpu.memory_space<vmem>>, vector<1x16xf32>,
      %add3A_484 = arith.constant 8 : i32
      %add3A_485 = arith.addi %add3A_419, %add3A_484 : i32
      %lt3A_486 = arith.constant 128 : i32
      %lt3A_487 = arith.cmpi slt, %add3A_485, %lt3A_486 : i32
      %convert_element_type3A_488 = arith.extui %lt3A_487 : i1 to i32
      %cond3A_489 = arith.constant 0 : i32
      %cond3A_490 = arith.cmpi ne, %convert_element_type3A_488, %cond3A_489 : i32
      scf.if %cond3A_490 {
        %add3A_784 = arith.constant 8 : i32
        %add3A_785 = arith.addi %add3A_419, %add3A_784 : i32
        %dma_start3A_786 = arith.constant 3 : i32
        %dma_start3A_787 = arith.constant 0 : i32
        %dma_start3A_788 = arith.constant 0 : i32
        %dma_start3A_789 = tpu.memref_slice %arg6[%dma_start3A_786, %dma_start3A_787, %dma_start3A_788] : memref<8x200x32xi32, #tpu.memory_space<vmem>> -> memref<1x104x32xi32, #tpu.memory_space<vmem>>
        %dma_start3A_790 = tpu.memref_squeeze %dma_start3A_789 : memref<1x104x32xi32, #tpu.memory_space<vmem>> -> memref<104x32xi32, #tpu.memory_space<vmem>>
        %dma_start3A_791 = arith.constant 0 : i32
        %dma_start3A_792 = tpu.memref_slice %arg5[%add3A_785, %dma_start3A_791] : memref<128x256xi32, #tpu.memory_space<vmem>> -> memref<1x104xi32, #tpu.memory_space<vmem>>
        %dma_start3A_793 = tpu.memref_squeeze %dma_start3A_792 : memref<1x104xi32, #tpu.memory_space<vmem>> -> memref<104xi32, #tpu.memory_space<vmem>>
        %dma_start3A_794 = arith.constant 0 : i32
        %dma_start3A_795 = arith.constant 0 : i32
        %dma_start3A_796 = tpu.memref_slice %arg3[%dma_start3A_794, %dma_start3A_795] : memref<1024000x32xi32, #tpu.memory_space<hbm>> -> memref<1024000x32xi32, #tpu.memory_space<hbm>>
        tpu.enqueue_indirect_dma source(%dma_start3A_796 : memref<1024000x32xi32, #tpu.memory_space<hbm>>) target(%dma_start3A_790 : memref<104x32xi32, #tpu.memory_space<vmem>>) offsets(%dma_start3A_793 : memref<104xi32, #tpu.memory_space<vmem>>) semaphore(%arg11 : memref<!tpu.dma_semaphore, #tpu.memory_space<semaphore_mem>>)
        %dma_start3A_797 = arith.constant 3 : i32
        %dma_start3A_798 = arith.constant 104 : i32
        %dma_start3A_799 = arith.constant 0 : i32
        %dma_start3A_800 = tpu.memref_slice %arg6[%dma_start3A_797, %dma_start3A_798, %dma_start3A_799] : memref<8x200x32xi32, #tpu.memory_space<vmem>> -> memref<1x96x32xi32, #tpu.memory_space<vmem>>
        %dma_start3A_801 = tpu.memref_squeeze %dma_start3A_800 : memref<1x96x32xi32, #tpu.memory_space<vmem>> -> memref<96x32xi32, #tpu.memory_space<vmem>>
        %dma_start3A_802 = arith.constant 104 : i32
        %dma_start3A_803 = tpu.memref_slice %arg5[%add3A_785, %dma_start3A_802] : memref<128x256xi32, #tpu.memory_space<vmem>> -> memref<1x96xi32, #tpu.memory_space<vmem>>
        %dma_start3A_804 = tpu.memref_squeeze %dma_start3A_803 : memref<1x96xi32, #tpu.memory_space<vmem>> -> memref<96xi32, #tpu.memory_space<vmem>>
        %dma_start3A_805 = arith.constant 0 : i32
        %dma_start3A_806 = arith.constant 0 : i32
        %dma_start3A_807 = tpu.memref_slice %arg3[%dma_start3A_805, %dma_start3A_806] : memref<1024000x32xi32, #tpu.memory_space<hbm>> -> memref<1024000x32xi32, #tpu.memory_space<hbm>>
        tpu.enqueue_indirect_dma source(%dma_start3A_807 : memref<1024000x32xi32, #tpu.memory_space<hbm>>) target(%dma_start3A_801 : memref<96x32xi32, #tpu.memory_space<vmem>>) offsets(%dma_start3A_804 : memref<96xi32, #tpu.memory_space<vmem>>) semaphore(%arg11 : memref<!tpu.dma_semaphore, #tpu.memory_space<semaphore_mem>>)
      } else {
      }
      %add3A_491 = arith.constant 4 : i32
      %add3A_492 = arith.addi %mul3A_204, %add3A_491 : i32
      %dma_wait3A_493 = arith.constant 4 : i32
      %dma_wait3A_494 = arith.constant 0 : i32
      %dma_wait3A_495 = arith.constant 0 : i32
      %dma_wait3A_496 = tpu.memref_slice %arg6[%dma_wait3A_493, %dma_wait3A_494, %dma_wait3A_495] : memref<8x200x32xi32, #tpu.memory_space<vmem>> -> memref<1x104x32xi32, #tpu.memory_space<vmem>>
      %dma_wait3A_497 = tpu.memref_squeeze %dma_wait3A_496 : memref<1x104x32xi32, #tpu.memory_space<vmem>> -> memref<104x32xi32, #tpu.memory_space<vmem>>
      %dma_wait3A_498 = arith.constant 0 : i32
      %dma_wait3A_499 = tpu.memref_slice %arg5[%add3A_492, %dma_wait3A_498] : memref<128x256xi32, #tpu.memory_space<vmem>> -> memref<1x104xi32, #tpu.memory_space<vmem>>
      %dma_wait3A_500 = tpu.memref_squeeze %dma_wait3A_499 : memref<1x104xi32, #tpu.memory_space<vmem>> -> memref<104xi32, #tpu.memory_space<vmem>>
      %dma_wait3A_501 = arith.constant 0 : i32
      %dma_wait3A_502 = arith.constant 0 : i32
      %dma_wait3A_503 = tpu.memref_slice %arg3[%dma_wait3A_501, %dma_wait3A_502] : memref<1024000x32xi32, #tpu.memory_space<hbm>> -> memref<1024000x32xi32, #tpu.memory_space<hbm>>
      tpu.wait_indirect_dma semaphore(%arg12 : memref<!tpu.dma_semaphore, #tpu.memory_space<semaphore_mem>>) src(%dma_wait3A_503 : memref<1024000x32xi32, #tpu.memory_space<hbm>>) dst(%dma_wait3A_497 : memref<104x32xi32, #tpu.memory_space<vmem>>)
      %dma_wait3A_504 = arith.constant 4 : i32
      %dma_wait3A_505 = arith.constant 104 : i32
      %dma_wait3A_506 = arith.constant 0 : i32
      %dma_wait3A_507 = tpu.memref_slice %arg6[%dma_wait3A_504, %dma_wait3A_505, %dma_wait3A_506] : memref<8x200x32xi32, #tpu.memory_space<vmem>> -> memref<1x96x32xi32, #tpu.memory_space<vmem>>
      %dma_wait3A_508 = tpu.memref_squeeze %dma_wait3A_507 : memref<1x96x32xi32, #tpu.memory_space<vmem>> -> memref<96x32xi32, #tpu.memory_space<vmem>>
      %dma_wait3A_509 = arith.constant 104 : i32
      %dma_wait3A_510 = tpu.memref_slice %arg5[%add3A_492, %dma_wait3A_509] : memref<128x256xi32, #tpu.memory_space<vmem>> -> memref<1x96xi32, #tpu.memory_space<vmem>>
      %dma_wait3A_511 = tpu.memref_squeeze %dma_wait3A_510 : memref<1x96xi32, #tpu.memory_space<vmem>> -> memref<96xi32, #tpu.memory_space<vmem>>
      %dma_wait3A_512 = arith.constant 0 : i32
      %dma_wait3A_513 = arith.constant 0 : i32
      %dma_wait3A_514 = tpu.memref_slice %arg3[%dma_wait3A_512, %dma_wait3A_513] : memref<1024000x32xi32, #tpu.memory_space<hbm>> -> memref<1024000x32xi32, #tpu.memory_space<hbm>>
      tpu.wait_indirect_dma semaphore(%arg12 : memref<!tpu.dma_semaphore, #tpu.memory_space<semaphore_mem>>) src(%dma_wait3A_514 : memref<1024000x32xi32, #tpu.memory_space<hbm>>) dst(%dma_wait3A_508 : memref<96x32xi32, #tpu.memory_space<vmem>>)
      %broadcast_in_dim3A_515 = arith.constant 0.000000e+00 : f32
      %broadcast_in_dim3A_516 = vector.broadcast %broadcast_in_dim3A_515 : f32 to vector<16xf32>
      %parallel_loop3A_517 = arith.constant 0 : i32
      %parallel_loop3A_518 = arith.constant 200 : i32
      %parallel_loop3A_519 = arith.constant 2 : i32
      %parallel_loop3A_520:8 = scf.for %parallel_loop3A_784 = %parallel_loop3A_517 to %parallel_loop3A_518 step %parallel_loop3A_519 iter_args(%parallel_loop3A_785 = %broadcast_in_dim3A_516, %parallel_loop3A_786 = %broadcast_in_dim3A_516, %parallel_loop3A_787 = %broadcast_in_dim3A_516, %parallel_loop3A_788 = %broadcast_in_dim3A_516, %parallel_loop3A_789 = %broadcast_in_dim3A_516, %parallel_loop3A_790 = %broadcast_in_dim3A_516, %parallel_loop3A_791 = %broadcast_in_dim3A_516, %parallel_loop3A_792 = %broadcast_in_dim3A_516) -> (vector<16xf32>, vector<16xf32>, vector<16xf32>, vector<16xf32>, vector<16xf32>, vector<16xf32>, vector<16xf32>, vector<16xf32>)  : i32 {
        %parallel_loop3A_793 = arith.constant 0 : i32
        %parallel_loop3A_794 = arith.addi %parallel_loop3A_784, %parallel_loop3A_793 : i32
        %parallel_loop3A_795 = arith.constant 4 : i32
        %parallel_loop3A_796 = arith.index_cast %parallel_loop3A_795 : i32 to index
        %parallel_loop3A_797 = arith.index_cast %parallel_loop3A_794 : i32 to index
        %parallel_loop3A_798 = arith.constant 0 : index
        %parallel_loop3A_799 = tpu.vector_load %arg6[%parallel_loop3A_796, %parallel_loop3A_797, %parallel_loop3A_798] {strides = array<i32>} : memref<8x200x32xi32, #tpu.memory_space<vmem>>, vector<1x1x16xi32>,
        %parallel_loop3A_800 = vector.shape_cast %parallel_loop3A_799 : vector<1x1x16xi32> to vector<16xi32>
        %parallel_loop3A_801 = arith.constant 16 : i32
        %parallel_loop3A_802 = vector.broadcast %parallel_loop3A_801 : i32 to vector<16xi32>
        %parallel_loop3A_803 = arith.shli %parallel_loop3A_800, %parallel_loop3A_802 : vector<16xi32>
        %parallel_loop3A_804 = tpu.bitcast %parallel_loop3A_803 : vector<16xi32> -> vector<16xf32>
        %parallel_loop3A_805 = arith.andi %parallel_loop3A_800, %broadcast_in_dim3A_3 : vector<16xi32>
        %parallel_loop3A_806 = tpu.bitcast %parallel_loop3A_805 : vector<16xi32> -> vector<16xf32>
        %parallel_loop3A_807 = arith.addf %parallel_loop3A_785, %parallel_loop3A_804 : vector<16xf32>
        %parallel_loop3A_808 = arith.addf %parallel_loop3A_786, %parallel_loop3A_806 : vector<16xf32>
        %parallel_loop3A_809 = arith.constant 0 : i32
        %parallel_loop3A_810 = arith.addi %parallel_loop3A_784, %parallel_loop3A_809 : i32
        %parallel_loop3A_811 = arith.constant 4 : i32
        %parallel_loop3A_812 = arith.index_cast %parallel_loop3A_811 : i32 to index
        %parallel_loop3A_813 = arith.index_cast %parallel_loop3A_810 : i32 to index
        %parallel_loop3A_814 = arith.constant 16 : index
        %parallel_loop3A_815 = tpu.vector_load %arg6[%parallel_loop3A_812, %parallel_loop3A_813, %parallel_loop3A_814] {strides = array<i32>} : memref<8x200x32xi32, #tpu.memory_space<vmem>>, vector<1x1x16xi32>,
        %parallel_loop3A_816 = vector.shape_cast %parallel_loop3A_815 : vector<1x1x16xi32> to vector<16xi32>
        %parallel_loop3A_817 = arith.constant 16 : i32
        %parallel_loop3A_818 = vector.broadcast %parallel_loop3A_817 : i32 to vector<16xi32>
        %parallel_loop3A_819 = arith.shli %parallel_loop3A_816, %parallel_loop3A_818 : vector<16xi32>
        %parallel_loop3A_820 = tpu.bitcast %parallel_loop3A_819 : vector<16xi32> -> vector<16xf32>
        %parallel_loop3A_821 = arith.andi %parallel_loop3A_816, %broadcast_in_dim3A_3 : vector<16xi32>
        %parallel_loop3A_822 = tpu.bitcast %parallel_loop3A_821 : vector<16xi32> -> vector<16xf32>
        %parallel_loop3A_823 = arith.addf %parallel_loop3A_787, %parallel_loop3A_820 : vector<16xf32>
        %parallel_loop3A_824 = arith.addf %parallel_loop3A_788, %parallel_loop3A_822 : vector<16xf32>
        %parallel_loop3A_825 = arith.constant 1 : i32
        %parallel_loop3A_826 = arith.addi %parallel_loop3A_784, %parallel_loop3A_825 : i32
        %parallel_loop3A_827 = arith.constant 4 : i32
        %parallel_loop3A_828 = arith.index_cast %parallel_loop3A_827 : i32 to index
        %parallel_loop3A_829 = arith.index_cast %parallel_loop3A_826 : i32 to index
        %parallel_loop3A_830 = arith.constant 0 : index
        %parallel_loop3A_831 = tpu.vector_load %arg6[%parallel_loop3A_828, %parallel_loop3A_829, %parallel_loop3A_830] {strides = array<i32>} : memref<8x200x32xi32, #tpu.memory_space<vmem>>, vector<1x1x16xi32>,
        %parallel_loop3A_832 = vector.shape_cast %parallel_loop3A_831 : vector<1x1x16xi32> to vector<16xi32>
        %parallel_loop3A_833 = arith.constant 16 : i32
        %parallel_loop3A_834 = vector.broadcast %parallel_loop3A_833 : i32 to vector<16xi32>
        %parallel_loop3A_835 = arith.shli %parallel_loop3A_832, %parallel_loop3A_834 : vector<16xi32>
        %parallel_loop3A_836 = tpu.bitcast %parallel_loop3A_835 : vector<16xi32> -> vector<16xf32>
        %parallel_loop3A_837 = arith.andi %parallel_loop3A_832, %broadcast_in_dim3A_3 : vector<16xi32>
        %parallel_loop3A_838 = tpu.bitcast %parallel_loop3A_837 : vector<16xi32> -> vector<16xf32>
        %parallel_loop3A_839 = arith.addf %parallel_loop3A_789, %parallel_loop3A_836 : vector<16xf32>
        %parallel_loop3A_840 = arith.addf %parallel_loop3A_790, %parallel_loop3A_838 : vector<16xf32>
        %parallel_loop3A_841 = arith.constant 1 : i32
        %parallel_loop3A_842 = arith.addi %parallel_loop3A_784, %parallel_loop3A_841 : i32
        %parallel_loop3A_843 = arith.constant 4 : i32
        %parallel_loop3A_844 = arith.index_cast %parallel_loop3A_843 : i32 to index
        %parallel_loop3A_845 = arith.index_cast %parallel_loop3A_842 : i32 to index
        %parallel_loop3A_846 = arith.constant 16 : index
        %parallel_loop3A_847 = tpu.vector_load %arg6[%parallel_loop3A_844, %parallel_loop3A_845, %parallel_loop3A_846] {strides = array<i32>} : memref<8x200x32xi32, #tpu.memory_space<vmem>>, vector<1x1x16xi32>,
        %parallel_loop3A_848 = vector.shape_cast %parallel_loop3A_847 : vector<1x1x16xi32> to vector<16xi32>
        %parallel_loop3A_849 = arith.constant 16 : i32
        %parallel_loop3A_850 = vector.broadcast %parallel_loop3A_849 : i32 to vector<16xi32>
        %parallel_loop3A_851 = arith.shli %parallel_loop3A_848, %parallel_loop3A_850 : vector<16xi32>
        %parallel_loop3A_852 = tpu.bitcast %parallel_loop3A_851 : vector<16xi32> -> vector<16xf32>
        %parallel_loop3A_853 = arith.andi %parallel_loop3A_848, %broadcast_in_dim3A_3 : vector<16xi32>
        %parallel_loop3A_854 = tpu.bitcast %parallel_loop3A_853 : vector<16xi32> -> vector<16xf32>
        %parallel_loop3A_855 = arith.addf %parallel_loop3A_791, %parallel_loop3A_852 : vector<16xf32>
        %parallel_loop3A_856 = arith.addf %parallel_loop3A_792, %parallel_loop3A_854 : vector<16xf32>
        scf.yield %parallel_loop3A_807, %parallel_loop3A_808, %parallel_loop3A_823, %parallel_loop3A_824, %parallel_loop3A_839, %parallel_loop3A_840, %parallel_loop3A_855, %parallel_loop3A_856 : vector<16xf32>, vector<16xf32>, vector<16xf32>, vector<16xf32>, vector<16xf32>, vector<16xf32>, vector<16xf32>, vector<16xf32>
      } {sc.loop_unroll_factor = 4 : i64, sc.parallel_access}
      %add3A_521 = arith.addf %parallel_loop3A_520#0, %parallel_loop3A_520#4 : vector<16xf32>
      %mul3A_522 = arith.constant 5.000000e-03 : f32
      %mul3A_523 = vector.broadcast %mul3A_522 : f32 to vector<16xf32>
      %mul3A_524 = arith.mulf %add3A_521, %mul3A_523 : vector<16xf32>
      %swap3A_525 = arith.index_cast %add3A_492 : i32 to index
      %swap3A_526 = arith.constant 0 : index
      %swap3A_527 = tpu.vector_load %arg7[%swap3A_525, %swap3A_526] {strides = array<i32>} : memref<128x128xf32, #tpu.memory_space<vmem>>, vector<1x16xf32>,
      %swap3A_528 = vector.shape_cast %swap3A_527 : vector<1x16xf32> to vector<16xf32>
      %swap3A_529 = vector.shape_cast %mul3A_524 : vector<16xf32> to vector<1x16xf32>
      tpu.vector_store %arg7[%swap3A_525, %swap3A_526], %swap3A_529 {strides = array<i32>} : memref<128x128xf32, #tpu.memory_space<vmem>>, vector<1x16xf32>,
      %add3A_530 = arith.addf %parallel_loop3A_520#1, %parallel_loop3A_520#5 : vector<16xf32>
      %mul3A_531 = arith.constant 5.000000e-03 : f32
      %mul3A_532 = vector.broadcast %mul3A_531 : f32 to vector<16xf32>
      %mul3A_533 = arith.mulf %add3A_530, %mul3A_532 : vector<16xf32>
      %swap3A_534 = arith.index_cast %add3A_492 : i32 to index
      %swap3A_535 = arith.constant 32 : index
      %swap3A_536 = tpu.vector_load %arg7[%swap3A_534, %swap3A_535] {strides = array<i32>} : memref<128x128xf32, #tpu.memory_space<vmem>>, vector<1x16xf32>,
      %swap3A_537 = vector.shape_cast %swap3A_536 : vector<1x16xf32> to vector<16xf32>
      %swap3A_538 = vector.shape_cast %mul3A_533 : vector<16xf32> to vector<1x16xf32>
      tpu.vector_store %arg7[%swap3A_534, %swap3A_535], %swap3A_538 {strides = array<i32>} : memref<128x128xf32, #tpu.memory_space<vmem>>, vector<1x16xf32>,
      %add3A_539 = arith.addf %parallel_loop3A_520#2, %parallel_loop3A_520#6 : vector<16xf32>
      %mul3A_540 = arith.constant 5.000000e-03 : f32
      %mul3A_541 = vector.broadcast %mul3A_540 : f32 to vector<16xf32>
      %mul3A_542 = arith.mulf %add3A_539, %mul3A_541 : vector<16xf32>
      %swap3A_543 = arith.index_cast %add3A_492 : i32 to index
      %swap3A_544 = arith.constant 16 : index
      %swap3A_545 = tpu.vector_load %arg7[%swap3A_543, %swap3A_544] {strides = array<i32>} : memref<128x128xf32, #tpu.memory_space<vmem>>, vector<1x16xf32>,
      %swap3A_546 = vector.shape_cast %swap3A_545 : vector<1x16xf32> to vector<16xf32>
      %swap3A_547 = vector.shape_cast %mul3A_542 : vector<16xf32> to vector<1x16xf32>
      tpu.vector_store %arg7[%swap3A_543, %swap3A_544], %swap3A_547 {strides = array<i32>} : memref<128x128xf32, #tpu.memory_space<vmem>>, vector<1x16xf32>,
      %add3A_548 = arith.addf %parallel_loop3A_520#3, %parallel_loop3A_520#7 : vector<16xf32>
      %mul3A_549 = arith.constant 5.000000e-03 : f32
      %mul3A_550 = vector.broadcast %mul3A_549 : f32 to vector<16xf32>
      %mul3A_551 = arith.mulf %add3A_548, %mul3A_550 : vector<16xf32>
      %swap3A_552 = arith.index_cast %add3A_492 : i32 to index
      %swap3A_553 = arith.constant 48 : index
      %swap3A_554 = tpu.vector_load %arg7[%swap3A_552, %swap3A_553] {strides = array<i32>} : memref<128x128xf32, #tpu.memory_space<vmem>>, vector<1x16xf32>,
      %swap3A_555 = vector.shape_cast %swap3A_554 : vector<1x16xf32> to vector<16xf32>
      %swap3A_556 = vector.shape_cast %mul3A_551 : vector<16xf32> to vector<1x16xf32>
      tpu.vector_store %arg7[%swap3A_552, %swap3A_553], %swap3A_556 {strides = array<i32>} : memref<128x128xf32, #tpu.memory_space<vmem>>, vector<1x16xf32>,
      %add3A_557 = arith.constant 8 : i32
      %add3A_558 = arith.addi %add3A_492, %add3A_557 : i32
      %lt3A_559 = arith.constant 128 : i32
      %lt3A_560 = arith.cmpi slt, %add3A_558, %lt3A_559 : i32
      %convert_element_type3A_561 = arith.extui %lt3A_560 : i1 to i32
      %cond3A_562 = arith.constant 0 : i32
      %cond3A_563 = arith.cmpi ne, %convert_element_type3A_561, %cond3A_562 : i32
      scf.if %cond3A_563 {
        %add3A_784 = arith.constant 8 : i32
        %add3A_785 = arith.addi %add3A_492, %add3A_784 : i32
        %dma_start3A_786 = arith.constant 4 : i32
        %dma_start3A_787 = arith.constant 0 : i32
        %dma_start3A_788 = arith.constant 0 : i32
        %dma_start3A_789 = tpu.memref_slice %arg6[%dma_start3A_786, %dma_start3A_787, %dma_start3A_788] : memref<8x200x32xi32, #tpu.memory_space<vmem>> -> memref<1x104x32xi32, #tpu.memory_space<vmem>>
        %dma_start3A_790 = tpu.memref_squeeze %dma_start3A_789 : memref<1x104x32xi32, #tpu.memory_space<vmem>> -> memref<104x32xi32, #tpu.memory_space<vmem>>
        %dma_start3A_791 = arith.constant 0 : i32
        %dma_start3A_792 = tpu.memref_slice %arg5[%add3A_785, %dma_start3A_791] : memref<128x256xi32, #tpu.memory_space<vmem>> -> memref<1x104xi32, #tpu.memory_space<vmem>>
        %dma_start3A_793 = tpu.memref_squeeze %dma_start3A_792 : memref<1x104xi32, #tpu.memory_space<vmem>> -> memref<104xi32, #tpu.memory_space<vmem>>
        %dma_start3A_794 = arith.constant 0 : i32
        %dma_start3A_795 = arith.constant 0 : i32
        %dma_start3A_796 = tpu.memref_slice %arg3[%dma_start3A_794, %dma_start3A_795] : memref<1024000x32xi32, #tpu.memory_space<hbm>> -> memref<1024000x32xi32, #tpu.memory_space<hbm>>
        tpu.enqueue_indirect_dma source(%dma_start3A_796 : memref<1024000x32xi32, #tpu.memory_space<hbm>>) target(%dma_start3A_790 : memref<104x32xi32, #tpu.memory_space<vmem>>) offsets(%dma_start3A_793 : memref<104xi32, #tpu.memory_space<vmem>>) semaphore(%arg12 : memref<!tpu.dma_semaphore, #tpu.memory_space<semaphore_mem>>)
        %dma_start3A_797 = arith.constant 4 : i32
        %dma_start3A_798 = arith.constant 104 : i32
        %dma_start3A_799 = arith.constant 0 : i32
        %dma_start3A_800 = tpu.memref_slice %arg6[%dma_start3A_797, %dma_start3A_798, %dma_start3A_799] : memref<8x200x32xi32, #tpu.memory_space<vmem>> -> memref<1x96x32xi32, #tpu.memory_space<vmem>>
        %dma_start3A_801 = tpu.memref_squeeze %dma_start3A_800 : memref<1x96x32xi32, #tpu.memory_space<vmem>> -> memref<96x32xi32, #tpu.memory_space<vmem>>
        %dma_start3A_802 = arith.constant 104 : i32
        %dma_start3A_803 = tpu.memref_slice %arg5[%add3A_785, %dma_start3A_802] : memref<128x256xi32, #tpu.memory_space<vmem>> -> memref<1x96xi32, #tpu.memory_space<vmem>>
        %dma_start3A_804 = tpu.memref_squeeze %dma_start3A_803 : memref<1x96xi32, #tpu.memory_space<vmem>> -> memref<96xi32, #tpu.memory_space<vmem>>
        %dma_start3A_805 = arith.constant 0 : i32
        %dma_start3A_806 = arith.constant 0 : i32
        %dma_start3A_807 = tpu.memref_slice %arg3[%dma_start3A_805, %dma_start3A_806] : memref<1024000x32xi32, #tpu.memory_space<hbm>> -> memref<1024000x32xi32, #tpu.memory_space<hbm>>
        tpu.enqueue_indirect_dma source(%dma_start3A_807 : memref<1024000x32xi32, #tpu.memory_space<hbm>>) target(%dma_start3A_801 : memref<96x32xi32, #tpu.memory_space<vmem>>) offsets(%dma_start3A_804 : memref<96xi32, #tpu.memory_space<vmem>>) semaphore(%arg12 : memref<!tpu.dma_semaphore, #tpu.memory_space<semaphore_mem>>)
      } else {
      }
      %add3A_564 = arith.constant 5 : i32
      %add3A_565 = arith.addi %mul3A_204, %add3A_564 : i32
      %dma_wait3A_566 = arith.constant 5 : i32
      %dma_wait3A_567 = arith.constant 0 : i32
      %dma_wait3A_568 = arith.constant 0 : i32
      %dma_wait3A_569 = tpu.memref_slice %arg6[%dma_wait3A_566, %dma_wait3A_567, %dma_wait3A_568] : memref<8x200x32xi32, #tpu.memory_space<vmem>> -> memref<1x104x32xi32, #tpu.memory_space<vmem>>
      %dma_wait3A_570 = tpu.memref_squeeze %dma_wait3A_569 : memref<1x104x32xi32, #tpu.memory_space<vmem>> -> memref<104x32xi32, #tpu.memory_space<vmem>>
      %dma_wait3A_571 = arith.constant 0 : i32
      %dma_wait3A_572 = tpu.memref_slice %arg5[%add3A_565, %dma_wait3A_571] : memref<128x256xi32, #tpu.memory_space<vmem>> -> memref<1x104xi32, #tpu.memory_space<vmem>>
      %dma_wait3A_573 = tpu.memref_squeeze %dma_wait3A_572 : memref<1x104xi32, #tpu.memory_space<vmem>> -> memref<104xi32, #tpu.memory_space<vmem>>
      %dma_wait3A_574 = arith.constant 0 : i32
      %dma_wait3A_575 = arith.constant 0 : i32
      %dma_wait3A_576 = tpu.memref_slice %arg3[%dma_wait3A_574, %dma_wait3A_575] : memref<1024000x32xi32, #tpu.memory_space<hbm>> -> memref<1024000x32xi32, #tpu.memory_space<hbm>>
      tpu.wait_indirect_dma semaphore(%arg13 : memref<!tpu.dma_semaphore, #tpu.memory_space<semaphore_mem>>) src(%dma_wait3A_576 : memref<1024000x32xi32, #tpu.memory_space<hbm>>) dst(%dma_wait3A_570 : memref<104x32xi32, #tpu.memory_space<vmem>>)
      %dma_wait3A_577 = arith.constant 5 : i32
      %dma_wait3A_578 = arith.constant 104 : i32
      %dma_wait3A_579 = arith.constant 0 : i32
      %dma_wait3A_580 = tpu.memref_slice %arg6[%dma_wait3A_577, %dma_wait3A_578, %dma_wait3A_579] : memref<8x200x32xi32, #tpu.memory_space<vmem>> -> memref<1x96x32xi32, #tpu.memory_space<vmem>>
      %dma_wait3A_581 = tpu.memref_squeeze %dma_wait3A_580 : memref<1x96x32xi32, #tpu.memory_space<vmem>> -> memref<96x32xi32, #tpu.memory_space<vmem>>
      %dma_wait3A_582 = arith.constant 104 : i32
      %dma_wait3A_583 = tpu.memref_slice %arg5[%add3A_565, %dma_wait3A_582] : memref<128x256xi32, #tpu.memory_space<vmem>> -> memref<1x96xi32, #tpu.memory_space<vmem>>
      %dma_wait3A_584 = tpu.memref_squeeze %dma_wait3A_583 : memref<1x96xi32, #tpu.memory_space<vmem>> -> memref<96xi32, #tpu.memory_space<vmem>>
      %dma_wait3A_585 = arith.constant 0 : i32
      %dma_wait3A_586 = arith.constant 0 : i32
      %dma_wait3A_587 = tpu.memref_slice %arg3[%dma_wait3A_585, %dma_wait3A_586] : memref<1024000x32xi32, #tpu.memory_space<hbm>> -> memref<1024000x32xi32, #tpu.memory_space<hbm>>
      tpu.wait_indirect_dma semaphore(%arg13 : memref<!tpu.dma_semaphore, #tpu.memory_space<semaphore_mem>>) src(%dma_wait3A_587 : memref<1024000x32xi32, #tpu.memory_space<hbm>>) dst(%dma_wait3A_581 : memref<96x32xi32, #tpu.memory_space<vmem>>)
      %broadcast_in_dim3A_588 = arith.constant 0.000000e+00 : f32
      %broadcast_in_dim3A_589 = vector.broadcast %broadcast_in_dim3A_588 : f32 to vector<16xf32>
      %parallel_loop3A_590 = arith.constant 0 : i32
      %parallel_loop3A_591 = arith.constant 200 : i32
      %parallel_loop3A_592 = arith.constant 2 : i32
      %parallel_loop3A_593:8 = scf.for %parallel_loop3A_784 = %parallel_loop3A_590 to %parallel_loop3A_591 step %parallel_loop3A_592 iter_args(%parallel_loop3A_785 = %broadcast_in_dim3A_589, %parallel_loop3A_786 = %broadcast_in_dim3A_589, %parallel_loop3A_787 = %broadcast_in_dim3A_589, %parallel_loop3A_788 = %broadcast_in_dim3A_589, %parallel_loop3A_789 = %broadcast_in_dim3A_589, %parallel_loop3A_790 = %broadcast_in_dim3A_589, %parallel_loop3A_791 = %broadcast_in_dim3A_589, %parallel_loop3A_792 = %broadcast_in_dim3A_589) -> (vector<16xf32>, vector<16xf32>, vector<16xf32>, vector<16xf32>, vector<16xf32>, vector<16xf32>, vector<16xf32>, vector<16xf32>)  : i32 {
        %parallel_loop3A_793 = arith.constant 0 : i32
        %parallel_loop3A_794 = arith.addi %parallel_loop3A_784, %parallel_loop3A_793 : i32
        %parallel_loop3A_795 = arith.constant 5 : i32
        %parallel_loop3A_796 = arith.index_cast %parallel_loop3A_795 : i32 to index
        %parallel_loop3A_797 = arith.index_cast %parallel_loop3A_794 : i32 to index
        %parallel_loop3A_798 = arith.constant 0 : index
        %parallel_loop3A_799 = tpu.vector_load %arg6[%parallel_loop3A_796, %parallel_loop3A_797, %parallel_loop3A_798] {strides = array<i32>} : memref<8x200x32xi32, #tpu.memory_space<vmem>>, vector<1x1x16xi32>,
        %parallel_loop3A_800 = vector.shape_cast %parallel_loop3A_799 : vector<1x1x16xi32> to vector<16xi32>
        %parallel_loop3A_801 = arith.constant 16 : i32
        %parallel_loop3A_802 = vector.broadcast %parallel_loop3A_801 : i32 to vector<16xi32>
        %parallel_loop3A_803 = arith.shli %parallel_loop3A_800, %parallel_loop3A_802 : vector<16xi32>
        %parallel_loop3A_804 = tpu.bitcast %parallel_loop3A_803 : vector<16xi32> -> vector<16xf32>
        %parallel_loop3A_805 = arith.andi %parallel_loop3A_800, %broadcast_in_dim3A_3 : vector<16xi32>
        %parallel_loop3A_806 = tpu.bitcast %parallel_loop3A_805 : vector<16xi32> -> vector<16xf32>
        %parallel_loop3A_807 = arith.addf %parallel_loop3A_785, %parallel_loop3A_804 : vector<16xf32>
        %parallel_loop3A_808 = arith.addf %parallel_loop3A_786, %parallel_loop3A_806 : vector<16xf32>
        %parallel_loop3A_809 = arith.constant 0 : i32
        %parallel_loop3A_810 = arith.addi %parallel_loop3A_784, %parallel_loop3A_809 : i32
        %parallel_loop3A_811 = arith.constant 5 : i32
        %parallel_loop3A_812 = arith.index_cast %parallel_loop3A_811 : i32 to index
        %parallel_loop3A_813 = arith.index_cast %parallel_loop3A_810 : i32 to index
        %parallel_loop3A_814 = arith.constant 16 : index
        %parallel_loop3A_815 = tpu.vector_load %arg6[%parallel_loop3A_812, %parallel_loop3A_813, %parallel_loop3A_814] {strides = array<i32>} : memref<8x200x32xi32, #tpu.memory_space<vmem>>, vector<1x1x16xi32>,
        %parallel_loop3A_816 = vector.shape_cast %parallel_loop3A_815 : vector<1x1x16xi32> to vector<16xi32>
        %parallel_loop3A_817 = arith.constant 16 : i32
        %parallel_loop3A_818 = vector.broadcast %parallel_loop3A_817 : i32 to vector<16xi32>
        %parallel_loop3A_819 = arith.shli %parallel_loop3A_816, %parallel_loop3A_818 : vector<16xi32>
        %parallel_loop3A_820 = tpu.bitcast %parallel_loop3A_819 : vector<16xi32> -> vector<16xf32>
        %parallel_loop3A_821 = arith.andi %parallel_loop3A_816, %broadcast_in_dim3A_3 : vector<16xi32>
        %parallel_loop3A_822 = tpu.bitcast %parallel_loop3A_821 : vector<16xi32> -> vector<16xf32>
        %parallel_loop3A_823 = arith.addf %parallel_loop3A_787, %parallel_loop3A_820 : vector<16xf32>
        %parallel_loop3A_824 = arith.addf %parallel_loop3A_788, %parallel_loop3A_822 : vector<16xf32>
        %parallel_loop3A_825 = arith.constant 1 : i32
        %parallel_loop3A_826 = arith.addi %parallel_loop3A_784, %parallel_loop3A_825 : i32
        %parallel_loop3A_827 = arith.constant 5 : i32
        %parallel_loop3A_828 = arith.index_cast %parallel_loop3A_827 : i32 to index
        %parallel_loop3A_829 = arith.index_cast %parallel_loop3A_826 : i32 to index
        %parallel_loop3A_830 = arith.constant 0 : index
        %parallel_loop3A_831 = tpu.vector_load %arg6[%parallel_loop3A_828, %parallel_loop3A_829, %parallel_loop3A_830] {strides = array<i32>} : memref<8x200x32xi32, #tpu.memory_space<vmem>>, vector<1x1x16xi32>,
        %parallel_loop3A_832 = vector.shape_cast %parallel_loop3A_831 : vector<1x1x16xi32> to vector<16xi32>
        %parallel_loop3A_833 = arith.constant 16 : i32
        %parallel_loop3A_834 = vector.broadcast %parallel_loop3A_833 : i32 to vector<16xi32>
        %parallel_loop3A_835 = arith.shli %parallel_loop3A_832, %parallel_loop3A_834 : vector<16xi32>
        %parallel_loop3A_836 = tpu.bitcast %parallel_loop3A_835 : vector<16xi32> -> vector<16xf32>
        %parallel_loop3A_837 = arith.andi %parallel_loop3A_832, %broadcast_in_dim3A_3 : vector<16xi32>
        %parallel_loop3A_838 = tpu.bitcast %parallel_loop3A_837 : vector<16xi32> -> vector<16xf32>
        %parallel_loop3A_839 = arith.addf %parallel_loop3A_789, %parallel_loop3A_836 : vector<16xf32>
        %parallel_loop3A_840 = arith.addf %parallel_loop3A_790, %parallel_loop3A_838 : vector<16xf32>
        %parallel_loop3A_841 = arith.constant 1 : i32
        %parallel_loop3A_842 = arith.addi %parallel_loop3A_784, %parallel_loop3A_841 : i32
        %parallel_loop3A_843 = arith.constant 5 : i32
        %parallel_loop3A_844 = arith.index_cast %parallel_loop3A_843 : i32 to index
        %parallel_loop3A_845 = arith.index_cast %parallel_loop3A_842 : i32 to index
        %parallel_loop3A_846 = arith.constant 16 : index
        %parallel_loop3A_847 = tpu.vector_load %arg6[%parallel_loop3A_844, %parallel_loop3A_845, %parallel_loop3A_846] {strides = array<i32>} : memref<8x200x32xi32, #tpu.memory_space<vmem>>, vector<1x1x16xi32>,
        %parallel_loop3A_848 = vector.shape_cast %parallel_loop3A_847 : vector<1x1x16xi32> to vector<16xi32>
        %parallel_loop3A_849 = arith.constant 16 : i32
        %parallel_loop3A_850 = vector.broadcast %parallel_loop3A_849 : i32 to vector<16xi32>
        %parallel_loop3A_851 = arith.shli %parallel_loop3A_848, %parallel_loop3A_850 : vector<16xi32>
        %parallel_loop3A_852 = tpu.bitcast %parallel_loop3A_851 : vector<16xi32> -> vector<16xf32>
        %parallel_loop3A_853 = arith.andi %parallel_loop3A_848, %broadcast_in_dim3A_3 : vector<16xi32>
        %parallel_loop3A_854 = tpu.bitcast %parallel_loop3A_853 : vector<16xi32> -> vector<16xf32>
        %parallel_loop3A_855 = arith.addf %parallel_loop3A_791, %parallel_loop3A_852 : vector<16xf32>
        %parallel_loop3A_856 = arith.addf %parallel_loop3A_792, %parallel_loop3A_854 : vector<16xf32>
        scf.yield %parallel_loop3A_807, %parallel_loop3A_808, %parallel_loop3A_823, %parallel_loop3A_824, %parallel_loop3A_839, %parallel_loop3A_840, %parallel_loop3A_855, %parallel_loop3A_856 : vector<16xf32>, vector<16xf32>, vector<16xf32>, vector<16xf32>, vector<16xf32>, vector<16xf32>, vector<16xf32>, vector<16xf32>
      } {sc.loop_unroll_factor = 4 : i64, sc.parallel_access}
      %add3A_594 = arith.addf %parallel_loop3A_593#0, %parallel_loop3A_593#4 : vector<16xf32>
      %mul3A_595 = arith.constant 5.000000e-03 : f32
      %mul3A_596 = vector.broadcast %mul3A_595 : f32 to vector<16xf32>
      %mul3A_597 = arith.mulf %add3A_594, %mul3A_596 : vector<16xf32>
      %swap3A_598 = arith.index_cast %add3A_565 : i32 to index
      %swap3A_599 = arith.constant 0 : index
      %swap3A_600 = tpu.vector_load %arg7[%swap3A_598, %swap3A_599] {strides = array<i32>} : memref<128x128xf32, #tpu.memory_space<vmem>>, vector<1x16xf32>,
      %swap3A_601 = vector.shape_cast %swap3A_600 : vector<1x16xf32> to vector<16xf32>
      %swap3A_602 = vector.shape_cast %mul3A_597 : vector<16xf32> to vector<1x16xf32>
      tpu.vector_store %arg7[%swap3A_598, %swap3A_599], %swap3A_602 {strides = array<i32>} : memref<128x128xf32, #tpu.memory_space<vmem>>, vector<1x16xf32>,
      %add3A_603 = arith.addf %parallel_loop3A_593#1, %parallel_loop3A_593#5 : vector<16xf32>
      %mul3A_604 = arith.constant 5.000000e-03 : f32
      %mul3A_605 = vector.broadcast %mul3A_604 : f32 to vector<16xf32>
      %mul3A_606 = arith.mulf %add3A_603, %mul3A_605 : vector<16xf32>
      %swap3A_607 = arith.index_cast %add3A_565 : i32 to index
      %swap3A_608 = arith.constant 32 : index
      %swap3A_609 = tpu.vector_load %arg7[%swap3A_607, %swap3A_608] {strides = array<i32>} : memref<128x128xf32, #tpu.memory_space<vmem>>, vector<1x16xf32>,
      %swap3A_610 = vector.shape_cast %swap3A_609 : vector<1x16xf32> to vector<16xf32>
      %swap3A_611 = vector.shape_cast %mul3A_606 : vector<16xf32> to vector<1x16xf32>
      tpu.vector_store %arg7[%swap3A_607, %swap3A_608], %swap3A_611 {strides = array<i32>} : memref<128x128xf32, #tpu.memory_space<vmem>>, vector<1x16xf32>,
      %add3A_612 = arith.addf %parallel_loop3A_593#2, %parallel_loop3A_593#6 : vector<16xf32>
      %mul3A_613 = arith.constant 5.000000e-03 : f32
      %mul3A_614 = vector.broadcast %mul3A_613 : f32 to vector<16xf32>
      %mul3A_615 = arith.mulf %add3A_612, %mul3A_614 : vector<16xf32>
      %swap3A_616 = arith.index_cast %add3A_565 : i32 to index
      %swap3A_617 = arith.constant 16 : index
      %swap3A_618 = tpu.vector_load %arg7[%swap3A_616, %swap3A_617] {strides = array<i32>} : memref<128x128xf32, #tpu.memory_space<vmem>>, vector<1x16xf32>,
      %swap3A_619 = vector.shape_cast %swap3A_618 : vector<1x16xf32> to vector<16xf32>
      %swap3A_620 = vector.shape_cast %mul3A_615 : vector<16xf32> to vector<1x16xf32>
      tpu.vector_store %arg7[%swap3A_616, %swap3A_617], %swap3A_620 {strides = array<i32>} : memref<128x128xf32, #tpu.memory_space<vmem>>, vector<1x16xf32>,
      %add3A_621 = arith.addf %parallel_loop3A_593#3, %parallel_loop3A_593#7 : vector<16xf32>
      %mul3A_622 = arith.constant 5.000000e-03 : f32
      %mul3A_623 = vector.broadcast %mul3A_622 : f32 to vector<16xf32>
      %mul3A_624 = arith.mulf %add3A_621, %mul3A_623 : vector<16xf32>
      %swap3A_625 = arith.index_cast %add3A_565 : i32 to index
      %swap3A_626 = arith.constant 48 : index
      %swap3A_627 = tpu.vector_load %arg7[%swap3A_625, %swap3A_626] {strides = array<i32>} : memref<128x128xf32, #tpu.memory_space<vmem>>, vector<1x16xf32>,
      %swap3A_628 = vector.shape_cast %swap3A_627 : vector<1x16xf32> to vector<16xf32>
      %swap3A_629 = vector.shape_cast %mul3A_624 : vector<16xf32> to vector<1x16xf32>
      tpu.vector_store %arg7[%swap3A_625, %swap3A_626], %swap3A_629 {strides = array<i32>} : memref<128x128xf32, #tpu.memory_space<vmem>>, vector<1x16xf32>,
      %add3A_630 = arith.constant 8 : i32
      %add3A_631 = arith.addi %add3A_565, %add3A_630 : i32
      %lt3A_632 = arith.constant 128 : i32
      %lt3A_633 = arith.cmpi slt, %add3A_631, %lt3A_632 : i32
      %convert_element_type3A_634 = arith.extui %lt3A_633 : i1 to i32
      %cond3A_635 = arith.constant 0 : i32
      %cond3A_636 = arith.cmpi ne, %convert_element_type3A_634, %cond3A_635 : i32
      scf.if %cond3A_636 {
        %add3A_784 = arith.constant 8 : i32
        %add3A_785 = arith.addi %add3A_565, %add3A_784 : i32
        %dma_start3A_786 = arith.constant 5 : i32
        %dma_start3A_787 = arith.constant 0 : i32
        %dma_start3A_788 = arith.constant 0 : i32
        %dma_start3A_789 = tpu.memref_slice %arg6[%dma_start3A_786, %dma_start3A_787, %dma_start3A_788] : memref<8x200x32xi32, #tpu.memory_space<vmem>> -> memref<1x104x32xi32, #tpu.memory_space<vmem>>
        %dma_start3A_790 = tpu.memref_squeeze %dma_start3A_789 : memref<1x104x32xi32, #tpu.memory_space<vmem>> -> memref<104x32xi32, #tpu.memory_space<vmem>>
        %dma_start3A_791 = arith.constant 0 : i32
        %dma_start3A_792 = tpu.memref_slice %arg5[%add3A_785, %dma_start3A_791] : memref<128x256xi32, #tpu.memory_space<vmem>> -> memref<1x104xi32, #tpu.memory_space<vmem>>
        %dma_start3A_793 = tpu.memref_squeeze %dma_start3A_792 : memref<1x104xi32, #tpu.memory_space<vmem>> -> memref<104xi32, #tpu.memory_space<vmem>>
        %dma_start3A_794 = arith.constant 0 : i32
        %dma_start3A_795 = arith.constant 0 : i32
        %dma_start3A_796 = tpu.memref_slice %arg3[%dma_start3A_794, %dma_start3A_795] : memref<1024000x32xi32, #tpu.memory_space<hbm>> -> memref<1024000x32xi32, #tpu.memory_space<hbm>>
        tpu.enqueue_indirect_dma source(%dma_start3A_796 : memref<1024000x32xi32, #tpu.memory_space<hbm>>) target(%dma_start3A_790 : memref<104x32xi32, #tpu.memory_space<vmem>>) offsets(%dma_start3A_793 : memref<104xi32, #tpu.memory_space<vmem>>) semaphore(%arg13 : memref<!tpu.dma_semaphore, #tpu.memory_space<semaphore_mem>>)
        %dma_start3A_797 = arith.constant 5 : i32
        %dma_start3A_798 = arith.constant 104 : i32
        %dma_start3A_799 = arith.constant 0 : i32
        %dma_start3A_800 = tpu.memref_slice %arg6[%dma_start3A_797, %dma_start3A_798, %dma_start3A_799] : memref<8x200x32xi32, #tpu.memory_space<vmem>> -> memref<1x96x32xi32, #tpu.memory_space<vmem>>
        %dma_start3A_801 = tpu.memref_squeeze %dma_start3A_800 : memref<1x96x32xi32, #tpu.memory_space<vmem>> -> memref<96x32xi32, #tpu.memory_space<vmem>>
        %dma_start3A_802 = arith.constant 104 : i32
        %dma_start3A_803 = tpu.memref_slice %arg5[%add3A_785, %dma_start3A_802] : memref<128x256xi32, #tpu.memory_space<vmem>> -> memref<1x96xi32, #tpu.memory_space<vmem>>
        %dma_start3A_804 = tpu.memref_squeeze %dma_start3A_803 : memref<1x96xi32, #tpu.memory_space<vmem>> -> memref<96xi32, #tpu.memory_space<vmem>>
        %dma_start3A_805 = arith.constant 0 : i32
        %dma_start3A_806 = arith.constant 0 : i32
        %dma_start3A_807 = tpu.memref_slice %arg3[%dma_start3A_805, %dma_start3A_806] : memref<1024000x32xi32, #tpu.memory_space<hbm>> -> memref<1024000x32xi32, #tpu.memory_space<hbm>>
        tpu.enqueue_indirect_dma source(%dma_start3A_807 : memref<1024000x32xi32, #tpu.memory_space<hbm>>) target(%dma_start3A_801 : memref<96x32xi32, #tpu.memory_space<vmem>>) offsets(%dma_start3A_804 : memref<96xi32, #tpu.memory_space<vmem>>) semaphore(%arg13 : memref<!tpu.dma_semaphore, #tpu.memory_space<semaphore_mem>>)
      } else {
      }
      %add3A_637 = arith.constant 6 : i32
      %add3A_638 = arith.addi %mul3A_204, %add3A_637 : i32
      %dma_wait3A_639 = arith.constant 6 : i32
      %dma_wait3A_640 = arith.constant 0 : i32
      %dma_wait3A_641 = arith.constant 0 : i32
      %dma_wait3A_642 = tpu.memref_slice %arg6[%dma_wait3A_639, %dma_wait3A_640, %dma_wait3A_641] : memref<8x200x32xi32, #tpu.memory_space<vmem>> -> memref<1x104x32xi32, #tpu.memory_space<vmem>>
      %dma_wait3A_643 = tpu.memref_squeeze %dma_wait3A_642 : memref<1x104x32xi32, #tpu.memory_space<vmem>> -> memref<104x32xi32, #tpu.memory_space<vmem>>
      %dma_wait3A_644 = arith.constant 0 : i32
      %dma_wait3A_645 = tpu.memref_slice %arg5[%add3A_638, %dma_wait3A_644] : memref<128x256xi32, #tpu.memory_space<vmem>> -> memref<1x104xi32, #tpu.memory_space<vmem>>
      %dma_wait3A_646 = tpu.memref_squeeze %dma_wait3A_645 : memref<1x104xi32, #tpu.memory_space<vmem>> -> memref<104xi32, #tpu.memory_space<vmem>>
      %dma_wait3A_647 = arith.constant 0 : i32
      %dma_wait3A_648 = arith.constant 0 : i32
      %dma_wait3A_649 = tpu.memref_slice %arg3[%dma_wait3A_647, %dma_wait3A_648] : memref<1024000x32xi32, #tpu.memory_space<hbm>> -> memref<1024000x32xi32, #tpu.memory_space<hbm>>
      tpu.wait_indirect_dma semaphore(%arg14 : memref<!tpu.dma_semaphore, #tpu.memory_space<semaphore_mem>>) src(%dma_wait3A_649 : memref<1024000x32xi32, #tpu.memory_space<hbm>>) dst(%dma_wait3A_643 : memref<104x32xi32, #tpu.memory_space<vmem>>)
      %dma_wait3A_650 = arith.constant 6 : i32
      %dma_wait3A_651 = arith.constant 104 : i32
      %dma_wait3A_652 = arith.constant 0 : i32
      %dma_wait3A_653 = tpu.memref_slice %arg6[%dma_wait3A_650, %dma_wait3A_651, %dma_wait3A_652] : memref<8x200x32xi32, #tpu.memory_space<vmem>> -> memref<1x96x32xi32, #tpu.memory_space<vmem>>
      %dma_wait3A_654 = tpu.memref_squeeze %dma_wait3A_653 : memref<1x96x32xi32, #tpu.memory_space<vmem>> -> memref<96x32xi32, #tpu.memory_space<vmem>>
      %dma_wait3A_655 = arith.constant 104 : i32
      %dma_wait3A_656 = tpu.memref_slice %arg5[%add3A_638, %dma_wait3A_655] : memref<128x256xi32, #tpu.memory_space<vmem>> -> memref<1x96xi32, #tpu.memory_space<vmem>>
      %dma_wait3A_657 = tpu.memref_squeeze %dma_wait3A_656 : memref<1x96xi32, #tpu.memory_space<vmem>> -> memref<96xi32, #tpu.memory_space<vmem>>
      %dma_wait3A_658 = arith.constant 0 : i32
      %dma_wait3A_659 = arith.constant 0 : i32
      %dma_wait3A_660 = tpu.memref_slice %arg3[%dma_wait3A_658, %dma_wait3A_659] : memref<1024000x32xi32, #tpu.memory_space<hbm>> -> memref<1024000x32xi32, #tpu.memory_space<hbm>>
      tpu.wait_indirect_dma semaphore(%arg14 : memref<!tpu.dma_semaphore, #tpu.memory_space<semaphore_mem>>) src(%dma_wait3A_660 : memref<1024000x32xi32, #tpu.memory_space<hbm>>) dst(%dma_wait3A_654 : memref<96x32xi32, #tpu.memory_space<vmem>>)
      %broadcast_in_dim3A_661 = arith.constant 0.000000e+00 : f32
      %broadcast_in_dim3A_662 = vector.broadcast %broadcast_in_dim3A_661 : f32 to vector<16xf32>
      %parallel_loop3A_663 = arith.constant 0 : i32
      %parallel_loop3A_664 = arith.constant 200 : i32
      %parallel_loop3A_665 = arith.constant 2 : i32
      %parallel_loop3A_666:8 = scf.for %parallel_loop3A_784 = %parallel_loop3A_663 to %parallel_loop3A_664 step %parallel_loop3A_665 iter_args(%parallel_loop3A_785 = %broadcast_in_dim3A_662, %parallel_loop3A_786 = %broadcast_in_dim3A_662, %parallel_loop3A_787 = %broadcast_in_dim3A_662, %parallel_loop3A_788 = %broadcast_in_dim3A_662, %parallel_loop3A_789 = %broadcast_in_dim3A_662, %parallel_loop3A_790 = %broadcast_in_dim3A_662, %parallel_loop3A_791 = %broadcast_in_dim3A_662, %parallel_loop3A_792 = %broadcast_in_dim3A_662) -> (vector<16xf32>, vector<16xf32>, vector<16xf32>, vector<16xf32>, vector<16xf32>, vector<16xf32>, vector<16xf32>, vector<16xf32>)  : i32 {
        %parallel_loop3A_793 = arith.constant 0 : i32
        %parallel_loop3A_794 = arith.addi %parallel_loop3A_784, %parallel_loop3A_793 : i32
        %parallel_loop3A_795 = arith.constant 6 : i32
        %parallel_loop3A_796 = arith.index_cast %parallel_loop3A_795 : i32 to index
        %parallel_loop3A_797 = arith.index_cast %parallel_loop3A_794 : i32 to index
        %parallel_loop3A_798 = arith.constant 0 : index
        %parallel_loop3A_799 = tpu.vector_load %arg6[%parallel_loop3A_796, %parallel_loop3A_797, %parallel_loop3A_798] {strides = array<i32>} : memref<8x200x32xi32, #tpu.memory_space<vmem>>, vector<1x1x16xi32>,
        %parallel_loop3A_800 = vector.shape_cast %parallel_loop3A_799 : vector<1x1x16xi32> to vector<16xi32>
        %parallel_loop3A_801 = arith.constant 16 : i32
        %parallel_loop3A_802 = vector.broadcast %parallel_loop3A_801 : i32 to vector<16xi32>
        %parallel_loop3A_803 = arith.shli %parallel_loop3A_800, %parallel_loop3A_802 : vector<16xi32>
        %parallel_loop3A_804 = tpu.bitcast %parallel_loop3A_803 : vector<16xi32> -> vector<16xf32>
        %parallel_loop3A_805 = arith.andi %parallel_loop3A_800, %broadcast_in_dim3A_3 : vector<16xi32>
        %parallel_loop3A_806 = tpu.bitcast %parallel_loop3A_805 : vector<16xi32> -> vector<16xf32>
        %parallel_loop3A_807 = arith.addf %parallel_loop3A_785, %parallel_loop3A_804 : vector<16xf32>
        %parallel_loop3A_808 = arith.addf %parallel_loop3A_786, %parallel_loop3A_806 : vector<16xf32>
        %parallel_loop3A_809 = arith.constant 0 : i32
        %parallel_loop3A_810 = arith.addi %parallel_loop3A_784, %parallel_loop3A_809 : i32
        %parallel_loop3A_811 = arith.constant 6 : i32
        %parallel_loop3A_812 = arith.index_cast %parallel_loop3A_811 : i32 to index
        %parallel_loop3A_813 = arith.index_cast %parallel_loop3A_810 : i32 to index
        %parallel_loop3A_814 = arith.constant 16 : index
        %parallel_loop3A_815 = tpu.vector_load %arg6[%parallel_loop3A_812, %parallel_loop3A_813, %parallel_loop3A_814] {strides = array<i32>} : memref<8x200x32xi32, #tpu.memory_space<vmem>>, vector<1x1x16xi32>,
        %parallel_loop3A_816 = vector.shape_cast %parallel_loop3A_815 : vector<1x1x16xi32> to vector<16xi32>
        %parallel_loop3A_817 = arith.constant 16 : i32
        %parallel_loop3A_818 = vector.broadcast %parallel_loop3A_817 : i32 to vector<16xi32>
        %parallel_loop3A_819 = arith.shli %parallel_loop3A_816, %parallel_loop3A_818 : vector<16xi32>
        %parallel_loop3A_820 = tpu.bitcast %parallel_loop3A_819 : vector<16xi32> -> vector<16xf32>
        %parallel_loop3A_821 = arith.andi %parallel_loop3A_816, %broadcast_in_dim3A_3 : vector<16xi32>
        %parallel_loop3A_822 = tpu.bitcast %parallel_loop3A_821 : vector<16xi32> -> vector<16xf32>
        %parallel_loop3A_823 = arith.addf %parallel_loop3A_787, %parallel_loop3A_820 : vector<16xf32>
        %parallel_loop3A_824 = arith.addf %parallel_loop3A_788, %parallel_loop3A_822 : vector<16xf32>
        %parallel_loop3A_825 = arith.constant 1 : i32
        %parallel_loop3A_826 = arith.addi %parallel_loop3A_784, %parallel_loop3A_825 : i32
        %parallel_loop3A_827 = arith.constant 6 : i32
        %parallel_loop3A_828 = arith.index_cast %parallel_loop3A_827 : i32 to index
        %parallel_loop3A_829 = arith.index_cast %parallel_loop3A_826 : i32 to index
        %parallel_loop3A_830 = arith.constant 0 : index
        %parallel_loop3A_831 = tpu.vector_load %arg6[%parallel_loop3A_828, %parallel_loop3A_829, %parallel_loop3A_830] {strides = array<i32>} : memref<8x200x32xi32, #tpu.memory_space<vmem>>, vector<1x1x16xi32>,
        %parallel_loop3A_832 = vector.shape_cast %parallel_loop3A_831 : vector<1x1x16xi32> to vector<16xi32>
        %parallel_loop3A_833 = arith.constant 16 : i32
        %parallel_loop3A_834 = vector.broadcast %parallel_loop3A_833 : i32 to vector<16xi32>
        %parallel_loop3A_835 = arith.shli %parallel_loop3A_832, %parallel_loop3A_834 : vector<16xi32>
        %parallel_loop3A_836 = tpu.bitcast %parallel_loop3A_835 : vector<16xi32> -> vector<16xf32>
        %parallel_loop3A_837 = arith.andi %parallel_loop3A_832, %broadcast_in_dim3A_3 : vector<16xi32>
        %parallel_loop3A_838 = tpu.bitcast %parallel_loop3A_837 : vector<16xi32> -> vector<16xf32>
        %parallel_loop3A_839 = arith.addf %parallel_loop3A_789, %parallel_loop3A_836 : vector<16xf32>
        %parallel_loop3A_840 = arith.addf %parallel_loop3A_790, %parallel_loop3A_838 : vector<16xf32>
        %parallel_loop3A_841 = arith.constant 1 : i32
        %parallel_loop3A_842 = arith.addi %parallel_loop3A_784, %parallel_loop3A_841 : i32
        %parallel_loop3A_843 = arith.constant 6 : i32
        %parallel_loop3A_844 = arith.index_cast %parallel_loop3A_843 : i32 to index
        %parallel_loop3A_845 = arith.index_cast %parallel_loop3A_842 : i32 to index
        %parallel_loop3A_846 = arith.constant 16 : index
        %parallel_loop3A_847 = tpu.vector_load %arg6[%parallel_loop3A_844, %parallel_loop3A_845, %parallel_loop3A_846] {strides = array<i32>} : memref<8x200x32xi32, #tpu.memory_space<vmem>>, vector<1x1x16xi32>,
        %parallel_loop3A_848 = vector.shape_cast %parallel_loop3A_847 : vector<1x1x16xi32> to vector<16xi32>
        %parallel_loop3A_849 = arith.constant 16 : i32
        %parallel_loop3A_850 = vector.broadcast %parallel_loop3A_849 : i32 to vector<16xi32>
        %parallel_loop3A_851 = arith.shli %parallel_loop3A_848, %parallel_loop3A_850 : vector<16xi32>
        %parallel_loop3A_852 = tpu.bitcast %parallel_loop3A_851 : vector<16xi32> -> vector<16xf32>
        %parallel_loop3A_853 = arith.andi %parallel_loop3A_848, %broadcast_in_dim3A_3 : vector<16xi32>
        %parallel_loop3A_854 = tpu.bitcast %parallel_loop3A_853 : vector<16xi32> -> vector<16xf32>
        %parallel_loop3A_855 = arith.addf %parallel_loop3A_791, %parallel_loop3A_852 : vector<16xf32>
        %parallel_loop3A_856 = arith.addf %parallel_loop3A_792, %parallel_loop3A_854 : vector<16xf32>
        scf.yield %parallel_loop3A_807, %parallel_loop3A_808, %parallel_loop3A_823, %parallel_loop3A_824, %parallel_loop3A_839, %parallel_loop3A_840, %parallel_loop3A_855, %parallel_loop3A_856 : vector<16xf32>, vector<16xf32>, vector<16xf32>, vector<16xf32>, vector<16xf32>, vector<16xf32>, vector<16xf32>, vector<16xf32>
      } {sc.loop_unroll_factor = 4 : i64, sc.parallel_access}
      %add3A_667 = arith.addf %parallel_loop3A_666#0, %parallel_loop3A_666#4 : vector<16xf32>
      %mul3A_668 = arith.constant 5.000000e-03 : f32
      %mul3A_669 = vector.broadcast %mul3A_668 : f32 to vector<16xf32>
      %mul3A_670 = arith.mulf %add3A_667, %mul3A_669 : vector<16xf32>
      %swap3A_671 = arith.index_cast %add3A_638 : i32 to index
      %swap3A_672 = arith.constant 0 : index
      %swap3A_673 = tpu.vector_load %arg7[%swap3A_671, %swap3A_672] {strides = array<i32>} : memref<128x128xf32, #tpu.memory_space<vmem>>, vector<1x16xf32>,
      %swap3A_674 = vector.shape_cast %swap3A_673 : vector<1x16xf32> to vector<16xf32>
      %swap3A_675 = vector.shape_cast %mul3A_670 : vector<16xf32> to vector<1x16xf32>
      tpu.vector_store %arg7[%swap3A_671, %swap3A_672], %swap3A_675 {strides = array<i32>} : memref<128x128xf32, #tpu.memory_space<vmem>>, vector<1x16xf32>,
      %add3A_676 = arith.addf %parallel_loop3A_666#1, %parallel_loop3A_666#5 : vector<16xf32>
      %mul3A_677 = arith.constant 5.000000e-03 : f32
      %mul3A_678 = vector.broadcast %mul3A_677 : f32 to vector<16xf32>
      %mul3A_679 = arith.mulf %add3A_676, %mul3A_678 : vector<16xf32>
      %swap3A_680 = arith.index_cast %add3A_638 : i32 to index
      %swap3A_681 = arith.constant 32 : index
      %swap3A_682 = tpu.vector_load %arg7[%swap3A_680, %swap3A_681] {strides = array<i32>} : memref<128x128xf32, #tpu.memory_space<vmem>>, vector<1x16xf32>,
      %swap3A_683 = vector.shape_cast %swap3A_682 : vector<1x16xf32> to vector<16xf32>
      %swap3A_684 = vector.shape_cast %mul3A_679 : vector<16xf32> to vector<1x16xf32>
      tpu.vector_store %arg7[%swap3A_680, %swap3A_681], %swap3A_684 {strides = array<i32>} : memref<128x128xf32, #tpu.memory_space<vmem>>, vector<1x16xf32>,
      %add3A_685 = arith.addf %parallel_loop3A_666#2, %parallel_loop3A_666#6 : vector<16xf32>
      %mul3A_686 = arith.constant 5.000000e-03 : f32
      %mul3A_687 = vector.broadcast %mul3A_686 : f32 to vector<16xf32>
      %mul3A_688 = arith.mulf %add3A_685, %mul3A_687 : vector<16xf32>
      %swap3A_689 = arith.index_cast %add3A_638 : i32 to index
      %swap3A_690 = arith.constant 16 : index
      %swap3A_691 = tpu.vector_load %arg7[%swap3A_689, %swap3A_690] {strides = array<i32>} : memref<128x128xf32, #tpu.memory_space<vmem>>, vector<1x16xf32>,
      %swap3A_692 = vector.shape_cast %swap3A_691 : vector<1x16xf32> to vector<16xf32>
      %swap3A_693 = vector.shape_cast %mul3A_688 : vector<16xf32> to vector<1x16xf32>
      tpu.vector_store %arg7[%swap3A_689, %swap3A_690], %swap3A_693 {strides = array<i32>} : memref<128x128xf32, #tpu.memory_space<vmem>>, vector<1x16xf32>,
      %add3A_694 = arith.addf %parallel_loop3A_666#3, %parallel_loop3A_666#7 : vector<16xf32>
      %mul3A_695 = arith.constant 5.000000e-03 : f32
      %mul3A_696 = vector.broadcast %mul3A_695 : f32 to vector<16xf32>
      %mul3A_697 = arith.mulf %add3A_694, %mul3A_696 : vector<16xf32>
      %swap3A_698 = arith.index_cast %add3A_638 : i32 to index
      %swap3A_699 = arith.constant 48 : index
      %swap3A_700 = tpu.vector_load %arg7[%swap3A_698, %swap3A_699] {strides = array<i32>} : memref<128x128xf32, #tpu.memory_space<vmem>>, vector<1x16xf32>,
      %swap3A_701 = vector.shape_cast %swap3A_700 : vector<1x16xf32> to vector<16xf32>
      %swap3A_702 = vector.shape_cast %mul3A_697 : vector<16xf32> to vector<1x16xf32>
      tpu.vector_store %arg7[%swap3A_698, %swap3A_699], %swap3A_702 {strides = array<i32>} : memref<128x128xf32, #tpu.memory_space<vmem>>, vector<1x16xf32>,
      %add3A_703 = arith.constant 8 : i32
      %add3A_704 = arith.addi %add3A_638, %add3A_703 : i32
      %lt3A_705 = arith.constant 128 : i32
      %lt3A_706 = arith.cmpi slt, %add3A_704, %lt3A_705 : i32
      %convert_element_type3A_707 = arith.extui %lt3A_706 : i1 to i32
      %cond3A_708 = arith.constant 0 : i32
      %cond3A_709 = arith.cmpi ne, %convert_element_type3A_707, %cond3A_708 : i32
      scf.if %cond3A_709 {
        %add3A_784 = arith.constant 8 : i32
        %add3A_785 = arith.addi %add3A_638, %add3A_784 : i32
        %dma_start3A_786 = arith.constant 6 : i32
        %dma_start3A_787 = arith.constant 0 : i32
        %dma_start3A_788 = arith.constant 0 : i32
        %dma_start3A_789 = tpu.memref_slice %arg6[%dma_start3A_786, %dma_start3A_787, %dma_start3A_788] : memref<8x200x32xi32, #tpu.memory_space<vmem>> -> memref<1x104x32xi32, #tpu.memory_space<vmem>>
        %dma_start3A_790 = tpu.memref_squeeze %dma_start3A_789 : memref<1x104x32xi32, #tpu.memory_space<vmem>> -> memref<104x32xi32, #tpu.memory_space<vmem>>
        %dma_start3A_791 = arith.constant 0 : i32
        %dma_start3A_792 = tpu.memref_slice %arg5[%add3A_785, %dma_start3A_791] : memref<128x256xi32, #tpu.memory_space<vmem>> -> memref<1x104xi32, #tpu.memory_space<vmem>>
        %dma_start3A_793 = tpu.memref_squeeze %dma_start3A_792 : memref<1x104xi32, #tpu.memory_space<vmem>> -> memref<104xi32, #tpu.memory_space<vmem>>
        %dma_start3A_794 = arith.constant 0 : i32
        %dma_start3A_795 = arith.constant 0 : i32
        %dma_start3A_796 = tpu.memref_slice %arg3[%dma_start3A_794, %dma_start3A_795] : memref<1024000x32xi32, #tpu.memory_space<hbm>> -> memref<1024000x32xi32, #tpu.memory_space<hbm>>
        tpu.enqueue_indirect_dma source(%dma_start3A_796 : memref<1024000x32xi32, #tpu.memory_space<hbm>>) target(%dma_start3A_790 : memref<104x32xi32, #tpu.memory_space<vmem>>) offsets(%dma_start3A_793 : memref<104xi32, #tpu.memory_space<vmem>>) semaphore(%arg14 : memref<!tpu.dma_semaphore, #tpu.memory_space<semaphore_mem>>)
        %dma_start3A_797 = arith.constant 6 : i32
        %dma_start3A_798 = arith.constant 104 : i32
        %dma_start3A_799 = arith.constant 0 : i32
        %dma_start3A_800 = tpu.memref_slice %arg6[%dma_start3A_797, %dma_start3A_798, %dma_start3A_799] : memref<8x200x32xi32, #tpu.memory_space<vmem>> -> memref<1x96x32xi32, #tpu.memory_space<vmem>>
        %dma_start3A_801 = tpu.memref_squeeze %dma_start3A_800 : memref<1x96x32xi32, #tpu.memory_space<vmem>> -> memref<96x32xi32, #tpu.memory_space<vmem>>
        %dma_start3A_802 = arith.constant 104 : i32
        %dma_start3A_803 = tpu.memref_slice %arg5[%add3A_785, %dma_start3A_802] : memref<128x256xi32, #tpu.memory_space<vmem>> -> memref<1x96xi32, #tpu.memory_space<vmem>>
        %dma_start3A_804 = tpu.memref_squeeze %dma_start3A_803 : memref<1x96xi32, #tpu.memory_space<vmem>> -> memref<96xi32, #tpu.memory_space<vmem>>
        %dma_start3A_805 = arith.constant 0 : i32
        %dma_start3A_806 = arith.constant 0 : i32
        %dma_start3A_807 = tpu.memref_slice %arg3[%dma_start3A_805, %dma_start3A_806] : memref<1024000x32xi32, #tpu.memory_space<hbm>> -> memref<1024000x32xi32, #tpu.memory_space<hbm>>
        tpu.enqueue_indirect_dma source(%dma_start3A_807 : memref<1024000x32xi32, #tpu.memory_space<hbm>>) target(%dma_start3A_801 : memref<96x32xi32, #tpu.memory_space<vmem>>) offsets(%dma_start3A_804 : memref<96xi32, #tpu.memory_space<vmem>>) semaphore(%arg14 : memref<!tpu.dma_semaphore, #tpu.memory_space<semaphore_mem>>)
      } else {
      }
      %add3A_710 = arith.constant 7 : i32
      %add3A_711 = arith.addi %mul3A_204, %add3A_710 : i32
      %dma_wait3A_712 = arith.constant 7 : i32
      %dma_wait3A_713 = arith.constant 0 : i32
      %dma_wait3A_714 = arith.constant 0 : i32
      %dma_wait3A_715 = tpu.memref_slice %arg6[%dma_wait3A_712, %dma_wait3A_713, %dma_wait3A_714] : memref<8x200x32xi32, #tpu.memory_space<vmem>> -> memref<1x104x32xi32, #tpu.memory_space<vmem>>
      %dma_wait3A_716 = tpu.memref_squeeze %dma_wait3A_715 : memref<1x104x32xi32, #tpu.memory_space<vmem>> -> memref<104x32xi32, #tpu.memory_space<vmem>>
      %dma_wait3A_717 = arith.constant 0 : i32
      %dma_wait3A_718 = tpu.memref_slice %arg5[%add3A_711, %dma_wait3A_717] : memref<128x256xi32, #tpu.memory_space<vmem>> -> memref<1x104xi32, #tpu.memory_space<vmem>>
      %dma_wait3A_719 = tpu.memref_squeeze %dma_wait3A_718 : memref<1x104xi32, #tpu.memory_space<vmem>> -> memref<104xi32, #tpu.memory_space<vmem>>
      %dma_wait3A_720 = arith.constant 0 : i32
      %dma_wait3A_721 = arith.constant 0 : i32
      %dma_wait3A_722 = tpu.memref_slice %arg3[%dma_wait3A_720, %dma_wait3A_721] : memref<1024000x32xi32, #tpu.memory_space<hbm>> -> memref<1024000x32xi32, #tpu.memory_space<hbm>>
      tpu.wait_indirect_dma semaphore(%arg15 : memref<!tpu.dma_semaphore, #tpu.memory_space<semaphore_mem>>) src(%dma_wait3A_722 : memref<1024000x32xi32, #tpu.memory_space<hbm>>) dst(%dma_wait3A_716 : memref<104x32xi32, #tpu.memory_space<vmem>>)
      %dma_wait3A_723 = arith.constant 7 : i32
      %dma_wait3A_724 = arith.constant 104 : i32
      %dma_wait3A_725 = arith.constant 0 : i32
      %dma_wait3A_726 = tpu.memref_slice %arg6[%dma_wait3A_723, %dma_wait3A_724, %dma_wait3A_725] : memref<8x200x32xi32, #tpu.memory_space<vmem>> -> memref<1x96x32xi32, #tpu.memory_space<vmem>>
      %dma_wait3A_727 = tpu.memref_squeeze %dma_wait3A_726 : memref<1x96x32xi32, #tpu.memory_space<vmem>> -> memref<96x32xi32, #tpu.memory_space<vmem>>
      %dma_wait3A_728 = arith.constant 104 : i32
      %dma_wait3A_729 = tpu.memref_slice %arg5[%add3A_711, %dma_wait3A_728] : memref<128x256xi32, #tpu.memory_space<vmem>> -> memref<1x96xi32, #tpu.memory_space<vmem>>
      %dma_wait3A_730 = tpu.memref_squeeze %dma_wait3A_729 : memref<1x96xi32, #tpu.memory_space<vmem>> -> memref<96xi32, #tpu.memory_space<vmem>>
      %dma_wait3A_731 = arith.constant 0 : i32
      %dma_wait3A_732 = arith.constant 0 : i32
      %dma_wait3A_733 = tpu.memref_slice %arg3[%dma_wait3A_731, %dma_wait3A_732] : memref<1024000x32xi32, #tpu.memory_space<hbm>> -> memref<1024000x32xi32, #tpu.memory_space<hbm>>
      tpu.wait_indirect_dma semaphore(%arg15 : memref<!tpu.dma_semaphore, #tpu.memory_space<semaphore_mem>>) src(%dma_wait3A_733 : memref<1024000x32xi32, #tpu.memory_space<hbm>>) dst(%dma_wait3A_727 : memref<96x32xi32, #tpu.memory_space<vmem>>)
      %broadcast_in_dim3A_734 = arith.constant 0.000000e+00 : f32
      %broadcast_in_dim3A_735 = vector.broadcast %broadcast_in_dim3A_734 : f32 to vector<16xf32>
      %parallel_loop3A_736 = arith.constant 0 : i32
      %parallel_loop3A_737 = arith.constant 200 : i32
      %parallel_loop3A_738 = arith.constant 2 : i32
      %parallel_loop3A_739:8 = scf.for %parallel_loop3A_784 = %parallel_loop3A_736 to %parallel_loop3A_737 step %parallel_loop3A_738 iter_args(%parallel_loop3A_785 = %broadcast_in_dim3A_735, %parallel_loop3A_786 = %broadcast_in_dim3A_735, %parallel_loop3A_787 = %broadcast_in_dim3A_735, %parallel_loop3A_788 = %broadcast_in_dim3A_735, %parallel_loop3A_789 = %broadcast_in_dim3A_735, %parallel_loop3A_790 = %broadcast_in_dim3A_735, %parallel_loop3A_791 = %broadcast_in_dim3A_735, %parallel_loop3A_792 = %broadcast_in_dim3A_735) -> (vector<16xf32>, vector<16xf32>, vector<16xf32>, vector<16xf32>, vector<16xf32>, vector<16xf32>, vector<16xf32>, vector<16xf32>)  : i32 {
        %parallel_loop3A_793 = arith.constant 0 : i32
        %parallel_loop3A_794 = arith.addi %parallel_loop3A_784, %parallel_loop3A_793 : i32
        %parallel_loop3A_795 = arith.constant 7 : i32
        %parallel_loop3A_796 = arith.index_cast %parallel_loop3A_795 : i32 to index
        %parallel_loop3A_797 = arith.index_cast %parallel_loop3A_794 : i32 to index
        %parallel_loop3A_798 = arith.constant 0 : index
        %parallel_loop3A_799 = tpu.vector_load %arg6[%parallel_loop3A_796, %parallel_loop3A_797, %parallel_loop3A_798] {strides = array<i32>} : memref<8x200x32xi32, #tpu.memory_space<vmem>>, vector<1x1x16xi32>,
        %parallel_loop3A_800 = vector.shape_cast %parallel_loop3A_799 : vector<1x1x16xi32> to vector<16xi32>
        %parallel_loop3A_801 = arith.constant 16 : i32
        %parallel_loop3A_802 = vector.broadcast %parallel_loop3A_801 : i32 to vector<16xi32>
        %parallel_loop3A_803 = arith.shli %parallel_loop3A_800, %parallel_loop3A_802 : vector<16xi32>
        %parallel_loop3A_804 = tpu.bitcast %parallel_loop3A_803 : vector<16xi32> -> vector<16xf32>
        %parallel_loop3A_805 = arith.andi %parallel_loop3A_800, %broadcast_in_dim3A_3 : vector<16xi32>
        %parallel_loop3A_806 = tpu.bitcast %parallel_loop3A_805 : vector<16xi32> -> vector<16xf32>
        %parallel_loop3A_807 = arith.addf %parallel_loop3A_785, %parallel_loop3A_804 : vector<16xf32>
        %parallel_loop3A_808 = arith.addf %parallel_loop3A_786, %parallel_loop3A_806 : vector<16xf32>
        %parallel_loop3A_809 = arith.constant 0 : i32
        %parallel_loop3A_810 = arith.addi %parallel_loop3A_784, %parallel_loop3A_809 : i32
        %parallel_loop3A_811 = arith.constant 7 : i32
        %parallel_loop3A_812 = arith.index_cast %parallel_loop3A_811 : i32 to index
        %parallel_loop3A_813 = arith.index_cast %parallel_loop3A_810 : i32 to index
        %parallel_loop3A_814 = arith.constant 16 : index
        %parallel_loop3A_815 = tpu.vector_load %arg6[%parallel_loop3A_812, %parallel_loop3A_813, %parallel_loop3A_814] {strides = array<i32>} : memref<8x200x32xi32, #tpu.memory_space<vmem>>, vector<1x1x16xi32>,
        %parallel_loop3A_816 = vector.shape_cast %parallel_loop3A_815 : vector<1x1x16xi32> to vector<16xi32>
        %parallel_loop3A_817 = arith.constant 16 : i32
        %parallel_loop3A_818 = vector.broadcast %parallel_loop3A_817 : i32 to vector<16xi32>
        %parallel_loop3A_819 = arith.shli %parallel_loop3A_816, %parallel_loop3A_818 : vector<16xi32>
        %parallel_loop3A_820 = tpu.bitcast %parallel_loop3A_819 : vector<16xi32> -> vector<16xf32>
        %parallel_loop3A_821 = arith.andi %parallel_loop3A_816, %broadcast_in_dim3A_3 : vector<16xi32>
        %parallel_loop3A_822 = tpu.bitcast %parallel_loop3A_821 : vector<16xi32> -> vector<16xf32>
        %parallel_loop3A_823 = arith.addf %parallel_loop3A_787, %parallel_loop3A_820 : vector<16xf32>
        %parallel_loop3A_824 = arith.addf %parallel_loop3A_788, %parallel_loop3A_822 : vector<16xf32>
        %parallel_loop3A_825 = arith.constant 1 : i32
        %parallel_loop3A_826 = arith.addi %parallel_loop3A_784, %parallel_loop3A_825 : i32
        %parallel_loop3A_827 = arith.constant 7 : i32
        %parallel_loop3A_828 = arith.index_cast %parallel_loop3A_827 : i32 to index
        %parallel_loop3A_829 = arith.index_cast %parallel_loop3A_826 : i32 to index
        %parallel_loop3A_830 = arith.constant 0 : index
        %parallel_loop3A_831 = tpu.vector_load %arg6[%parallel_loop3A_828, %parallel_loop3A_829, %parallel_loop3A_830] {strides = array<i32>} : memref<8x200x32xi32, #tpu.memory_space<vmem>>, vector<1x1x16xi32>,
        %parallel_loop3A_832 = vector.shape_cast %parallel_loop3A_831 : vector<1x1x16xi32> to vector<16xi32>
        %parallel_loop3A_833 = arith.constant 16 : i32
        %parallel_loop3A_834 = vector.broadcast %parallel_loop3A_833 : i32 to vector<16xi32>
        %parallel_loop3A_835 = arith.shli %parallel_loop3A_832, %parallel_loop3A_834 : vector<16xi32>
        %parallel_loop3A_836 = tpu.bitcast %parallel_loop3A_835 : vector<16xi32> -> vector<16xf32>
        %parallel_loop3A_837 = arith.andi %parallel_loop3A_832, %broadcast_in_dim3A_3 : vector<16xi32>
        %parallel_loop3A_838 = tpu.bitcast %parallel_loop3A_837 : vector<16xi32> -> vector<16xf32>
        %parallel_loop3A_839 = arith.addf %parallel_loop3A_789, %parallel_loop3A_836 : vector<16xf32>
        %parallel_loop3A_840 = arith.addf %parallel_loop3A_790, %parallel_loop3A_838 : vector<16xf32>
        %parallel_loop3A_841 = arith.constant 1 : i32
        %parallel_loop3A_842 = arith.addi %parallel_loop3A_784, %parallel_loop3A_841 : i32
        %parallel_loop3A_843 = arith.constant 7 : i32
        %parallel_loop3A_844 = arith.index_cast %parallel_loop3A_843 : i32 to index
        %parallel_loop3A_845 = arith.index_cast %parallel_loop3A_842 : i32 to index
        %parallel_loop3A_846 = arith.constant 16 : index
        %parallel_loop3A_847 = tpu.vector_load %arg6[%parallel_loop3A_844, %parallel_loop3A_845, %parallel_loop3A_846] {strides = array<i32>} : memref<8x200x32xi32, #tpu.memory_space<vmem>>, vector<1x1x16xi32>,
        %parallel_loop3A_848 = vector.shape_cast %parallel_loop3A_847 : vector<1x1x16xi32> to vector<16xi32>
        %parallel_loop3A_849 = arith.constant 16 : i32
        %parallel_loop3A_850 = vector.broadcast %parallel_loop3A_849 : i32 to vector<16xi32>
        %parallel_loop3A_851 = arith.shli %parallel_loop3A_848, %parallel_loop3A_850 : vector<16xi32>
        %parallel_loop3A_852 = tpu.bitcast %parallel_loop3A_851 : vector<16xi32> -> vector<16xf32>
        %parallel_loop3A_853 = arith.andi %parallel_loop3A_848, %broadcast_in_dim3A_3 : vector<16xi32>
        %parallel_loop3A_854 = tpu.bitcast %parallel_loop3A_853 : vector<16xi32> -> vector<16xf32>
        %parallel_loop3A_855 = arith.addf %parallel_loop3A_791, %parallel_loop3A_852 : vector<16xf32>
        %parallel_loop3A_856 = arith.addf %parallel_loop3A_792, %parallel_loop3A_854 : vector<16xf32>
        scf.yield %parallel_loop3A_807, %parallel_loop3A_808, %parallel_loop3A_823, %parallel_loop3A_824, %parallel_loop3A_839, %parallel_loop3A_840, %parallel_loop3A_855, %parallel_loop3A_856 : vector<16xf32>, vector<16xf32>, vector<16xf32>, vector<16xf32>, vector<16xf32>, vector<16xf32>, vector<16xf32>, vector<16xf32>
      } {sc.loop_unroll_factor = 4 : i64, sc.parallel_access}
      %add3A_740 = arith.addf %parallel_loop3A_739#0, %parallel_loop3A_739#4 : vector<16xf32>
      %mul3A_741 = arith.constant 5.000000e-03 : f32
      %mul3A_742 = vector.broadcast %mul3A_741 : f32 to vector<16xf32>
      %mul3A_743 = arith.mulf %add3A_740, %mul3A_742 : vector<16xf32>
      %swap3A_744 = arith.index_cast %add3A_711 : i32 to index
      %swap3A_745 = arith.constant 0 : index
      %swap3A_746 = tpu.vector_load %arg7[%swap3A_744, %swap3A_745] {strides = array<i32>} : memref<128x128xf32, #tpu.memory_space<vmem>>, vector<1x16xf32>,
      %swap3A_747 = vector.shape_cast %swap3A_746 : vector<1x16xf32> to vector<16xf32>
      %swap3A_748 = vector.shape_cast %mul3A_743 : vector<16xf32> to vector<1x16xf32>
      tpu.vector_store %arg7[%swap3A_744, %swap3A_745], %swap3A_748 {strides = array<i32>} : memref<128x128xf32, #tpu.memory_space<vmem>>, vector<1x16xf32>,
      %add3A_749 = arith.addf %parallel_loop3A_739#1, %parallel_loop3A_739#5 : vector<16xf32>
      %mul3A_750 = arith.constant 5.000000e-03 : f32
      %mul3A_751 = vector.broadcast %mul3A_750 : f32 to vector<16xf32>
      %mul3A_752 = arith.mulf %add3A_749, %mul3A_751 : vector<16xf32>
      %swap3A_753 = arith.index_cast %add3A_711 : i32 to index
      %swap3A_754 = arith.constant 32 : index
      %swap3A_755 = tpu.vector_load %arg7[%swap3A_753, %swap3A_754] {strides = array<i32>} : memref<128x128xf32, #tpu.memory_space<vmem>>, vector<1x16xf32>,
      %swap3A_756 = vector.shape_cast %swap3A_755 : vector<1x16xf32> to vector<16xf32>
      %swap3A_757 = vector.shape_cast %mul3A_752 : vector<16xf32> to vector<1x16xf32>
      tpu.vector_store %arg7[%swap3A_753, %swap3A_754], %swap3A_757 {strides = array<i32>} : memref<128x128xf32, #tpu.memory_space<vmem>>, vector<1x16xf32>,
      %add3A_758 = arith.addf %parallel_loop3A_739#2, %parallel_loop3A_739#6 : vector<16xf32>
      %mul3A_759 = arith.constant 5.000000e-03 : f32
      %mul3A_760 = vector.broadcast %mul3A_759 : f32 to vector<16xf32>
      %mul3A_761 = arith.mulf %add3A_758, %mul3A_760 : vector<16xf32>
      %swap3A_762 = arith.index_cast %add3A_711 : i32 to index
      %swap3A_763 = arith.constant 16 : index
      %swap3A_764 = tpu.vector_load %arg7[%swap3A_762, %swap3A_763] {strides = array<i32>} : memref<128x128xf32, #tpu.memory_space<vmem>>, vector<1x16xf32>,
      %swap3A_765 = vector.shape_cast %swap3A_764 : vector<1x16xf32> to vector<16xf32>
      %swap3A_766 = vector.shape_cast %mul3A_761 : vector<16xf32> to vector<1x16xf32>
      tpu.vector_store %arg7[%swap3A_762, %swap3A_763], %swap3A_766 {strides = array<i32>} : memref<128x128xf32, #tpu.memory_space<vmem>>, vector<1x16xf32>,
      %add3A_767 = arith.addf %parallel_loop3A_739#3, %parallel_loop3A_739#7 : vector<16xf32>
      %mul3A_768 = arith.constant 5.000000e-03 : f32
      %mul3A_769 = vector.broadcast %mul3A_768 : f32 to vector<16xf32>
      %mul3A_770 = arith.mulf %add3A_767, %mul3A_769 : vector<16xf32>
      %swap3A_771 = arith.index_cast %add3A_711 : i32 to index
      %swap3A_772 = arith.constant 48 : index
      %swap3A_773 = tpu.vector_load %arg7[%swap3A_771, %swap3A_772] {strides = array<i32>} : memref<128x128xf32, #tpu.memory_space<vmem>>, vector<1x16xf32>,
      %swap3A_774 = vector.shape_cast %swap3A_773 : vector<1x16xf32> to vector<16xf32>
      %swap3A_775 = vector.shape_cast %mul3A_770 : vector<16xf32> to vector<1x16xf32>
      tpu.vector_store %arg7[%swap3A_771, %swap3A_772], %swap3A_775 {strides = array<i32>} : memref<128x128xf32, #tpu.memory_space<vmem>>, vector<1x16xf32>,
      %add3A_776 = arith.constant 8 : i32
      %add3A_777 = arith.addi %add3A_711, %add3A_776 : i32
      %lt3A_778 = arith.constant 128 : i32
      %lt3A_779 = arith.cmpi slt, %add3A_777, %lt3A_778 : i32
      %convert_element_type3A_780 = arith.extui %lt3A_779 : i1 to i32
      %cond3A_781 = arith.constant 0 : i32
      %cond3A_782 = arith.cmpi ne, %convert_element_type3A_780, %cond3A_781 : i32
      scf.if %cond3A_782 {
        %add3A_784 = arith.constant 8 : i32
        %add3A_785 = arith.addi %add3A_711, %add3A_784 : i32
        %dma_start3A_786 = arith.constant 7 : i32
        %dma_start3A_787 = arith.constant 0 : i32
        %dma_start3A_788 = arith.constant 0 : i32
        %dma_start3A_789 = tpu.memref_slice %arg6[%dma_start3A_786, %dma_start3A_787, %dma_start3A_788] : memref<8x200x32xi32, #tpu.memory_space<vmem>> -> memref<1x104x32xi32, #tpu.memory_space<vmem>>
        %dma_start3A_790 = tpu.memref_squeeze %dma_start3A_789 : memref<1x104x32xi32, #tpu.memory_space<vmem>> -> memref<104x32xi32, #tpu.memory_space<vmem>>
        %dma_start3A_791 = arith.constant 0 : i32
        %dma_start3A_792 = tpu.memref_slice %arg5[%add3A_785, %dma_start3A_791] : memref<128x256xi32, #tpu.memory_space<vmem>> -> memref<1x104xi32, #tpu.memory_space<vmem>>
        %dma_start3A_793 = tpu.memref_squeeze %dma_start3A_792 : memref<1x104xi32, #tpu.memory_space<vmem>> -> memref<104xi32, #tpu.memory_space<vmem>>
        %dma_start3A_794 = arith.constant 0 : i32
        %dma_start3A_795 = arith.constant 0 : i32
        %dma_start3A_796 = tpu.memref_slice %arg3[%dma_start3A_794, %dma_start3A_795] : memref<1024000x32xi32, #tpu.memory_space<hbm>> -> memref<1024000x32xi32, #tpu.memory_space<hbm>>
        tpu.enqueue_indirect_dma source(%dma_start3A_796 : memref<1024000x32xi32, #tpu.memory_space<hbm>>) target(%dma_start3A_790 : memref<104x32xi32, #tpu.memory_space<vmem>>) offsets(%dma_start3A_793 : memref<104xi32, #tpu.memory_space<vmem>>) semaphore(%arg15 : memref<!tpu.dma_semaphore, #tpu.memory_space<semaphore_mem>>)
        %dma_start3A_797 = arith.constant 7 : i32
        %dma_start3A_798 = arith.constant 104 : i32
        %dma_start3A_799 = arith.constant 0 : i32
        %dma_start3A_800 = tpu.memref_slice %arg6[%dma_start3A_797, %dma_start3A_798, %dma_start3A_799] : memref<8x200x32xi32, #tpu.memory_space<vmem>> -> memref<1x96x32xi32, #tpu.memory_space<vmem>>
        %dma_start3A_801 = tpu.memref_squeeze %dma_start3A_800 : memref<1x96x32xi32, #tpu.memory_space<vmem>> -> memref<96x32xi32, #tpu.memory_space<vmem>>
        %dma_start3A_802 = arith.constant 104 : i32
        %dma_start3A_803 = tpu.memref_slice %arg5[%add3A_785, %dma_start3A_802] : memref<128x256xi32, #tpu.memory_space<vmem>> -> memref<1x96xi32, #tpu.memory_space<vmem>>
        %dma_start3A_804 = tpu.memref_squeeze %dma_start3A_803 : memref<1x96xi32, #tpu.memory_space<vmem>> -> memref<96xi32, #tpu.memory_space<vmem>>
        %dma_start3A_805 = arith.constant 0 : i32
        %dma_start3A_806 = arith.constant 0 : i32
        %dma_start3A_807 = tpu.memref_slice %arg3[%dma_start3A_805, %dma_start3A_806] : memref<1024000x32xi32, #tpu.memory_space<hbm>> -> memref<1024000x32xi32, #tpu.memory_space<hbm>>
        tpu.enqueue_indirect_dma source(%dma_start3A_807 : memref<1024000x32xi32, #tpu.memory_space<hbm>>) target(%dma_start3A_801 : memref<96x32xi32, #tpu.memory_space<vmem>>) offsets(%dma_start3A_804 : memref<96xi32, #tpu.memory_space<vmem>>) semaphore(%arg15 : memref<!tpu.dma_semaphore, #tpu.memory_space<semaphore_mem>>)
      } else {
      }
      %scan3A_783 = arith.constant 0 : i32
      scf.yield %scan3A_783 : i32
    }
    %scan3A_200 = arith.constant 16 : i32
    "tpu.region"() ({
      %run_scoped3A = tpu.sem_alloc : memref<!tpu.dma_semaphore, #tpu.memory_space<semaphore_mem>>
      %dma_start3A_201 = arith.constant 0 : i32
      %dma_start3A_202 = tpu.memref_slice %arg4[%mul3A_2, %dma_start3A_201] : memref<4096x128xf32, #tpu.memory_space<hbm>> -> memref<128x128xf32, #tpu.memory_space<hbm>>
      %dma_start3A_203 = arith.constant 0 : i32
      %dma_start3A_204 = tpu.memref_slice %arg4[%mul3A_2, %dma_start3A_203] : memref<4096x128xf32, #tpu.memory_space<hbm>> -> memref<128x128xf32, #tpu.memory_space<hbm>>
      tpu.enqueue_dma source(%arg7 : memref<128x128xf32, #tpu.memory_space<vmem>>) target(%dma_start3A_204 : memref<128x128xf32, #tpu.memory_space<hbm>>) target_semaphore(%run_scoped3A : memref<!tpu.dma_semaphore, #tpu.memory_space<semaphore_mem>>)
      %dma_wait3A = arith.constant 0 : i32
      %dma_wait3A_205 = tpu.memref_slice %arg4[%mul3A_2, %dma_wait3A] : memref<4096x128xf32, #tpu.memory_space<hbm>> -> memref<128x128xf32, #tpu.memory_space<hbm>>
      %dma_wait3A_206 = arith.constant 0 : i32
      %dma_wait3A_207 = tpu.memref_slice %arg4[%mul3A_2, %dma_wait3A_206] : memref<4096x128xf32, #tpu.memory_space<hbm>> -> memref<128x128xf32, #tpu.memory_space<hbm>>
      tpu.wait_dma2 semaphore(%run_scoped3A : memref<!tpu.dma_semaphore, #tpu.memory_space<semaphore_mem>>) src(%arg7 : memref<128x128xf32, #tpu.memory_space<vmem>>) dst(%dma_wait3A_207 : memref<128x128xf32, #tpu.memory_space<hbm>>)
      tpu.yield
    }) : () -> ()
    return
  }
}

module attributes {stable_mosaic.version = 14 : i64} {
  func.func @_stage_body(%arg0: i32, %arg1: memref<64x2048xf32, #tpu.memory_space<vmem>>, %arg2: memref<64x2048xf32, #tpu.memory_space<vmem>>, %arg3: memref<64x2048xf32, #tpu.memory_space<vmem>>, %arg4: memref<64x2048xf32, #tpu.memory_space<vmem>>, %arg5: memref<200x4096xi32, #tpu.memory_space<vmem>>, %arg6: memref<2048x128xi32, #tpu.memory_space<vmem>>, %arg7: memref<4096x256xi32, #tpu.memory_space<vmem>>) attributes {dimension_semantics = [#tpu.dimension_semantics<arbitrary>], iteration_bounds = array<i64: 125>, scalar_prefetch = 0 : i64, scratch_operands = 0 : i64, tpu.core_type = #tpu.core_type<tc>, window_params = [{transform_indices = @transform_0, window_bounds = array<i64: 64, 2048>}, {transform_indices = @transform_1, window_bounds = array<i64: 64, 2048>}, {transform_indices = @transform_2, window_bounds = array<i64: 64, 2048>}, {transform_indices = @transform_3, window_bounds = array<i64: 64, 2048>}, {pipeline_mode = #tpu.pipeline_mode<synchronous>, transform_indices = @transform_4, window_bounds = array<i64: 200, 4096>}, {transform_indices = @transform_5, window_bounds = array<i64: 2048, 128>}, {pipeline_mode = #tpu.pipeline_mode<synchronous>, transform_indices = @transform_6, window_bounds = array<i64: 4096, 256>}]} {
    %get3A = arith.constant 0 : index
    %get3A_0 = arith.constant 0 : index
    %get3A_1 = vector.load %arg1[%get3A, %get3A_0] : memref<64x2048xf32, #tpu.memory_space<vmem>>, vector<64x2048xf32>
    %bitcast_convert_type3A = tpu.bitcast %get3A_1 : vector<64x2048xf32> -> vector<64x2048xi32>
    %shift_right_logical3A = arith.constant 16 : i32
    %shift_right_logical3A_2 = vector.broadcast %shift_right_logical3A : i32 to vector<64x2048xi32>
    %shift_right_logical3A_3 = arith.shrui %bitcast_convert_type3A, %shift_right_logical3A_2 : vector<64x2048xi32>
    %and3A = arith.constant 1 : i32
    %and3A_4 = vector.broadcast %and3A : i32 to vector<64x2048xi32>
    %and3A_5 = arith.andi %shift_right_logical3A_3, %and3A_4 : vector<64x2048xi32>
    %add3A = arith.constant 32767 : i32
    %add3A_6 = vector.broadcast %add3A : i32 to vector<64x2048xi32>
    %add3A_7 = arith.addi %and3A_5, %add3A_6 : vector<64x2048xi32>
    %add3A_8 = arith.addi %bitcast_convert_type3A, %add3A_7 : vector<64x2048xi32>
    %shift_right_logical3A_9 = arith.constant 16 : i32
    %shift_right_logical3A_10 = vector.broadcast %shift_right_logical3A_9 : i32 to vector<64x2048xi32>
    %shift_right_logical3A_11 = arith.shrui %add3A_8, %shift_right_logical3A_10 : vector<64x2048xi32>
    %slice3A = vector.extract_strided_slice %shift_right_logical3A_11 {offsets = [0, 0], sizes = [32, 2048], strides = [1, 1]} : vector<64x2048xi32> to vector<32x2048xi32>
    %slice3A_12 = vector.extract_strided_slice %shift_right_logical3A_11 {offsets = [32, 0], sizes = [32, 2048], strides = [1, 1]} : vector<64x2048xi32> to vector<32x2048xi32>
    %shift_left3A = arith.constant 16 : i32
    %shift_left3A_13 = vector.broadcast %shift_left3A : i32 to vector<32x2048xi32>
    %shift_left3A_14 = arith.shli %slice3A_12, %shift_left3A_13 : vector<32x2048xi32>
    %or3A = arith.ori %slice3A, %shift_left3A_14 : vector<32x2048xi32>
    %get3A_15 = arith.constant 0 : index
    %get3A_16 = arith.constant 0 : index
    %get3A_17 = vector.load %arg2[%get3A_15, %get3A_16] : memref<64x2048xf32, #tpu.memory_space<vmem>>, vector<64x2048xf32>
    %bitcast_convert_type3A_18 = tpu.bitcast %get3A_17 : vector<64x2048xf32> -> vector<64x2048xi32>
    %shift_right_logical3A_19 = arith.constant 16 : i32
    %shift_right_logical3A_20 = vector.broadcast %shift_right_logical3A_19 : i32 to vector<64x2048xi32>
    %shift_right_logical3A_21 = arith.shrui %bitcast_convert_type3A_18, %shift_right_logical3A_20 : vector<64x2048xi32>
    %and3A_22 = arith.constant 1 : i32
    %and3A_23 = vector.broadcast %and3A_22 : i32 to vector<64x2048xi32>
    %and3A_24 = arith.andi %shift_right_logical3A_21, %and3A_23 : vector<64x2048xi32>
    %add3A_25 = arith.constant 32767 : i32
    %add3A_26 = vector.broadcast %add3A_25 : i32 to vector<64x2048xi32>
    %add3A_27 = arith.addi %and3A_24, %add3A_26 : vector<64x2048xi32>
    %add3A_28 = arith.addi %bitcast_convert_type3A_18, %add3A_27 : vector<64x2048xi32>
    %shift_right_logical3A_29 = arith.constant 16 : i32
    %shift_right_logical3A_30 = vector.broadcast %shift_right_logical3A_29 : i32 to vector<64x2048xi32>
    %shift_right_logical3A_31 = arith.shrui %add3A_28, %shift_right_logical3A_30 : vector<64x2048xi32>
    %slice3A_32 = vector.extract_strided_slice %shift_right_logical3A_31 {offsets = [0, 0], sizes = [32, 2048], strides = [1, 1]} : vector<64x2048xi32> to vector<32x2048xi32>
    %slice3A_33 = vector.extract_strided_slice %shift_right_logical3A_31 {offsets = [32, 0], sizes = [32, 2048], strides = [1, 1]} : vector<64x2048xi32> to vector<32x2048xi32>
    %shift_left3A_34 = arith.constant 16 : i32
    %shift_left3A_35 = vector.broadcast %shift_left3A_34 : i32 to vector<32x2048xi32>
    %shift_left3A_36 = arith.shli %slice3A_33, %shift_left3A_35 : vector<32x2048xi32>
    %or3A_37 = arith.ori %slice3A_32, %shift_left3A_36 : vector<32x2048xi32>
    %get3A_38 = arith.constant 0 : index
    %get3A_39 = arith.constant 0 : index
    %get3A_40 = vector.load %arg3[%get3A_38, %get3A_39] : memref<64x2048xf32, #tpu.memory_space<vmem>>, vector<64x2048xf32>
    %bitcast_convert_type3A_41 = tpu.bitcast %get3A_40 : vector<64x2048xf32> -> vector<64x2048xi32>
    %shift_right_logical3A_42 = arith.constant 16 : i32
    %shift_right_logical3A_43 = vector.broadcast %shift_right_logical3A_42 : i32 to vector<64x2048xi32>
    %shift_right_logical3A_44 = arith.shrui %bitcast_convert_type3A_41, %shift_right_logical3A_43 : vector<64x2048xi32>
    %and3A_45 = arith.constant 1 : i32
    %and3A_46 = vector.broadcast %and3A_45 : i32 to vector<64x2048xi32>
    %and3A_47 = arith.andi %shift_right_logical3A_44, %and3A_46 : vector<64x2048xi32>
    %add3A_48 = arith.constant 32767 : i32
    %add3A_49 = vector.broadcast %add3A_48 : i32 to vector<64x2048xi32>
    %add3A_50 = arith.addi %and3A_47, %add3A_49 : vector<64x2048xi32>
    %add3A_51 = arith.addi %bitcast_convert_type3A_41, %add3A_50 : vector<64x2048xi32>
    %shift_right_logical3A_52 = arith.constant 16 : i32
    %shift_right_logical3A_53 = vector.broadcast %shift_right_logical3A_52 : i32 to vector<64x2048xi32>
    %shift_right_logical3A_54 = arith.shrui %add3A_51, %shift_right_logical3A_53 : vector<64x2048xi32>
    %slice3A_55 = vector.extract_strided_slice %shift_right_logical3A_54 {offsets = [0, 0], sizes = [32, 2048], strides = [1, 1]} : vector<64x2048xi32> to vector<32x2048xi32>
    %slice3A_56 = vector.extract_strided_slice %shift_right_logical3A_54 {offsets = [32, 0], sizes = [32, 2048], strides = [1, 1]} : vector<64x2048xi32> to vector<32x2048xi32>
    %shift_left3A_57 = arith.constant 16 : i32
    %shift_left3A_58 = vector.broadcast %shift_left3A_57 : i32 to vector<32x2048xi32>
    %shift_left3A_59 = arith.shli %slice3A_56, %shift_left3A_58 : vector<32x2048xi32>
    %or3A_60 = arith.ori %slice3A_55, %shift_left3A_59 : vector<32x2048xi32>
    %get3A_61 = arith.constant 0 : index
    %get3A_62 = arith.constant 0 : index
    %get3A_63 = vector.load %arg4[%get3A_61, %get3A_62] : memref<64x2048xf32, #tpu.memory_space<vmem>>, vector<64x2048xf32>
    %bitcast_convert_type3A_64 = tpu.bitcast %get3A_63 : vector<64x2048xf32> -> vector<64x2048xi32>
    %shift_right_logical3A_65 = arith.constant 16 : i32
    %shift_right_logical3A_66 = vector.broadcast %shift_right_logical3A_65 : i32 to vector<64x2048xi32>
    %shift_right_logical3A_67 = arith.shrui %bitcast_convert_type3A_64, %shift_right_logical3A_66 : vector<64x2048xi32>
    %and3A_68 = arith.constant 1 : i32
    %and3A_69 = vector.broadcast %and3A_68 : i32 to vector<64x2048xi32>
    %and3A_70 = arith.andi %shift_right_logical3A_67, %and3A_69 : vector<64x2048xi32>
    %add3A_71 = arith.constant 32767 : i32
    %add3A_72 = vector.broadcast %add3A_71 : i32 to vector<64x2048xi32>
    %add3A_73 = arith.addi %and3A_70, %add3A_72 : vector<64x2048xi32>
    %add3A_74 = arith.addi %bitcast_convert_type3A_64, %add3A_73 : vector<64x2048xi32>
    %shift_right_logical3A_75 = arith.constant 16 : i32
    %shift_right_logical3A_76 = vector.broadcast %shift_right_logical3A_75 : i32 to vector<64x2048xi32>
    %shift_right_logical3A_77 = arith.shrui %add3A_74, %shift_right_logical3A_76 : vector<64x2048xi32>
    %slice3A_78 = vector.extract_strided_slice %shift_right_logical3A_77 {offsets = [0, 0], sizes = [32, 2048], strides = [1, 1]} : vector<64x2048xi32> to vector<32x2048xi32>
    %slice3A_79 = vector.extract_strided_slice %shift_right_logical3A_77 {offsets = [32, 0], sizes = [32, 2048], strides = [1, 1]} : vector<64x2048xi32> to vector<32x2048xi32>
    %shift_left3A_80 = arith.constant 16 : i32
    %shift_left3A_81 = vector.broadcast %shift_left3A_80 : i32 to vector<32x2048xi32>
    %shift_left3A_82 = arith.shli %slice3A_79, %shift_left3A_81 : vector<32x2048xi32>
    %or3A_83 = arith.ori %slice3A_78, %shift_left3A_82 : vector<32x2048xi32>
    %concatenate3A = tpu.concatenate %or3A, %or3A_37, %or3A_60, %or3A_83 in 0 : vector<32x2048xi32>, vector<32x2048xi32>, vector<32x2048xi32>, vector<32x2048xi32> -> vector<128x2048xi32>
    %transpose3A = tpu.transpose %concatenate3A, [1, 0] : vector<128x2048xi32> -> vector<2048x128xi32>
    %swap3A = arith.constant 0 : index
    %swap3A_84 = arith.constant 0 : index
    %swap3A_85 = vector.load %arg6[%swap3A, %swap3A_84] : memref<2048x128xi32, #tpu.memory_space<vmem>>, vector<2048x128xi32>
    tpu.vector_store %arg6[%swap3A, %swap3A_84], %transpose3A {strides = array<i32>} : memref<2048x128xi32, #tpu.memory_space<vmem>>, vector<2048x128xi32>,
    %eq3A = arith.constant 0 : i32
    %eq3A_86 = arith.cmpi eq, %arg0, %eq3A : i32
    %convert_element_type3A = arith.extui %eq3A_86 : i1 to i32
    %cond3A = arith.constant 0 : i32
    %cond3A_87 = arith.cmpi ne, %convert_element_type3A, %cond3A : i32
    scf.if %cond3A_87 {
      %get3A_88 = arith.constant 0 : index
      %get3A_89 = arith.constant 0 : index
      %get3A_90 = vector.load %arg5[%get3A_88, %get3A_89] : memref<200x4096xi32, #tpu.memory_space<vmem>>, vector<200x4096xi32>
      %slice3A_91 = vector.extract_strided_slice %get3A_90 {offsets = [0, 0], sizes = [56, 4096], strides = [1, 1]} : vector<200x4096xi32> to vector<56x4096xi32>
      %concatenate3A_92 = tpu.concatenate %get3A_90, %slice3A_91 in 0 : vector<200x4096xi32>, vector<56x4096xi32> -> vector<256x4096xi32>
      %transpose3A_93 = tpu.transpose %concatenate3A_92, [1, 0] : vector<256x4096xi32> -> vector<4096x256xi32>
      %ge3A = arith.constant 256000 : i32
      %ge3A_94 = vector.broadcast %ge3A : i32 to vector<4096x256xi32>
      %ge3A_95 = arith.cmpi sge, %transpose3A_93, %ge3A_94 : vector<4096x256xi32>
      %convert_element_type3A_96 = arith.extui %ge3A_95 : vector<4096x256xi1> to vector<4096x256xi32>
      %ge3A_97 = arith.constant 512000 : i32
      %ge3A_98 = vector.broadcast %ge3A_97 : i32 to vector<4096x256xi32>
      %ge3A_99 = arith.cmpi sge, %transpose3A_93, %ge3A_98 : vector<4096x256xi32>
      %convert_element_type3A_100 = arith.extui %ge3A_99 : vector<4096x256xi1> to vector<4096x256xi32>
      %add3A_101 = arith.addi %convert_element_type3A_96, %convert_element_type3A_100 : vector<4096x256xi32>
      %ge3A_102 = arith.constant 768000 : i32
      %ge3A_103 = vector.broadcast %ge3A_102 : i32 to vector<4096x256xi32>
      %ge3A_104 = arith.cmpi sge, %transpose3A_93, %ge3A_103 : vector<4096x256xi32>
      %convert_element_type3A_105 = arith.extui %ge3A_104 : vector<4096x256xi1> to vector<4096x256xi32>
      %add3A_106 = arith.addi %add3A_101, %convert_element_type3A_105 : vector<4096x256xi32>
      %mul3A = arith.constant 4 : i32
      %mul3A_107 = vector.broadcast %mul3A : i32 to vector<4096x256xi32>
      %mul3A_108 = arith.muli %transpose3A_93, %mul3A_107 : vector<4096x256xi32>
      %mul3A_109 = arith.constant 1023999 : i32
      %mul3A_110 = vector.broadcast %mul3A_109 : i32 to vector<4096x256xi32>
      %mul3A_111 = arith.muli %add3A_106, %mul3A_110 : vector<4096x256xi32>
      %sub3A = arith.subi %mul3A_108, %mul3A_111 : vector<4096x256xi32>
      %swap3A_112 = arith.constant 0 : index
      %swap3A_113 = arith.constant 0 : index
      %swap3A_114 = vector.load %arg7[%swap3A_112, %swap3A_113] : memref<4096x256xi32, #tpu.memory_space<vmem>>, vector<4096x256xi32>
      tpu.vector_store %arg7[%swap3A_112, %swap3A_113], %sub3A {strides = array<i32>} : memref<4096x256xi32, #tpu.memory_space<vmem>>, vector<4096x256xi32>,
    } else {
    }
    return
  }
  func.func @transform_0(%arg0: i32) -> (i32, i32) {
    %add3A = arith.constant 0 : i32
    %add3A_0 = arith.addi %add3A, %arg0 : i32
    %min3A = arith.constant 488 : i32
    %min3A_1 = arith.minsi %add3A_0, %min3A : i32
    %c0_i32 = arith.constant 0 : i32
    %c0_i32_2 = arith.constant 0 : i32
    return %c0_i32, %min3A_1 : i32, i32
  }
  func.func @transform_1(%arg0: i32) -> (i32, i32) {
    %add3A = arith.constant 125 : i32
    %add3A_0 = arith.addi %add3A, %arg0 : i32
    %min3A = arith.constant 488 : i32
    %min3A_1 = arith.minsi %add3A_0, %min3A : i32
    %c0_i32 = arith.constant 0 : i32
    %c0_i32_2 = arith.constant 0 : i32
    return %c0_i32, %min3A_1 : i32, i32
  }
  func.func @transform_2(%arg0: i32) -> (i32, i32) {
    %add3A = arith.constant 250 : i32
    %add3A_0 = arith.addi %add3A, %arg0 : i32
    %min3A = arith.constant 488 : i32
    %min3A_1 = arith.minsi %add3A_0, %min3A : i32
    %c0_i32 = arith.constant 0 : i32
    %c0_i32_2 = arith.constant 0 : i32
    return %c0_i32, %min3A_1 : i32, i32
  }
  func.func @transform_3(%arg0: i32) -> (i32, i32) {
    %add3A = arith.constant 375 : i32
    %add3A_0 = arith.addi %add3A, %arg0 : i32
    %min3A = arith.constant 488 : i32
    %min3A_1 = arith.minsi %add3A_0, %min3A : i32
    %c0_i32 = arith.constant 0 : i32
    %c0_i32_2 = arith.constant 0 : i32
    return %c0_i32, %min3A_1 : i32, i32
  }
  func.func @transform_4(%arg0: i32) -> (i32, i32) {
    %c0_i32 = arith.constant 0 : i32
    %c0_i32_0 = arith.constant 0 : i32
    %c0_i32_1 = arith.constant 0 : i32
    return %c0_i32, %c0_i32_0 : i32, i32
  }
  func.func @transform_5(%arg0: i32) -> (i32, i32) {
    %c0_i32 = arith.constant 0 : i32
    %c0_i32_0 = arith.constant 0 : i32
    return %arg0, %c0_i32 : i32, i32
  }
  func.func @transform_6(%arg0: i32) -> (i32, i32) {
    %c0_i32 = arith.constant 0 : i32
    %c0_i32_0 = arith.constant 0 : i32
    %c0_i32_1 = arith.constant 0 : i32
    return %c0_i32, %c0_i32_0 : i32, i32
  }
}

module attributes {stable_mosaic.version = 14 : i64} {
  func.func @_head_body(%arg0: memref<4096x128xf32, #tpu.memory_space<vmem>>, %arg1: memref<64x64xf32, #tpu.memory_space<vmem>>, %arg2: memref<64x64xf32, #tpu.memory_space<vmem>>, %arg3: memref<1x64xf32, #tpu.memory_space<vmem>>, %arg4: memref<2x64xf32, #tpu.memory_space<vmem>>, %arg5: memref<2x1xf32, #tpu.memory_space<vmem>>, %arg6: memref<2x4096xf32, #tpu.memory_space<vmem>>) attributes {dimension_semantics = [], scalar_prefetch = 0 : i64, scratch_operands = 0 : i64, tpu.core_type = #tpu.core_type<tc>} {
    %get3A = arith.constant 0 : index
    %get3A_0 = arith.constant 0 : index
    %get3A_1 = vector.load %arg0[%get3A, %get3A_0] : memref<4096x128xf32, #tpu.memory_space<vmem>>, vector<4096x128xf32>
    %slice3A = vector.extract_strided_slice %get3A_1 {offsets = [0, 0], sizes = [4096, 64], strides = [1, 1]} : vector<4096x128xf32> to vector<4096x64xf32>
    %get3A_2 = arith.constant 0 : index
    %get3A_3 = arith.constant 0 : index
    %get3A_4 = vector.load %arg1[%get3A_2, %get3A_3] : memref<64x64xf32, #tpu.memory_space<vmem>>, vector<64x64xf32>
    %dot_general3A = arith.constant dense<0.000000e+00> : vector<4096x64xf32>
    %dot_general3A_5 = tpu.matmul %slice3A, %get3A_4, %dot_general3A {dimension_numbers = #tpu.dot_dimension_numbers<[1], [1], [0], [0], [0, 0, 1, 0], [], []>, transpose_lhs_hint = false} : vector<4096x64xf32>, vector<64x64xf32>, vector<4096x64xf32> -> vector<4096x64xf32>
    %get3A_6 = arith.constant 0 : index
    %get3A_7 = arith.constant 0 : index
    %get3A_8 = vector.load %arg2[%get3A_6, %get3A_7] : memref<64x64xf32, #tpu.memory_space<vmem>>, vector<64x64xf32>
    %dot_general3A_9 = arith.constant dense<0.000000e+00> : vector<4096x64xf32>
    %dot_general3A_10 = tpu.matmul %dot_general3A_5, %get3A_8, %dot_general3A_9 {dimension_numbers = #tpu.dot_dimension_numbers<[1], [1], [0], [0], [0, 0, 1, 0], [], []>, transpose_lhs_hint = false} : vector<4096x64xf32>, vector<64x64xf32>, vector<4096x64xf32> -> vector<4096x64xf32>
    %get3A_11 = arith.constant 0 : index
    %get3A_12 = arith.constant 0 : index
    %get3A_13 = vector.load %arg3[%get3A_11, %get3A_12] : memref<1x64xf32, #tpu.memory_space<vmem>>, vector<1x64xf32>
    %add3A = vector.broadcast %get3A_13 : vector<1x64xf32> to vector<4096x64xf32>
    %add3A_14 = arith.addf %dot_general3A_10, %add3A : vector<4096x64xf32>
    %max3A = arith.constant 0.000000e+00 : f32
    %max3A_15 = vector.broadcast %max3A : f32 to vector<4096x64xf32>
    %max3A_16 = arith.maximumf %add3A_14, %max3A_15 : vector<4096x64xf32>
    %get3A_17 = arith.constant 0 : index
    %get3A_18 = arith.constant 0 : index
    %get3A_19 = vector.load %arg4[%get3A_17, %get3A_18] : memref<2x64xf32, #tpu.memory_space<vmem>>, vector<2x64xf32>
    %dot_general3A_20 = arith.constant dense<0.000000e+00> : vector<2x4096xf32>
    %dot_general3A_21 = tpu.matmul %get3A_19, %max3A_16, %dot_general3A_20 {dimension_numbers = #tpu.dot_dimension_numbers<[1], [1], [0], [0], [0, 0, 1, 0], [], []>, transpose_lhs_hint = false} : vector<2x64xf32>, vector<4096x64xf32>, vector<2x4096xf32> -> vector<2x4096xf32>
    %get3A_22 = arith.constant 0 : index
    %get3A_23 = arith.constant 0 : index
    %get3A_24 = vector.load %arg5[%get3A_22, %get3A_23] : memref<2x1xf32, #tpu.memory_space<vmem>>, vector<2x1xf32>
    %add3A_25 = vector.broadcast %get3A_24 : vector<2x1xf32> to vector<2x4096xf32>
    %add3A_26 = arith.addf %dot_general3A_21, %add3A_25 : vector<2x4096xf32>
    %reduce_max3A = arith.constant dense<0xFF800000> : vector<4096xf32>
    %reduce_max3A_27 = vector.multi_reduction <maximumf>, %add3A_26, %reduce_max3A [0] : vector<2x4096xf32> to vector<4096xf32>
    %broadcast_in_dim3A = vector.shape_cast %reduce_max3A_27 : vector<4096xf32> to vector<1x4096xf32>
    %sub3A = vector.broadcast %broadcast_in_dim3A : vector<1x4096xf32> to vector<2x4096xf32>
    %sub3A_28 = arith.subf %add3A_26, %sub3A : vector<2x4096xf32>
    %exp3A = math.exp %sub3A_28 : vector<2x4096xf32>
    %reduce_sum3A = arith.constant dense<0.000000e+00> : vector<4096xf32>
    %reduce_sum3A_29 = vector.multi_reduction <add>, %exp3A, %reduce_sum3A [0] : vector<2x4096xf32> to vector<4096xf32>
    %broadcast_in_dim3A_30 = vector.shape_cast %reduce_sum3A_29 : vector<4096xf32> to vector<1x4096xf32>
    %div3A = vector.broadcast %broadcast_in_dim3A_30 : vector<1x4096xf32> to vector<2x4096xf32>
    %div3A_31 = arith.divf %exp3A, %div3A : vector<2x4096xf32>
    %swap3A = arith.constant 0 : index
    %swap3A_32 = arith.constant 0 : index
    %swap3A_33 = vector.load %arg6[%swap3A, %swap3A_32] : memref<2x4096xf32, #tpu.memory_space<vmem>>, vector<2x4096xf32>
    tpu.vector_store %arg6[%swap3A, %swap3A_32], %div3A_31 {strides = array<i32>} : memref<2x4096xf32, #tpu.memory_space<vmem>>, vector<2x4096xf32>,
    return
  }
}

</mosaic_0001>

<sc_bundles>
// kernel: kernel.5.cloned.1.call-start
scs
__scs_entry_jumppad:
0x0: {  	(pc) =	sbr.rel $0x88, $3  }
0x1: {  	(tag) =	ssettag $0x0;
	lr =	simm.s32 $0x1  }
0x2: {  	[smem:$0x3F9A] =	sst lr;
	_ =	strace $0xD0000000  }
0x3: {  	_ = 	snop  }
0x4: {  	_ = 	snop  }
0x5: {  	_ = 	snop  }
0x6: {  	_ = 	snop  }
0x7: {  	_ = 	snop  }
__scs_overlays_trampoline_lowered:
0x8: {  	[smem:$0x3FA9] =	sst s0  }
0x9: {  	[smem:$0x3FAA] =	sst s1  }
0xa: {  	[smem:$0x3FAB] =	sst s2  }
0xb: {  	[smem:$0x3FAC] =	sst s3  }
0xc: {  	[smem:$0x3FAD] =	sst s4  }
0xd: {  	[smem:$0x3FAE] =	sst s5  }
0xe: {  	[smem:$0x3FAF] =	sst s6  }
0xf: {  	[smem:$0x3FB0] =	sst s7  }
0x10: {  	[smem:$0x3FB1] =	sst s8  }
0x11: {  	[smem:$0x3FB2] =	sst s9;
	s0 =	simm.s32 @!p0 $0x0  }
0x12: {  	s1 =	sld [smem:$0x3F98];
	s0 =	simm.s32 @p0 $0x1  }
0x13: {  	[smem:$0x3FB3] =	sst s0;
	s0 =	simm.s32 @!p1 $0x0  }
0x14: {  	s2 =	sld [smem:$0x3F97];
	s0 =	simm.s32 @p1 $0x1  }
0x15: {  	[smem:$0x3FB4] =	sst s0;
	s0 =	simm.s32 @!p2 $0x0  }
0x16: {  	s3 =	sld [smem:$0x3FDB];
	s0 =	simm.s32 @p2 $0x1  }
0x17: {  	s4 =	simm.s32 $0x1BF5;
	[smem:$0x3FB6] =	sst s0  }
0x18: {  	s0 =	sld [smem:$0x3F99];
	_ =	swait.ge [sflag:s4], $0x0  }
0x19: {  	s7 =	sld [smem:$0x3F9A]  }
0x1a: {  	s8 =	sadd.s32 $0xFFFFE003, lr  }
0x1b: {  	s9 =	sadd.s32 $0xFFFFFEF7, lr;
	s5 =	simm.s32 $0xFFFFFFFF;
	p2 =	slt.u32 s8, $0xFFFFF086  }
0x1c: {  	p1 =	slt.u32 s9, $0xF7A;
	s5 =	simm.s32 @!p2 $0x0  }
0x1d: {  	s5 =	simm.s32 @p1 $0x1;
	p0 =	seq.s32 s7, s2  }
0x1e: {  	s7 =	smul.u32 @!p0 $0xF7A, s2;
	p2 =	seq.s32 @!p0 s5, $0x0  }
0x1f: {  	s9 =	smul.u32 $0xF7A, s1;
	s8 =	simm.s32 @!p0 $0x1BF5;
	p2 =	por !p2, p0  }
0x20: {  	[sflag:s8] =	ssyncset.s32 @!p0 $0xFFFFF086;
	s6 =	sadd.s32 @!p0 s3, s7;
	s7 =	simm.s32 @!p0 $0x108  }
0x21: {  	s3 =	sadd.s32 s3, s9;
	s6 =	sadd.s32 @!p0 $0x88, s6;
	s7 =	simm.s32 @p2 $0x1082  }
0x22: {  	[simem:s7], [sflag:s8] =	dma.local @!p0 [hbm:s6], $0xF7A  }
0x23: {  	s9 =	sor.u32 $0xD0000000, s2;
	s6 =	simm.s32 $0x108;
	_ =	swait.ge @!p0 [sflag:s8], $0x0  }
0x24: {  	s3 =	sadd.s32 $0x88, s3;
	s6 =	simm.s32 @!p1 $0x1082;
	[sflag:s4] =	ssyncset.s32 $0xFFFFF086  }
0x25: {  	[simem:s6], [sflag:s4] =	dma.local [hbm:s3], $0xF7A  }
0x26: {  	[smem:$0x3F9A] =	sst s1;
	(tag) =	ssettag s2;
	_ =	strace s9  }
0x27: {  	s1 =	sld [smem:$0x3FAA]  }
0x28: {  	s2 =	sld [smem:$0x3FAB]  }
0x29: {  	s4 =	sld [smem:$0x3FAD]  }
0x2a: {  	p0 =	seq.s32 s5, $0x0;
	s5 =	sld [smem:$0x3FAE]  }
0x2b: {  	s6 =	sld [smem:$0x3FAF]  }
0x2c: {  	s7 =	sld [smem:$0x3FB0]  }
0x2d: {  	s3 =	simm.s32 $0x108;
	s8 =	sld [smem:$0x3FB1]  }
0x2e: {  	s3 =	simm.s32 @!p0 $0x1082;
	s9 =	sld [smem:$0x3FB2]  }
0x2f: {  	lr =	sadd.s32 s0, s3;
	s0 =	sld [smem:$0x3FA9]  }
0x30: {  	s3 =	sld [smem:$0x3FAC]  }
0x31: {  	[smem:$0x3FB5] =	sst s10  }
0x32: {  	s10 =	sld [smem:$0x3FB3];
	_ =	sdelay $0x3  }
0x33: {  	p0 =	seq.s32 s10, $0x1;
	s10 =	sld [smem:$0x3FB5];
	_ =	sdelay $0x3  }
0x34: {  	[smem:$0x3FB5] =	sst s10  }
0x35: {  	s10 =	sld [smem:$0x3FB4];
	_ =	sdelay $0x3  }
0x36: {  	p1 =	seq.s32 s10, $0x1;
	s10 =	sld [smem:$0x3FB5];
	_ =	sdelay $0x3  }
0x37: {  	[smem:$0x3FB5] =	sst s10  }
0x38: {  	s10 =	sld [smem:$0x3FB6]  }
0x39: {  	_ = 	snop;
	(pc) =	sbr.ind lr, $3  }
0x3a: {  	_ = 	snop  }
0x3b: {  	_ = 	snop  }
0x3c: {  	p2 =	seq.s32 s10, $0x1;
	s10 =	sld [smem:$0x3FB5]  }
0x3d: {  	_ =	shalt  }
0x3e: {  	_ =	shalt  }
0x3f: {  	_ =	shalt  }
0x40: {  	_ =	shalt  }
0x41: {  	_ =	shalt  }
0x42: {  	_ =	shalt  }
0x43: {  	_ =	shalt  }
0x44: {  	_ =	shalt  }
0x45: {  	_ =	shalt  }
0x46: {  	_ =	shalt  }
0x47: {  	_ =	shalt  }
0x48: {  	_ =	shalt  }
0x49: {  	_ =	shalt  }
0x4a: {  	_ =	shalt  }
0x4b: {  	_ =	shalt  }
0x4c: {  	_ =	shalt  }
0x4d: {  	_ =	shalt  }
0x4e: {  	_ =	shalt  }
0x4f: {  	_ =	shalt  }
0x50: {  	_ =	shalt  }
0x51: {  	_ =	shalt  }
0x52: {  	_ =	shalt  }
0x53: {  	_ =	shalt  }
0x54: {  	_ =	shalt  }
0x55: {  	_ =	shalt  }
0x56: {  	_ =	shalt  }
0x57: {  	_ =	shalt  }
0x58: {  	_ =	shalt  }
0x59: {  	_ =	shalt  }
0x5a: {  	_ =	shalt  }
0x5b: {  	_ =	shalt  }
0x5c: {  	_ =	shalt  }
0x5d: {  	_ =	shalt  }
0x5e: {  	_ =	shalt  }
0x5f: {  	_ =	shalt  }
0x60: {  	_ =	shalt  }
0x61: {  	_ =	shalt  }
0x62: {  	_ =	shalt  }
0x63: {  	_ =	shalt  }
0x64: {  	_ =	shalt  }
0x65: {  	_ =	shalt  }
0x66: {  	_ =	shalt  }
0x67: {  	_ =	shalt  }
0x68: {  	_ =	shalt  }
0x69: {  	_ =	shalt  }
0x6a: {  	_ =	shalt  }
0x6b: {  	_ =	shalt  }
0x6c: {  	_ =	shalt  }
0x6d: {  	_ =	shalt  }
0x6e: {  	_ =	shalt  }
0x6f: {  	_ =	shalt  }
0x70: {  	_ =	shalt  }
0x71: {  	_ =	shalt  }
0x72: {  	_ =	shalt  }
0x73: {  	_ =	shalt  }
0x74: {  	_ =	shalt  }
0x75: {  	_ =	shalt  }
0x76: {  	_ =	shalt  }
0x77: {  	_ =	shalt  }
0x78: {  	_ =	shalt  }
0x79: {  	_ =	shalt  }
0x7a: {  	_ =	shalt  }
0x7b: {  	_ =	shalt  }
0x7c: {  	_ =	shalt  }
0x7d: {  	_ =	shalt  }
0x7e: {  	_ =	shalt  }
0x7f: {  	_ =	shalt  }
0x80: {  	_ =	shalt  }
0x81: {  	_ =	shalt  }
0x82: {  	_ =	shalt  }
0x83: {  	_ =	shalt  }
0x84: {  	_ =	shalt  }
0x85: {  	_ =	shalt  }
0x86: {  	_ =	shalt  }
0x87: {  	_ =	shalt  }
.Lfunc_end0:
.L_simem_size_0:
called_computation_lowered:
.L_overlay_start_0:
0x88: {  	s2 =	sld [smem:$0x3FD9]  }
0x89: {  	s3 =	sld [smem:$0x3FFE];
	_ =	sdelay $0x1  }
0x8a: {  	s1 =	srdreg.scid  }
0x8b: {  	s0 =	sand.u32 $0x1, s1  }
0x8c: {  	s16 =	sshll.u32 s0, $0xA;
	s2 =	sadd.s32 s3, s2  }
0x8d: {  	s2 =	sadd.s32 s2, s16  }
0x8e: {  	[smem:$0x3FC1] =	sst s2  }
0x8f: {  	_ = 	snop  }
0x90: {  	(tm) =	ssettm $0x1  }
0x91: {  	s17 =	sld [smem:$0x3FFB];
	_ =	sdelay $0x3  }
0x92: {  	_ =	strace s17  }
0x93: {  	s2 =	sld [smem:$0x3FFC];
	_ =	sdelay $0x3  }
0x94: {  	_ =	strace s2  }
0x95: {  	s2 =	sld [smem:$0x3FFD];
	_ =	sdelay $0x3  }
0x96: {  	_ =	strace s2  }
0x97: {  	_ =	strace $0x8FFFFFFF  }
0x98: {  	s18 =	sld [smem:$0x3FDB];
	_ =	sdelay $0x1  }
0x99: {  	s19 =	simm.s32 $_scs_section_size  }
0x9a: {  	s4 =	simm.s32 $_size__tile_overlayer_lowered;
	s5 =	simm.s32 $_tile_overlayer_lowered  }
0x9b: {  	s22 =	simm.s32 $0x1BFF;
	s21 =	sshll.u32 s5, $0x1;
	s2 =	sadd.s32 s19, s18  }
0x9c: {  	s6 =	simm.s32 $0x0;
	s20 =	sshll.u32 s4, $0x1;
	s4 =	sadd.s32 s21, s2  }
0x9d: {  	[timem:s6], [sflag:s22] =	dma.local [hbm:s4], s20  }
0x9e: {  	_ =	swait.ge [sflag:s22], s20  }
0x9f: {  	s3 =	ssub.s32 $0x0, s20;
	[sflag:s22] =	ssyncset.done $0x0  }
0xa0: {  	[sflag:s22] =	ssyncadd.s32 s3;
	_ =	sdelay $0x1  }
0xa1: {  	s23 =	simm.s32 $0x1B8B  }
0xa2: {  	_ =	swait.ge [sflag:s23], $0x1  }
0xa3: {  	[sflag:s23] =	ssyncset.done $0x0  }
0xa4: {  	s25 =	simm.s32 $0x1B8E;
	s24 =	sld [smem:$0x3FFE];
	[sflag:s23] =	ssyncadd.s32 $0xFFFFFFFF  }
0xa5: {  	s26 =	simm.s32 $execute0_lowered;
	[smem:$0x3FD2] =	sst s25  }
0xa6: {  	s4 =	sshll.u32 s26, $0x1;
	_ =	strace $0x80000046;
	[dreg:$0x1] =	wrdreg $0xFFFFFFFF  }
0xa7: {  	s28 =	simm.s32 $_size_execute0_lowered;
	s2 =	sadd.s32 s2, s4;
	[dreg:$0x0] =	wrdreg $0x0  }
0xa8: {  	s4 =	sshll.u32 s28, $0x1;
	[dreg:$0x2] =	wrdreg s2  }
0xa9: {  	[dreg:$0x3] =	wrdreg s4  }
0xaa: {  	[dreg:$0x4] =	wrdreg $0xC0  }
0xab: {  	_ =	task [dreg:s6], $0x5FFFF  }
0xac: {  	[dreg:$0x1] =	wrdreg $0xFFFFFFFF  }
0xad: {  	[dreg:$0x0] =	wrdreg $0x60  }
0xae: {  	[dreg:$0x2] =	wrdreg s24  }
0xaf: {  	[dreg:$0x3] =	wrdreg $0x9  }
0xb0: {  	_ =	task.clear_ibuf [dreg:s6], $0x4FFFF;
	_ =	strace $0x90000046  }
0xb1: {  	s29 =	simm.s32 $0x9;
	_ =	strace $0x80000048  }
0xb2: {  	_ =	swait.ge [sflag:s29], $0x1  }
0xb3: {  	[sflag:s29] =	ssyncadd.s32 $0xFFFFFFFF  }
0xb4: {  	_ =	strace $0x90000048  }
0xb5: {  	_ =	sfence  }
0xb6: {  	s30 =	sld [smem:$0x0];
	_ =	sdelay $0x2  }
0xb7: {  	s31 =	sshll.u32 s1, $0xD;
	s1 =	sshrl.u32 s1, $0x2  }
0xb8: {  	s3 =	sand.u32 $0x4000, s31;
	s1 =	sadd.s32 s1, s30  }
0xb9: {  	s0 =	sor.u32 s3, s0;
	s1 =	sshll.u32 s1, $0x11  }
0xba: {  	s0 =	sor.u32 s1, s0  }
0xbb: {  	s0 =	sadd.s32 $0x8F2B, s0  }
0xbc: {  	[sflag:s0] =	ssyncadd.remote.s32 $0x1  }
0xbd: {  	_ =	sfence.sel $0xFFFF  }
0xbe: {  	[dreg:$0x0] =	wrdreg $0xFFFFFFFF;
	(pc) =	sbr.abs _section_cstart, $3  }
0xbf: {  	[dreg:$0x1] =	wrdreg $0xFFFFFFFF  }
0xc0: {  	_ =	task.clear_ibuf [dreg:s6], $0x2FFFF;
	_ =	strace $0x9FFFFFFF  }
0xc1: {  	(tm) =	ssettm $0x7FFFFFFF  }
tec
execute0_lowered:
.L_overlay_start_1:
0x0: {  	(tag) =	ssettag $0x1  }
0x1: {  	s0 =	srdreg.scid  }
0x2: {  	s2 =	stileid.u32;
	s1 =	rddreg [dreg:$0x0]  }
0x3: {  	s7 =	simm.s32 $0x9;
	s8 =	simm.s32 $0x68;
	s10 =	simm.s32 $0x60  }
0x4: {  	s9 =	simm.s32 $0x11600;
	s11 =	simm.s32 $0x668;
	s12 =	simm.s32 $0x12300  }
0x5: {  	s13 =	simm.s32 $0x700;
	s14 =	simm.s32 $0x12F00;
	s15 =	simm.s32 $0x768  }
0x6: {  	s16 =	simm.s32 $0x13C00;
	s17 =	simm.s32 $0x1;
	s18 =	simm.s32 $0x2  }
0x7: {  	s19 =	simm.s32 $0x3;
	s20 =	simm.s32 $0x4;
	s21 =	simm.s32 $0x5  }
0x8: {  	s22 =	simm.s32 $0x6;
	s23 =	simm.s32 $0x7;
	s24 =	simm.s32 $0x8  }
0x9: {  	s25 =	simm.s32 $0x14800;
	s26 =	simm.s32 $0x0;
	s0 =	sand.u32 $0x1, s0  }
0xa: {  	s3 =	sshll.u32 s2, $0x8;
	s2 =	simm.s32 $0x0;
	s4 =	sshll.u32 s0, $0x7  }
.Ltmp0:
0xb: {  	[smem:$0x7FF] =	sst s2;
	s0 =	ssub.s32 $0x2, s0;
	(pc) =	sbr.rel .LBB2_1-.Ltmp0, $4  }
0xc: {  	s4 =	sor.u32 s4, s3;
	_ =	strace $0x80000047;
	s6 =	sshrl.u32 s0, $0x1  }
0xd: {  	s3 =	sshll.u32 s4, $0x5;
	s4 =	sshll.u32 s4, $0x4;
	s0 =	ssub.s32 s0, s6  }
0xe: {  	s5 =	sadd.s32 s3, s1;
	s3 =	sadd.s32 $0x1400, s1;
	s1 =	sadd.s32 s4, s1  }
0xf: {  	s6 =	smax.u32 s0, $0x1;
	s4 =	sadd.s32 $0x3E9400, s5;
	s5 =	sadd.s32 $0x409400, s1  }
.LBB2_20:
0x10: {  	s26 =	sadd.s32 $0x1, s26  }
0x11: {  	p0 =	sne.s32 s26, s6  }
.Ltmp1:
0x12: {  	_ = 	snop;
	(pc) =	sbr.rel @!p0 .LBB2_21-.Ltmp1, $4  }
0x13: {  	[hbm4b:s5+s2] =	stream.linear.scatter [tilespmem:s25], [sflag:$0x9], $0x4000, $0x38;
	[tilespmem:$0x18800] =	vst v63  }
0x14: {  	_ =	swait.ge [sflag:s7], $0x4000  }
0x15: {  	[sflag:s7] =	ssyncset.done $0x0  }
0x16: {  	[sflag:s7] =	ssyncadd.s32 $0xFFFFC000  }
.LBB2_1:
0x17: {  	[tilespmem:s2], [sflag:$0x9] =	stream.linear.gather [hbm4b:s4+s2], $0x8000, $0x38;
	[tilespmem:$0x18800] =	vst v63  }
0x18: {  	_ =	swait.ge [sflag:s7], $0x8000  }
0x19: {  	[sflag:s7] =	ssyncset.done $0x0  }
0x1a: {  	s0 =	simm.s32 $0x8000;
	[sflag:s7] =	ssyncadd.s32 $0xFFFF8000  }
0x1b: {  	[tilespmem:s0], [sflag:$0x1] =	stream.indirect.gather [hbm4b:s3+s8], $0x20, s2, s8, $0xb8;
	[tilespmem:$0x18800] =	vst v63  }
0x1c: {  	s30 =	simm.s32 $0x8D00  }
0x1d: {  	[tilespmem:s30], [sflag:$0x1] =	stream.indirect.gather [hbm4b:s3+s10], $0x20, s8, s10, $0xb8;
	[tilespmem:$0x18800] =	vst v63  }
0x1e: {  	s31 =	simm.s32 $0x100;
	s1 =	simm.s32 $0x9900  }
0x1f: {  	[tilespmem:s1], [sflag:$0x2] =	stream.indirect.gather [hbm4b:s3+s8], $0x20, s31, s8, $0xb8;
	[tilespmem:$0x18800] =	vst v63  }
0x20: {  	s29 =	simm.s32 $0xA600;
	s1 =	simm.s32 $0x168  }
0x21: {  	[tilespmem:s29], [sflag:$0x2] =	stream.indirect.gather [hbm4b:s3+s10], $0x20, s1, s10, $0xb8;
	[tilespmem:$0x18800] =	vst v63  }
0x22: {  	s30 =	simm.s32 $0x200;
	s31 =	simm.s32 $0xB200  }
0x23: {  	[tilespmem:s31], [sflag:$0x3] =	stream.indirect.gather [hbm4b:s3+s8], $0x20, s30, s8, $0xb8;
	[tilespmem:$0x18800] =	vst v63  }
0x24: {  	s1 =	simm.s32 $0x268;
	s29 =	simm.s32 $0xBF00  }
0x25: {  	[tilespmem:s29], [sflag:$0x3] =	stream.indirect.gather [hbm4b:s3+s10], $0x20, s1, s10, $0xb8;
	[tilespmem:$0x18800] =	vst v63  }
0x26: {  	s30 =	simm.s32 $0x300;
	s31 =	simm.s32 $0xCB00  }
0x27: {  	[tilespmem:s31], [sflag:$0x4] =	stream.indirect.gather [hbm4b:s3+s8], $0x20, s30, s8, $0xb8;
	[tilespmem:$0x18800] =	vst v63  }
0x28: {  	s1 =	simm.s32 $0x368;
	s29 =	simm.s32 $0xD800  }
0x29: {  	[tilespmem:s29], [sflag:$0x4] =	stream.indirect.gather [hbm4b:s3+s10], $0x20, s1, s10, $0xb8;
	[tilespmem:$0x18800] =	vst v63  }
0x2a: {  	s30 =	simm.s32 $0x400;
	s31 =	simm.s32 $0xE400  }
0x2b: {  	[tilespmem:s31], [sflag:$0x5] =	stream.indirect.gather [hbm4b:s3+s8], $0x20, s30, s8, $0xb8;
	[tilespmem:$0x18800] =	vst v63  }
0x2c: {  	s1 =	simm.s32 $0x468;
	s29 =	simm.s32 $0xF100  }
0x2d: {  	[tilespmem:s29], [sflag:$0x5] =	stream.indirect.gather [hbm4b:s3+s10], $0x20, s1, s10, $0xb8;
	[tilespmem:$0x18800] =	vst v63  }
0x2e: {  	s30 =	simm.s32 $0x500;
	s31 =	simm.s32 $0xFD00  }
0x2f: {  	[tilespmem:s31], [sflag:$0x6] =	stream.indirect.gather [hbm4b:s3+s8], $0x20, s30, s8, $0xb8;
	[tilespmem:$0x18800] =	vst v63  }
0x30: {  	s29 =	simm.s32 $0x568;
	s30 =	simm.s32 $0x10A00  }
0x31: {  	[tilespmem:s30], [sflag:$0x6] =	stream.indirect.gather [hbm4b:s3+s10], $0x20, s29, s10, $0xb8;
	[tilespmem:$0x18800] =	vst v63  }
0x32: {  	s31 =	simm.s32 $0x600  }
0x33: {  	[tilespmem:s9], [sflag:$0x7] =	stream.indirect.gather [hbm4b:s3+s8], $0x20, s31, s8, $0xb8;
	[tilespmem:$0x18800] =	vst v63  }
0x34: {  	_ = 	snop  }
0x35: {  	[tilespmem:s12], [sflag:$0x7] =	stream.indirect.gather [hbm4b:s3+s10], $0x20, s11, s10, $0xb8;
	[tilespmem:$0x18800] =	vst v63  }
0x36: {  	_ = 	snop  }
0x37: {  	[tilespmem:s14], [sflag:$0x8] =	stream.indirect.gather [hbm4b:s3+s8], $0x20, s13, s8, $0xb8;
	[tilespmem:$0x18800] =	vst v63  }
0x38: {  	s28 =	simm.s32 $0x0  }
0x39: {  	[tilespmem:s16], [sflag:$0x8] =	stream.indirect.gather [hbm4b:s3+s10], $0x20, s15, s10, $0xb8;
	[tilespmem:$0x18800] =	vst v63  }
.LBB2_2:
0x3a: {  	_ =	swait.ge [sflag:s17], $0xD00  }
0x3b: {  	[sflag:s17] =	ssyncset.done $0x0  }
0x3c: {  	[sflag:s17] =	ssyncadd.s32 $0xFFFFF300  }
0x3d: {  	_ =	swait.ge [sflag:s17], $0xC00  }
0x3e: {  	[sflag:s17] =	ssyncset.done $0x0  }
0x3f: {  	s1 =	simm.s32 $0x8020;
	[sflag:s17] =	ssyncadd.s32 $0xFFFFF400  }
0x40: {  	v0 =	vld [tilespmem:s1+$0xFFFFFFF0]  }
0x41: {  	v7 =	vld [tilespmem:s1+$0x10]  }
0x42: {  	v4 =	vld [tilespmem:s1+$0x0]  }
0x43: {  	v5 =	vld [tilespmem:s1+$0xFFFFFFE0];
	_ =	sdelay $0x1  }
0x44: {  	s31 =	simm.s32 $0x8060  }
0x45: {  	v1 =	vimm.f32 $0.0e+00;
	v3 =	vld [tilespmem:s31+$0xFFFFFFF0];
	v2 =	vshll.u32 v0, $0x10  }
0x46: {  	v9 =	vand.u32 $0xFFFF0000, v0;
	v0 =	vshll.u32 v4, $0x10;
	v8 =	vshll.u32 v7, $0x10  }
0x47: {  	v11 =	vld [tilespmem:s31+$0x0];
	v6 =	vshll.u32 v5, $0x10;
	v10 =	vand.u32 $0xFFFF0000, v4;
	v4 =	vadd.f32 v0, v1  }
0x48: {  	v12 =	vand.u32 $0xFFFF0000, v5;
	v0 =	vld [tilespmem:s31+$0x10];
	v6 =	vadd.f32 v6, v1;
	v5 =	vadd.f32 v10, v1  }
0x49: {  	v14 =	vand.u32 $0xFFFF0000, v7;
	v7 =	vadd.f32 v12, v1;
	v8 =	vadd.f32 v8, v1;
	v12 =	vld [tilespmem:s31+$0xFFFFFFE0]  }
0x4a: {  	s29 =	simm.s32 $0x2;
	s30 =	simm.s32 $0x80A0;
	v13 =	vshll.u32 v3, $0x10;
	v10 =	vadd.f32 v9, v1;
	v9 =	vadd.f32 v14, v1  }
.LBB2_3:
0x4b: {  	s29 =	sadd.s32 $0x2, s29  }
0x4c: {  	v14 =	vand.u32 $0xFFFF0000, v3;
	v3 =	vld [tilespmem:s30+$0xFFFFFFF0];
	v1 =	vadd.f32 v2, v1;
	v2 =	vmov v13;
	p0 =	slt.u32 s29, $0xC6  }
.Ltmp2:
0x4d: {  	v15 =	vshll.u32 v0, $0x10;
	v16 =	vand.u32 $0xFFFF0000, v0;
	v13 =	vshll.u32 v11, $0x10;
	v0 =	vld [tilespmem:s30+$0x10];
	(pc) =	sbr.rel @p0 .LBB2_3-.Ltmp2, $4  }
0x4e: {  	v18 =	vand.u32 $0xFFFF0000, v11;
	v17 =	vshll.u32 v12, $0x10;
	v11 =	vld [tilespmem:s30+$0x0];
	v4 =	vadd.f32 v13, v4  }
0x4f: {  	v13 =	vand.u32 $0xFFFF0000, v12;
	v5 =	vadd.f32 v18, v5;
	v12 =	vld [tilespmem:s30+$0xFFFFFFE0];
	v6 =	vadd.f32 v17, v6  }
0x50: {  	v8 =	vadd.f32 v15, v8;
	v7 =	vadd.f32 v13, v7  }
0x51: {  	v10 =	vadd.f32 v14, v10;
	v9 =	vadd.f32 v16, v9;
	s30 =	sadd.s32 $0x40, s30;
	v13 =	vshll.u32 v3, $0x10  }
0x52: {  	v3 =	vand.u32 $0xFFFF0000, v3  }
0x53: {  	v1 =	vadd.f32 v2, v1;
	v2 =	vshll.u32 v11, $0x10;
	v11 =	vand.u32 $0xFFFF0000, v11  }
0x54: {  	v3 =	vadd.f32 v3, v10;
	v14 =	vshll.u32 v12, $0x10;
	v2 =	vadd.f32 v2, v4  }
0x55: {  	v4 =	vand.u32 $0xFFFF0000, v12;
	v5 =	vadd.f32 v11, v5;
	v6 =	vadd.f32 v14, v6  }
0x56: {  	v12 =	vshll.u32 v0, $0x10;
	v1 =	vadd.f32 v13, v1;
	v4 =	vadd.f32 v4, v7  }
0x57: {  	v0 =	vand.u32 $0xFFFF0000, v0;
	v7 =	vadd.f32 v12, v8;
	v2 =	vadd.f32 v2, v6  }
0x58: {  	v0 =	vadd.f32 v0, v9;
	v4 =	vadd.f32 v5, v4  }
0x59: {  	s1 =	sshll.u32 s28, $0xA;
	v1 =	vadd.f32 v7, v1;
	v2 =	vmul.f32 $4.999999890e-03, v2  }
0x5a: {  	s29 =	sand.u32 $0x3FFFFC00, s1;
	v0 =	vadd.f32 v0, v3;
	v4 =	vmul.f32 $4.999999890e-03, v4  }
0x5b: {  	v1 =	vmul.f32 $4.999999890e-03, v1;
	[tilespmem:s29+$0x14800] =	vst v2  }
0x5c: {  	v0 =	vmul.f32 $4.999999890e-03, v0;
	[tilespmem:s29+$0x14820] =	vst v4  }
0x5d: {  	s30 =	sshll.u32 s28, $0xB;
	p0 =	seq.s32 s28, $0xF;
	[tilespmem:s29+$0x14810] =	vst v1  }
0x5e: {  	s1 =	sadd.s32 @!p0 $0x800, s30;
	s31 =	simm.s32 @!p0 $0x68;
	s0 =	simm.s32 @!p0 $0x8000;
	[tilespmem:s29+$0x14830] =	vst v0  }
0x5f: {  	[tilespmem:s0], [sflag:$0x1] =	stream.indirect.gather @!p0 [hbm4b:s3+s31], $0x20, s1, s31, $0xb8;
	[tilespmem:$0x18800] =	vst v63  }
0x60: {  	s0 =	sadd.s32 @!p0 $0x868, s30;
	s1 =	simm.s32 @!p0 $0x60;
	s31 =	simm.s32 @!p0 $0x8D00  }
0x61: {  	[tilespmem:s31], [sflag:$0x1] =	stream.indirect.gather @!p0 [hbm4b:s3+s1], $0x20, s0, s1, $0xb8;
	[tilespmem:$0x18800] =	vst v63  }
0x62: {  	_ =	swait.ge [sflag:s18], $0xD00  }
0x63: {  	[sflag:s18] =	ssyncset.done $0x0  }
0x64: {  	[sflag:s18] =	ssyncadd.s32 $0xFFFFF300  }
0x65: {  	_ =	swait.ge [sflag:s18], $0xC00  }
0x66: {  	[sflag:s18] =	ssyncset.done $0x0  }
0x67: {  	s1 =	simm.s32 $0x9930;
	[sflag:s18] =	ssyncadd.s32 $0xFFFFF400  }
0x68: {  	v0 =	vld [tilespmem:s1+$0xFFFFFFE0]  }
0x69: {  	v7 =	vld [tilespmem:s1+$0x0]  }
0x6a: {  	v4 =	vld [tilespmem:s1+$0xFFFFFFF0]  }
0x6b: {  	v5 =	vld [tilespmem:s1+$0xFFFFFFD0];
	_ =	sdelay $0x1  }
0x6c: {  	s1 =	simm.s32 $0x9970  }
0x6d: {  	v1 =	vimm.f32 $0.0e+00;
	v3 =	vld [tilespmem:s1+$0xFFFFFFE0];
	v2 =	vshll.u32 v0, $0x10  }
0x6e: {  	v9 =	vand.u32 $0xFFFF0000, v0;
	v0 =	vshll.u32 v4, $0x10;
	v8 =	vshll.u32 v7, $0x10  }
0x6f: {  	v11 =	vld [tilespmem:s1+$0xFFFFFFF0];
	v6 =	vshll.u32 v5, $0x10;
	v10 =	vand.u32 $0xFFFF0000, v4;
	v4 =	vadd.f32 v0, v1  }
0x70: {  	v12 =	vand.u32 $0xFFFF0000, v5;
	v0 =	vld [tilespmem:s1+$0x0];
	v6 =	vadd.f32 v6, v1;
	v5 =	vadd.f32 v10, v1  }
0x71: {  	v14 =	vand.u32 $0xFFFF0000, v7;
	v7 =	vadd.f32 v12, v1;
	v8 =	vadd.f32 v8, v1;
	v12 =	vld [tilespmem:s1+$0xFFFFFFD0]  }
0x72: {  	s31 =	simm.s32 $0x2;
	v13 =	vshll.u32 v3, $0x10;
	s1 =	simm.s32 $0x99B0;
	v10 =	vadd.f32 v9, v1;
	v9 =	vadd.f32 v14, v1  }
.LBB2_5:
0x73: {  	s31 =	sadd.s32 $0x2, s31  }
0x74: {  	v14 =	vand.u32 $0xFFFF0000, v3;
	v3 =	vld [tilespmem:s1+$0xFFFFFFE0];
	v1 =	vadd.f32 v2, v1;
	v2 =	vmov v13;
	p1 =	slt.u32 s31, $0xC6  }
.Ltmp3:
0x75: {  	v15 =	vshll.u32 v0, $0x10;
	v16 =	vand.u32 $0xFFFF0000, v0;
	v13 =	vshll.u32 v11, $0x10;
	v0 =	vld [tilespmem:s1+$0x0];
	(pc) =	sbr.rel @p1 .LBB2_5-.Ltmp3, $4  }
0x76: {  	v18 =	vand.u32 $0xFFFF0000, v11;
	v17 =	vshll.u32 v12, $0x10;
	v11 =	vld [tilespmem:s1+$0xFFFFFFF0];
	v4 =	vadd.f32 v13, v4  }
0x77: {  	v13 =	vand.u32 $0xFFFF0000, v12;
	v5 =	vadd.f32 v18, v5;
	v12 =	vld [tilespmem:s1+$0xFFFFFFD0];
	v6 =	vadd.f32 v17, v6  }
0x78: {  	v8 =	vadd.f32 v15, v8;
	v7 =	vadd.f32 v13, v7  }
0x79: {  	v10 =	vadd.f32 v14, v10;
	v9 =	vadd.f32 v16, v9;
	s1 =	sadd.s32 $0x40, s1;
	v13 =	vshll.u32 v3, $0x10  }
0x7a: {  	v3 =	vand.u32 $0xFFFF0000, v3  }
0x7b: {  	v1 =	vadd.f32 v2, v1;
	v2 =	vshll.u32 v11, $0x10;
	v11 =	vand.u32 $0xFFFF0000, v11  }
0x7c: {  	v3 =	vadd.f32 v3, v10;
	v14 =	vshll.u32 v12, $0x10;
	v2 =	vadd.f32 v2, v4  }
0x7d: {  	v4 =	vand.u32 $0xFFFF0000, v12;
	v5 =	vadd.f32 v11, v5;
	v6 =	vadd.f32 v14, v6  }
0x7e: {  	v12 =	vshll.u32 v0, $0x10;
	v1 =	vadd.f32 v13, v1;
	v4 =	vadd.f32 v4, v7  }
0x7f: {  	v0 =	vand.u32 $0xFFFF0000, v0;
	v7 =	vadd.f32 v12, v8;
	v2 =	vadd.f32 v2, v6  }
0x80: {  	v0 =	vadd.f32 v0, v9;
	v4 =	vadd.f32 v5, v4  }
0x81: {  	v1 =	vadd.f32 v7, v1;
	v2 =	vmul.f32 $4.999999890e-03, v2  }
0x82: {  	v0 =	vadd.f32 v0, v3;
	v4 =	vmul.f32 $4.999999890e-03, v4  }
0x83: {  	v1 =	vmul.f32 $4.999999890e-03, v1;
	[tilespmem:s29+$0x14880] =	vst v2  }
0x84: {  	v0 =	vmul.f32 $4.999999890e-03, v0;
	[tilespmem:s29+$0x148A0] =	vst v4  }
0x85: {  	[tilespmem:s29+$0x14890] =	vst v1  }
0x86: {  	s0 =	sadd.s32 @!p0 $0x900, s30;
	s1 =	simm.s32 @!p0 $0x68;
	s31 =	simm.s32 @!p0 $0x9900;
	[tilespmem:s29+$0x148B0] =	vst v0  }
0x87: {  	[tilespmem:s31], [sflag:$0x2] =	stream.indirect.gather @!p0 [hbm4b:s3+s1], $0x20, s0, s1, $0xb8;
	[tilespmem:$0x18800] =	vst v63  }
0x88: {  	s0 =	sadd.s32 @!p0 $0x968, s30;
	s1 =	simm.s32 @!p0 $0x60;
	s31 =	simm.s32 @!p0 $0xA600  }
0x89: {  	[tilespmem:s31], [sflag:$0x2] =	stream.indirect.gather @!p0 [hbm4b:s3+s1], $0x20, s0, s1, $0xb8;
	[tilespmem:$0x18800] =	vst v63  }
0x8a: {  	_ =	swait.ge [sflag:s19], $0xD00  }
0x8b: {  	[sflag:s19] =	ssyncset.done $0x0  }
0x8c: {  	[sflag:s19] =	ssyncadd.s32 $0xFFFFF300  }
0x8d: {  	_ =	swait.ge [sflag:s19], $0xC00  }
0x8e: {  	[sflag:s19] =	ssyncset.done $0x0  }
0x8f: {  	s1 =	simm.s32 $0xB230;
	[sflag:s19] =	ssyncadd.s32 $0xFFFFF400  }
0x90: {  	v0 =	vld [tilespmem:s1+$0xFFFFFFE0]  }
0x91: {  	v7 =	vld [tilespmem:s1+$0x0]  }
0x92: {  	v4 =	vld [tilespmem:s1+$0xFFFFFFF0]  }
0x93: {  	v5 =	vld [tilespmem:s1+$0xFFFFFFD0];
	_ =	sdelay $0x1  }
0x94: {  	s1 =	simm.s32 $0xB270  }
0x95: {  	v1 =	vimm.f32 $0.0e+00;
	v3 =	vld [tilespmem:s1+$0xFFFFFFE0];
	v2 =	vshll.u32 v0, $0x10  }
0x96: {  	v9 =	vand.u32 $0xFFFF0000, v0;
	v0 =	vshll.u32 v4, $0x10;
	v8 =	vshll.u32 v7, $0x10  }
0x97: {  	v11 =	vld [tilespmem:s1+$0xFFFFFFF0];
	v6 =	vshll.u32 v5, $0x10;
	v10 =	vand.u32 $0xFFFF0000, v4;
	v4 =	vadd.f32 v0, v1  }
0x98: {  	v12 =	vand.u32 $0xFFFF0000, v5;
	v0 =	vld [tilespmem:s1+$0x0];
	v6 =	vadd.f32 v6, v1;
	v5 =	vadd.f32 v10, v1  }
0x99: {  	v14 =	vand.u32 $0xFFFF0000, v7;
	v7 =	vadd.f32 v12, v1;
	v8 =	vadd.f32 v8, v1;
	v12 =	vld [tilespmem:s1+$0xFFFFFFD0]  }
0x9a: {  	s31 =	simm.s32 $0x2;
	v13 =	vshll.u32 v3, $0x10;
	s1 =	simm.s32 $0xB2B0;
	v10 =	vadd.f32 v9, v1;
	v9 =	vadd.f32 v14, v1  }
.LBB2_7:
0x9b: {  	s31 =	sadd.s32 $0x2, s31  }
0x9c: {  	v14 =	vand.u32 $0xFFFF0000, v3;
	v3 =	vld [tilespmem:s1+$0xFFFFFFE0];
	v1 =	vadd.f32 v2, v1;
	v2 =	vmov v13;
	p1 =	slt.u32 s31, $0xC6  }
.Ltmp4:
0x9d: {  	v15 =	vshll.u32 v0, $0x10;
	v16 =	vand.u32 $0xFFFF0000, v0;
	v13 =	vshll.u32 v11, $0x10;
	v0 =	vld [tilespmem:s1+$0x0];
	(pc) =	sbr.rel @p1 .LBB2_7-.Ltmp4, $4  }
0x9e: {  	v18 =	vand.u32 $0xFFFF0000, v11;
	v17 =	vshll.u32 v12, $0x10;
	v11 =	vld [tilespmem:s1+$0xFFFFFFF0];
	v4 =	vadd.f32 v13, v4  }
0x9f: {  	v13 =	vand.u32 $0xFFFF0000, v12;
	v5 =	vadd.f32 v18, v5;
	v12 =	vld [tilespmem:s1+$0xFFFFFFD0];
	v6 =	vadd.f32 v17, v6  }
0xa0: {  	v8 =	vadd.f32 v15, v8;
	v7 =	vadd.f32 v13, v7  }
0xa1: {  	v10 =	vadd.f32 v14, v10;
	v9 =	vadd.f32 v16, v9;
	s1 =	sadd.s32 $0x40, s1;
	v13 =	vshll.u32 v3, $0x10  }
0xa2: {  	v3 =	vand.u32 $0xFFFF0000, v3  }
0xa3: {  	v1 =	vadd.f32 v2, v1;
	v2 =	vshll.u32 v11, $0x10;
	v11 =	vand.u32 $0xFFFF0000, v11  }
0xa4: {  	v3 =	vadd.f32 v3, v10;
	v14 =	vshll.u32 v12, $0x10;
	v2 =	vadd.f32 v2, v4  }
0xa5: {  	v4 =	vand.u32 $0xFFFF0000, v12;
	v5 =	vadd.f32 v11, v5;
	v6 =	vadd.f32 v14, v6  }
0xa6: {  	v12 =	vshll.u32 v0, $0x10;
	v1 =	vadd.f32 v13, v1;
	v4 =	vadd.f32 v4, v7  }
0xa7: {  	v0 =	vand.u32 $0xFFFF0000, v0;
	v7 =	vadd.f32 v12, v8;
	v2 =	vadd.f32 v2, v6  }
0xa8: {  	v0 =	vadd.f32 v0, v9;
	v4 =	vadd.f32 v5, v4  }
0xa9: {  	v1 =	vadd.f32 v7, v1;
	v2 =	vmul.f32 $4.999999890e-03, v2  }
0xaa: {  	v0 =	vadd.f32 v0, v3;
	v4 =	vmul.f32 $4.999999890e-03, v4  }
0xab: {  	v1 =	vmul.f32 $4.999999890e-03, v1;
	[tilespmem:s29+$0x14900] =	vst v2  }
0xac: {  	v0 =	vmul.f32 $4.999999890e-03, v0;
	[tilespmem:s29+$0x14920] =	vst v4  }
0xad: {  	[tilespmem:s29+$0x14910] =	vst v1  }
0xae: {  	s0 =	sadd.s32 @!p0 $0xA00, s30;
	s1 =	simm.s32 @!p0 $0x68;
	s31 =	simm.s32 @!p0 $0xB200;
	[tilespmem:s29+$0x14930] =	vst v0  }
0xaf: {  	[tilespmem:s31], [sflag:$0x3] =	stream.indirect.gather @!p0 [hbm4b:s3+s1], $0x20, s0, s1, $0xb8;
	[tilespmem:$0x18800] =	vst v63  }
0xb0: {  	s0 =	sadd.s32 @!p0 $0xA68, s30;
	s1 =	simm.s32 @!p0 $0x60;
	s31 =	simm.s32 @!p0 $0xBF00  }
0xb1: {  	[tilespmem:s31], [sflag:$0x3] =	stream.indirect.gather @!p0 [hbm4b:s3+s1], $0x20, s0, s1, $0xb8;
	[tilespmem:$0x18800] =	vst v63  }
0xb2: {  	_ =	swait.ge [sflag:s20], $0xD00  }
0xb3: {  	[sflag:s20] =	ssyncset.done $0x0  }
0xb4: {  	[sflag:s20] =	ssyncadd.s32 $0xFFFFF300  }
0xb5: {  	_ =	swait.ge [sflag:s20], $0xC00  }
0xb6: {  	[sflag:s20] =	ssyncset.done $0x0  }
0xb7: {  	s1 =	simm.s32 $0xCB00;
	[sflag:s20] =	ssyncadd.s32 $0xFFFFF400  }
0xb8: {  	v0 =	vld [tilespmem:s1+$0x10]  }
0xb9: {  	v7 =	vld [tilespmem:s1+$0x30]  }
0xba: {  	v4 =	vld [tilespmem:s1+$0x20]  }
0xbb: {  	v5 =	vld [tilespmem:s1+$0x0];
	_ =	sdelay $0x1  }
0xbc: {  	s1 =	simm.s32 $0xCB40  }
0xbd: {  	v1 =	vimm.f32 $0.0e+00;
	v3 =	vld [tilespmem:s1+$0x10];
	v2 =	vshll.u32 v0, $0x10  }
0xbe: {  	v9 =	vand.u32 $0xFFFF0000, v0;
	v0 =	vshll.u32 v4, $0x10;
	v8 =	vshll.u32 v7, $0x10  }
0xbf: {  	v11 =	vld [tilespmem:s1+$0x20];
	v6 =	vshll.u32 v5, $0x10;
	v10 =	vand.u32 $0xFFFF0000, v4;
	v4 =	vadd.f32 v0, v1  }
0xc0: {  	v12 =	vand.u32 $0xFFFF0000, v5;
	v0 =	vld [tilespmem:s1+$0x30];
	v6 =	vadd.f32 v6, v1;
	v5 =	vadd.f32 v10, v1  }
0xc1: {  	v14 =	vand.u32 $0xFFFF0000, v7;
	v7 =	vadd.f32 v12, v1;
	v8 =	vadd.f32 v8, v1;
	v12 =	vld [tilespmem:s1+$0x0]  }
0xc2: {  	s31 =	simm.s32 $0x2;
	v13 =	vshll.u32 v3, $0x10;
	s1 =	simm.s32 $0xCB80;
	v10 =	vadd.f32 v9, v1;
	v9 =	vadd.f32 v14, v1  }
.LBB2_9:
0xc3: {  	s31 =	sadd.s32 $0x2, s31  }
0xc4: {  	v14 =	vand.u32 $0xFFFF0000, v3;
	v3 =	vld [tilespmem:s1+$0x10];
	v1 =	vadd.f32 v2, v1;
	v2 =	vmov v13;
	p1 =	slt.u32 s31, $0xC6  }
.Ltmp5:
0xc5: {  	v15 =	vshll.u32 v0, $0x10;
	v16 =	vand.u32 $0xFFFF0000, v0;
	v13 =	vshll.u32 v11, $0x10;
	v0 =	vld [tilespmem:s1+$0x30];
	(pc) =	sbr.rel @p1 .LBB2_9-.Ltmp5, $4  }
0xc6: {  	v18 =	vand.u32 $0xFFFF0000, v11;
	v17 =	vshll.u32 v12, $0x10;
	v11 =	vld [tilespmem:s1+$0x20];
	v4 =	vadd.f32 v13, v4  }
0xc7: {  	v13 =	vand.u32 $0xFFFF0000, v12;
	v5 =	vadd.f32 v18, v5;
	v12 =	vld [tilespmem:s1+$0x0];
	v6 =	vadd.f32 v17, v6  }
0xc8: {  	v8 =	vadd.f32 v15, v8;
	v7 =	vadd.f32 v13, v7  }
0xc9: {  	v10 =	vadd.f32 v14, v10;
	v9 =	vadd.f32 v16, v9;
	s1 =	sadd.s32 $0x40, s1;
	v13 =	vshll.u32 v3, $0x10  }
0xca: {  	v3 =	vand.u32 $0xFFFF0000, v3  }
0xcb: {  	v1 =	vadd.f32 v2, v1;
	v2 =	vshll.u32 v11, $0x10;
	v11 =	vand.u32 $0xFFFF0000, v11  }
0xcc: {  	v3 =	vadd.f32 v3, v10;
	v14 =	vshll.u32 v12, $0x10;
	v2 =	vadd.f32 v2, v4  }
0xcd: {  	v4 =	vand.u32 $0xFFFF0000, v12;
	v5 =	vadd.f32 v11, v5;
	v6 =	vadd.f32 v14, v6  }
0xce: {  	v12 =	vshll.u32 v0, $0x10;
	v1 =	vadd.f32 v13, v1;
	v4 =	vadd.f32 v4, v7  }
0xcf: {  	v0 =	vand.u32 $0xFFFF0000, v0;
	v7 =	vadd.f32 v12, v8;
	v2 =	vadd.f32 v2, v6  }
0xd0: {  	v0 =	vadd.f32 v0, v9;
	v4 =	vadd.f32 v5, v4  }
0xd1: {  	v1 =	vadd.f32 v7, v1;
	v2 =	vmul.f32 $4.999999890e-03, v2  }
0xd2: {  	v0 =	vadd.f32 v0, v3;
	v4 =	vmul.f32 $4.999999890e-03, v4  }
0xd3: {  	v1 =	vmul.f32 $4.999999890e-03, v1;
	[tilespmem:s29+$0x14980] =	vst v2  }
0xd4: {  	v0 =	vmul.f32 $4.999999890e-03, v0;
	[tilespmem:s29+$0x149A0] =	vst v4  }
0xd5: {  	[tilespmem:s29+$0x14990] =	vst v1  }
0xd6: {  	s0 =	sadd.s32 @!p0 $0xB00, s30;
	s1 =	simm.s32 @!p0 $0x68;
	s31 =	simm.s32 @!p0 $0xCB00;
	[tilespmem:s29+$0x149B0] =	vst v0  }
0xd7: {  	[tilespmem:s31], [sflag:$0x4] =	stream.indirect.gather @!p0 [hbm4b:s3+s1], $0x20, s0, s1, $0xb8;
	[tilespmem:$0x18800] =	vst v63  }
0xd8: {  	s0 =	sadd.s32 @!p0 $0xB68, s30;
	s1 =	simm.s32 @!p0 $0x60;
	s31 =	simm.s32 @!p0 $0xD800  }
0xd9: {  	[tilespmem:s31], [sflag:$0x4] =	stream.indirect.gather @!p0 [hbm4b:s3+s1], $0x20, s0, s1, $0xb8;
	[tilespmem:$0x18800] =	vst v63  }
0xda: {  	_ =	swait.ge [sflag:s21], $0xD00  }
0xdb: {  	[sflag:s21] =	ssyncset.done $0x0  }
0xdc: {  	[sflag:s21] =	ssyncadd.s32 $0xFFFFF300  }
0xdd: {  	_ =	swait.ge [sflag:s21], $0xC00  }
0xde: {  	[sflag:s21] =	ssyncset.done $0x0  }
0xdf: {  	s1 =	simm.s32 $0xE400;
	[sflag:s21] =	ssyncadd.s32 $0xFFFFF400  }
0xe0: {  	v0 =	vld [tilespmem:s1+$0x10]  }
0xe1: {  	v7 =	vld [tilespmem:s1+$0x30]  }
0xe2: {  	v4 =	vld [tilespmem:s1+$0x20]  }
0xe3: {  	v5 =	vld [tilespmem:s1+$0x0];
	_ =	sdelay $0x1  }
0xe4: {  	s1 =	simm.s32 $0xE440  }
0xe5: {  	v1 =	vimm.f32 $0.0e+00;
	v3 =	vld [tilespmem:s1+$0x10];
	v2 =	vshll.u32 v0, $0x10  }
0xe6: {  	v9 =	vand.u32 $0xFFFF0000, v0;
	v0 =	vshll.u32 v4, $0x10;
	v8 =	vshll.u32 v7, $0x10  }
0xe7: {  	v11 =	vld [tilespmem:s1+$0x20];
	v6 =	vshll.u32 v5, $0x10;
	v10 =	vand.u32 $0xFFFF0000, v4;
	v4 =	vadd.f32 v0, v1  }
0xe8: {  	v12 =	vand.u32 $0xFFFF0000, v5;
	v0 =	vld [tilespmem:s1+$0x30];
	v6 =	vadd.f32 v6, v1;
	v5 =	vadd.f32 v10, v1  }
0xe9: {  	v14 =	vand.u32 $0xFFFF0000, v7;
	v7 =	vadd.f32 v12, v1;
	v8 =	vadd.f32 v8, v1;
	v12 =	vld [tilespmem:s1+$0x0]  }
0xea: {  	s31 =	simm.s32 $0x2;
	v13 =	vshll.u32 v3, $0x10;
	s1 =	simm.s32 $0xE480;
	v10 =	vadd.f32 v9, v1;
	v9 =	vadd.f32 v14, v1  }
.LBB2_11:
0xeb: {  	s31 =	sadd.s32 $0x2, s31  }
0xec: {  	v14 =	vand.u32 $0xFFFF0000, v3;
	v3 =	vld [tilespmem:s1+$0x10];
	v1 =	vadd.f32 v2, v1;
	v2 =	vmov v13;
	p1 =	slt.u32 s31, $0xC6  }
.Ltmp6:
0xed: {  	v15 =	vshll.u32 v0, $0x10;
	v16 =	vand.u32 $0xFFFF0000, v0;
	v13 =	vshll.u32 v11, $0x10;
	v0 =	vld [tilespmem:s1+$0x30];
	(pc) =	sbr.rel @p1 .LBB2_11-.Ltmp6, $4  }
0xee: {  	v18 =	vand.u32 $0xFFFF0000, v11;
	v17 =	vshll.u32 v12, $0x10;
	v11 =	vld [tilespmem:s1+$0x20];
	v4 =	vadd.f32 v13, v4  }
0xef: {  	v13 =	vand.u32 $0xFFFF0000, v12;
	v5 =	vadd.f32 v18, v5;
	v12 =	vld [tilespmem:s1+$0x0];
	v6 =	vadd.f32 v17, v6  }
0xf0: {  	v8 =	vadd.f32 v15, v8;
	v7 =	vadd.f32 v13, v7  }
0xf1: {  	v10 =	vadd.f32 v14, v10;
	v9 =	vadd.f32 v16, v9;
	s1 =	sadd.s32 $0x40, s1;
	v13 =	vshll.u32 v3, $0x10  }
0xf2: {  	v3 =	vand.u32 $0xFFFF0000, v3  }
0xf3: {  	v1 =	vadd.f32 v2, v1;
	v2 =	vshll.u32 v11, $0x10;
	v11 =	vand.u32 $0xFFFF0000, v11  }
0xf4: {  	v3 =	vadd.f32 v3, v10;
	v14 =	vshll.u32 v12, $0x10;
	v2 =	vadd.f32 v2, v4  }
0xf5: {  	v4 =	vand.u32 $0xFFFF0000, v12;
	v5 =	vadd.f32 v11, v5;
	v6 =	vadd.f32 v14, v6  }
0xf6: {  	v12 =	vshll.u32 v0, $0x10;
	v1 =	vadd.f32 v13, v1;
	v4 =	vadd.f32 v4, v7  }
0xf7: {  	v0 =	vand.u32 $0xFFFF0000, v0;
	v7 =	vadd.f32 v12, v8;
	v2 =	vadd.f32 v2, v6  }
0xf8: {  	v0 =	vadd.f32 v0, v9;
	v4 =	vadd.f32 v5, v4  }
0xf9: {  	v1 =	vadd.f32 v7, v1;
	v2 =	vmul.f32 $4.999999890e-03, v2  }
0xfa: {  	v0 =	vadd.f32 v0, v3;
	v4 =	vmul.f32 $4.999999890e-03, v4  }
0xfb: {  	v1 =	vmul.f32 $4.999999890e-03, v1;
	[tilespmem:s29+$0x14A00] =	vst v2  }
0xfc: {  	v0 =	vmul.f32 $4.999999890e-03, v0;
	[tilespmem:s29+$0x14A20] =	vst v4  }
0xfd: {  	[tilespmem:s29+$0x14A10] =	vst v1  }
0xfe: {  	s0 =	sadd.s32 @!p0 $0xC00, s30;
	s1 =	simm.s32 @!p0 $0x68;
	s31 =	simm.s32 @!p0 $0xE400;
	[tilespmem:s29+$0x14A30] =	vst v0  }
0xff: {  	[tilespmem:s31], [sflag:$0x5] =	stream.indirect.gather @!p0 [hbm4b:s3+s1], $0x20, s0, s1, $0xb8;
	[tilespmem:$0x18800] =	vst v63  }
0x100: {  	s0 =	sadd.s32 @!p0 $0xC68, s30;
	s1 =	simm.s32 @!p0 $0x60;
	s31 =	simm.s32 @!p0 $0xF100  }
0x101: {  	[tilespmem:s31], [sflag:$0x5] =	stream.indirect.gather @!p0 [hbm4b:s3+s1], $0x20, s0, s1, $0xb8;
	[tilespmem:$0x18800] =	vst v63  }
0x102: {  	_ =	swait.ge [sflag:s22], $0xD00  }
0x103: {  	[sflag:s22] =	ssyncset.done $0x0  }
0x104: {  	[sflag:s22] =	ssyncadd.s32 $0xFFFFF300  }
0x105: {  	_ =	swait.ge [sflag:s22], $0xC00  }
0x106: {  	[sflag:s22] =	ssyncset.done $0x0  }
0x107: {  	s1 =	simm.s32 $0xFD00;
	[sflag:s22] =	ssyncadd.s32 $0xFFFFF400  }
0x108: {  	v0 =	vld [tilespmem:s1+$0x10]  }
0x109: {  	v7 =	vld [tilespmem:s1+$0x30]  }
0x10a: {  	v4 =	vld [tilespmem:s1+$0x20]  }
0x10b: {  	v5 =	vld [tilespmem:s1+$0x0];
	_ =	sdelay $0x1  }
0x10c: {  	s1 =	simm.s32 $0xFD40  }
0x10d: {  	v1 =	vimm.f32 $0.0e+00;
	v3 =	vld [tilespmem:s1+$0x10];
	v2 =	vshll.u32 v0, $0x10  }
0x10e: {  	v9 =	vand.u32 $0xFFFF0000, v0;
	v0 =	vshll.u32 v4, $0x10;
	v8 =	vshll.u32 v7, $0x10  }
0x10f: {  	v11 =	vld [tilespmem:s1+$0x20];
	v6 =	vshll.u32 v5, $0x10;
	v10 =	vand.u32 $0xFFFF0000, v4;
	v4 =	vadd.f32 v0, v1  }
0x110: {  	v12 =	vand.u32 $0xFFFF0000, v5;
	v0 =	vld [tilespmem:s1+$0x30];
	v6 =	vadd.f32 v6, v1;
	v5 =	vadd.f32 v10, v1  }
0x111: {  	v14 =	vand.u32 $0xFFFF0000, v7;
	v7 =	vadd.f32 v12, v1;
	v8 =	vadd.f32 v8, v1;
	v12 =	vld [tilespmem:s1+$0x0]  }
0x112: {  	s31 =	simm.s32 $0x2;
	v13 =	vshll.u32 v3, $0x10;
	s1 =	simm.s32 $0xFD80;
	v10 =	vadd.f32 v9, v1;
	v9 =	vadd.f32 v14, v1  }
.LBB2_13:
0x113: {  	s31 =	sadd.s32 $0x2, s31  }
0x114: {  	v14 =	vand.u32 $0xFFFF0000, v3;
	v3 =	vld [tilespmem:s1+$0x10];
	v1 =	vadd.f32 v2, v1;
	v2 =	vmov v13;
	p1 =	slt.u32 s31, $0xC6  }
.Ltmp7:
0x115: {  	v15 =	vshll.u32 v0, $0x10;
	v16 =	vand.u32 $0xFFFF0000, v0;
	v13 =	vshll.u32 v11, $0x10;
	v0 =	vld [tilespmem:s1+$0x30];
	(pc) =	sbr.rel @p1 .LBB2_13-.Ltmp7, $4  }
0x116: {  	v18 =	vand.u32 $0xFFFF0000, v11;
	v17 =	vshll.u32 v12, $0x10;
	v11 =	vld [tilespmem:s1+$0x20];
	v4 =	vadd.f32 v13, v4  }
0x117: {  	v13 =	vand.u32 $0xFFFF0000, v12;
	v5 =	vadd.f32 v18, v5;
	v12 =	vld [tilespmem:s1+$0x0];
	v6 =	vadd.f32 v17, v6  }
0x118: {  	v8 =	vadd.f32 v15, v8;
	v7 =	vadd.f32 v13, v7  }
0x119: {  	v10 =	vadd.f32 v14, v10;
	v9 =	vadd.f32 v16, v9;
	s1 =	sadd.s32 $0x40, s1;
	v13 =	vshll.u32 v3, $0x10  }
0x11a: {  	v3 =	vand.u32 $0xFFFF0000, v3  }
0x11b: {  	v1 =	vadd.f32 v2, v1;
	v2 =	vshll.u32 v11, $0x10;
	v11 =	vand.u32 $0xFFFF0000, v11  }
0x11c: {  	v3 =	vadd.f32 v3, v10;
	v14 =	vshll.u32 v12, $0x10;
	v2 =	vadd.f32 v2, v4  }
0x11d: {  	v4 =	vand.u32 $0xFFFF0000, v12;
	v5 =	vadd.f32 v11, v5;
	v6 =	vadd.f32 v14, v6  }
0x11e: {  	v12 =	vshll.u32 v0, $0x10;
	v1 =	vadd.f32 v13, v1;
	v4 =	vadd.f32 v4, v7  }
0x11f: {  	v0 =	vand.u32 $0xFFFF0000, v0;
	v7 =	vadd.f32 v12, v8;
	v2 =	vadd.f32 v2, v6  }
0x120: {  	v0 =	vadd.f32 v0, v9;
	v4 =	vadd.f32 v5, v4  }
0x121: {  	v1 =	vadd.f32 v7, v1;
	v2 =	vmul.f32 $4.999999890e-03, v2  }
0x122: {  	v0 =	vadd.f32 v0, v3;
	v4 =	vmul.f32 $4.999999890e-03, v4  }
0x123: {  	v1 =	vmul.f32 $4.999999890e-03, v1;
	[tilespmem:s29+$0x14A80] =	vst v2  }
0x124: {  	v0 =	vmul.f32 $4.999999890e-03, v0;
	[tilespmem:s29+$0x14AA0] =	vst v4  }
0x125: {  	[tilespmem:s29+$0x14A90] =	vst v1  }
0x126: {  	s0 =	sadd.s32 @!p0 $0xD00, s30;
	s1 =	simm.s32 @!p0 $0x68;
	s31 =	simm.s32 @!p0 $0xFD00;
	[tilespmem:s29+$0x14AB0] =	vst v0  }
0x127: {  	[tilespmem:s31], [sflag:$0x6] =	stream.indirect.gather @!p0 [hbm4b:s3+s1], $0x20, s0, s1, $0xb8;
	[tilespmem:$0x18800] =	vst v63  }
0x128: {  	s0 =	sadd.s32 @!p0 $0xD68, s30;
	s1 =	simm.s32 @!p0 $0x60;
	s31 =	simm.s32 @!p0 $0x10A00  }
0x129: {  	[tilespmem:s31], [sflag:$0x6] =	stream.indirect.gather @!p0 [hbm4b:s3+s1], $0x20, s0, s1, $0xb8;
	[tilespmem:$0x18800] =	vst v63  }
0x12a: {  	_ =	swait.ge [sflag:s23], $0xD00  }
0x12b: {  	[sflag:s23] =	ssyncset.done $0x0  }
0x12c: {  	[sflag:s23] =	ssyncadd.s32 $0xFFFFF300  }
0x12d: {  	_ =	swait.ge [sflag:s23], $0xC00  }
0x12e: {  	[sflag:s23] =	ssyncset.done $0x0  }
0x12f: {  	s1 =	simm.s32 $0x11600;
	[sflag:s23] =	ssyncadd.s32 $0xFFFFF400  }
0x130: {  	v0 =	vld [tilespmem:s1+$0x10]  }
0x131: {  	v7 =	vld [tilespmem:s1+$0x30]  }
0x132: {  	v4 =	vld [tilespmem:s1+$0x20]  }
0x133: {  	v5 =	vld [tilespmem:s1+$0x0];
	_ =	sdelay $0x1  }
0x134: {  	s1 =	simm.s32 $0x11640  }
0x135: {  	v1 =	vimm.f32 $0.0e+00;
	v3 =	vld [tilespmem:s1+$0x10];
	v2 =	vshll.u32 v0, $0x10  }
0x136: {  	v9 =	vand.u32 $0xFFFF0000, v0;
	v0 =	vshll.u32 v4, $0x10;
	v8 =	vshll.u32 v7, $0x10  }
0x137: {  	v11 =	vld [tilespmem:s1+$0x20];
	v6 =	vshll.u32 v5, $0x10;
	v10 =	vand.u32 $0xFFFF0000, v4;
	v4 =	vadd.f32 v0, v1  }
0x138: {  	v12 =	vand.u32 $0xFFFF0000, v5;
	v0 =	vld [tilespmem:s1+$0x30];
	v6 =	vadd.f32 v6, v1;
	v5 =	vadd.f32 v10, v1  }
0x139: {  	v14 =	vand.u32 $0xFFFF0000, v7;
	v7 =	vadd.f32 v12, v1;
	v8 =	vadd.f32 v8, v1;
	v12 =	vld [tilespmem:s1+$0x0]  }
0x13a: {  	s31 =	simm.s32 $0x2;
	v13 =	vshll.u32 v3, $0x10;
	s1 =	simm.s32 $0x11680;
	v10 =	vadd.f32 v9, v1;
	v9 =	vadd.f32 v14, v1  }
.LBB2_15:
0x13b: {  	s31 =	sadd.s32 $0x2, s31  }
0x13c: {  	v14 =	vand.u32 $0xFFFF0000, v3;
	v3 =	vld [tilespmem:s1+$0x10];
	v1 =	vadd.f32 v2, v1;
	v2 =	vmov v13;
	p1 =	slt.u32 s31, $0xC6  }
.Ltmp8:
0x13d: {  	v15 =	vshll.u32 v0, $0x10;
	v16 =	vand.u32 $0xFFFF0000, v0;
	v13 =	vshll.u32 v11, $0x10;
	v0 =	vld [tilespmem:s1+$0x30];
	(pc) =	sbr.rel @p1 .LBB2_15-.Ltmp8, $4  }
0x13e: {  	v18 =	vand.u32 $0xFFFF0000, v11;
	v17 =	vshll.u32 v12, $0x10;
	v11 =	vld [tilespmem:s1+$0x20];
	v4 =	vadd.f32 v13, v4  }
0x13f: {  	v13 =	vand.u32 $0xFFFF0000, v12;
	v5 =	vadd.f32 v18, v5;
	v12 =	vld [tilespmem:s1+$0x0];
	v6 =	vadd.f32 v17, v6  }
0x140: {  	v8 =	vadd.f32 v15, v8;
	v7 =	vadd.f32 v13, v7  }
0x141: {  	v10 =	vadd.f32 v14, v10;
	v9 =	vadd.f32 v16, v9;
	s1 =	sadd.s32 $0x40, s1;
	v13 =	vshll.u32 v3, $0x10  }
0x142: {  	v3 =	vand.u32 $0xFFFF0000, v3  }
0x143: {  	v1 =	vadd.f32 v2, v1;
	v2 =	vshll.u32 v11, $0x10;
	v11 =	vand.u32 $0xFFFF0000, v11  }
0x144: {  	v3 =	vadd.f32 v3, v10;
	v14 =	vshll.u32 v12, $0x10;
	v2 =	vadd.f32 v2, v4  }
0x145: {  	v4 =	vand.u32 $0xFFFF0000, v12;
	v5 =	vadd.f32 v11, v5;
	v6 =	vadd.f32 v14, v6  }
0x146: {  	v12 =	vshll.u32 v0, $0x10;
	v1 =	vadd.f32 v13, v1;
	v4 =	vadd.f32 v4, v7  }
0x147: {  	v0 =	vand.u32 $0xFFFF0000, v0;
	v7 =	vadd.f32 v12, v8;
	v2 =	vadd.f32 v2, v6  }
0x148: {  	v0 =	vadd.f32 v0, v9;
	v4 =	vadd.f32 v5, v4  }
0x149: {  	v1 =	vadd.f32 v7, v1;
	v2 =	vmul.f32 $4.999999890e-03, v2  }
0x14a: {  	v0 =	vadd.f32 v0, v3;
	v4 =	vmul.f32 $4.999999890e-03, v4  }
0x14b: {  	v1 =	vmul.f32 $4.999999890e-03, v1;
	[tilespmem:s29+$0x14B00] =	vst v2  }
0x14c: {  	v0 =	vmul.f32 $4.999999890e-03, v0;
	[tilespmem:s29+$0x14B20] =	vst v4  }
0x14d: {  	[tilespmem:s29+$0x14B10] =	vst v1  }
0x14e: {  	s0 =	sadd.s32 @!p0 $0xE00, s30;
	s1 =	simm.s32 @!p0 $0x68;
	s31 =	simm.s32 @!p0 $0x11600;
	[tilespmem:s29+$0x14B30] =	vst v0  }
0x14f: {  	[tilespmem:s31], [sflag:$0x7] =	stream.indirect.gather @!p0 [hbm4b:s3+s1], $0x20, s0, s1, $0xb8;
	[tilespmem:$0x18800] =	vst v63  }
0x150: {  	s0 =	sadd.s32 @!p0 $0xE68, s30;
	s1 =	simm.s32 @!p0 $0x60;
	s31 =	simm.s32 @!p0 $0x12300  }
0x151: {  	[tilespmem:s31], [sflag:$0x7] =	stream.indirect.gather @!p0 [hbm4b:s3+s1], $0x20, s0, s1, $0xb8;
	[tilespmem:$0x18800] =	vst v63  }
0x152: {  	_ =	swait.ge [sflag:s24], $0xD00  }
0x153: {  	[sflag:s24] =	ssyncset.done $0x0  }
0x154: {  	[sflag:s24] =	ssyncadd.s32 $0xFFFFF300  }
0x155: {  	_ =	swait.ge [sflag:s24], $0xC00  }
0x156: {  	[sflag:s24] =	ssyncset.done $0x0  }
0x157: {  	s1 =	simm.s32 $0x12F00;
	[sflag:s24] =	ssyncadd.s32 $0xFFFFF400  }
0x158: {  	v0 =	vld [tilespmem:s1+$0x10]  }
0x159: {  	v7 =	vld [tilespmem:s1+$0x30]  }
0x15a: {  	v4 =	vld [tilespmem:s1+$0x20]  }
0x15b: {  	v5 =	vld [tilespmem:s1+$0x0];
	_ =	sdelay $0x1  }
0x15c: {  	s1 =	simm.s32 $0x12F40  }
0x15d: {  	v1 =	vimm.f32 $0.0e+00;
	v3 =	vld [tilespmem:s1+$0x10];
	v2 =	vshll.u32 v0, $0x10  }
0x15e: {  	v9 =	vand.u32 $0xFFFF0000, v0;
	v0 =	vshll.u32 v4, $0x10;
	v8 =	vshll.u32 v7, $0x10  }
0x15f: {  	v11 =	vld [tilespmem:s1+$0x20];
	v6 =	vshll.u32 v5, $0x10;
	v10 =	vand.u32 $0xFFFF0000, v4;
	v4 =	vadd.f32 v0, v1  }
0x160: {  	v12 =	vand.u32 $0xFFFF0000, v5;
	v0 =	vld [tilespmem:s1+$0x30];
	v6 =	vadd.f32 v6, v1;
	v5 =	vadd.f32 v10, v1  }
0x161: {  	v14 =	vand.u32 $0xFFFF0000, v7;
	v7 =	vadd.f32 v12, v1;
	v8 =	vadd.f32 v8, v1;
	v12 =	vld [tilespmem:s1+$0x0]  }
0x162: {  	s31 =	simm.s32 $0x2;
	v13 =	vshll.u32 v3, $0x10;
	s1 =	simm.s32 $0x12F80;
	v10 =	vadd.f32 v9, v1;
	v9 =	vadd.f32 v14, v1  }
.LBB2_17:
0x163: {  	s31 =	sadd.s32 $0x2, s31  }
0x164: {  	v14 =	vand.u32 $0xFFFF0000, v3;
	v3 =	vld [tilespmem:s1+$0x10];
	v1 =	vadd.f32 v2, v1;
	v2 =	vmov v13;
	p1 =	slt.u32 s31, $0xC6  }
.Ltmp9:
0x165: {  	v15 =	vshll.u32 v0, $0x10;
	v16 =	vand.u32 $0xFFFF0000, v0;
	v13 =	vshll.u32 v11, $0x10;
	v0 =	vld [tilespmem:s1+$0x30];
	(pc) =	sbr.rel @p1 .LBB2_17-.Ltmp9, $4  }
0x166: {  	v18 =	vand.u32 $0xFFFF0000, v11;
	v17 =	vshll.u32 v12, $0x10;
	v11 =	vld [tilespmem:s1+$0x20];
	v4 =	vadd.f32 v13, v4  }
0x167: {  	v13 =	vand.u32 $0xFFFF0000, v12;
	v5 =	vadd.f32 v18, v5;
	v12 =	vld [tilespmem:s1+$0x0];
	v6 =	vadd.f32 v17, v6  }
0x168: {  	v8 =	vadd.f32 v15, v8;
	v7 =	vadd.f32 v13, v7  }
0x169: {  	v10 =	vadd.f32 v14, v10;
	v9 =	vadd.f32 v16, v9;
	s1 =	sadd.s32 $0x40, s1;
	v13 =	vshll.u32 v3, $0x10  }
0x16a: {  	v3 =	vand.u32 $0xFFFF0000, v3  }
0x16b: {  	v1 =	vadd.f32 v2, v1;
	v61 =	vshll.u32 v0, $0x10;
	v63 =	vand.u32 $0xFFFF0000, v0  }
0x16c: {  	v58 =	vshll.u32 v11, $0x10;
	v62 =	vadd.f32 v61, v8;
	v3 =	vadd.f32 v3, v10  }
0x16d: {  	v59 =	vand.u32 $0xFFFF0000, v11;
	v0 =	vadd.f32 v63, v9;
	v2 =	vadd.f32 v58, v4  }
0x16e: {  	v14 =	vshll.u32 v12, $0x10;
	v5 =	vadd.f32 v59, v5;
	v1 =	vadd.f32 v13, v1  }
0x16f: {  	v60 =	vand.u32 $0xFFFF0000, v12;
	v6 =	vadd.f32 v14, v6;
	v0 =	vadd.f32 v0, v3  }
0x170: {  	v4 =	vadd.f32 v60, v7;
	v1 =	vadd.f32 v62, v1  }
0x171: {  	v2 =	vadd.f32 v2, v6;
	v0 =	vmul.f32 $4.999999890e-03, v0  }
.Ltmp10:
0x172: {  	v4 =	vadd.f32 v5, v4;
	v1 =	vmul.f32 $4.999999890e-03, v1;
	(pc) =	sbr.rel @p0 .LBB2_20-.Ltmp10, $4  }
0x173: {  	v2 =	vmul.f32 $4.999999890e-03, v2;
	[tilespmem:s29+$0x14BB0] =	vst v0  }
0x174: {  	v4 =	vmul.f32 $4.999999890e-03, v4;
	[tilespmem:s29+$0x14B90] =	vst v1  }
0x175: {  	[tilespmem:s29+$0x14B80] =	vst v2  }
0x176: {  	[tilespmem:s29+$0x14BA0] =	vst v4  }
.Ltmp11:
0x177: {  	(pc) =	sbr.rel .LBB2_2-.Ltmp11, $4  }
0x178: {  	s0 =	sadd.s32 $0xF00, s30  }
0x179: {  	[tilespmem:s14], [sflag:$0x8] =	stream.indirect.gather [hbm4b:s3+s8], $0x20, s0, s8, $0xb8;
	[tilespmem:$0x18800] =	vst v63  }
0x17a: {  	s31 =	sadd.s32 $0xF68, s30;
	s28 =	sadd.s32 $0x1, s28  }
0x17b: {  	[tilespmem:s16], [sflag:$0x8] =	stream.indirect.gather [hbm4b:s3+s10], $0x20, s31, s10, $0xb8;
	[tilespmem:$0x18800] =	vst v63  }
.LBB2_21:
0x17c: {  	_ =	sfence.sel $0x180000  }
0x17d: {  	[bflag:$0x0] =	sbarrier.arrive $0xFFFF  }
0x17e: {  	_ =	strace $0x90000047  }
0x17f: {  	s0 =	stileid.u32;
	[bflag:$0x2] =	sbarrier.arrive $0xFFFF  }
0x180: {  	p0 =	sne.s32 s0, $0x0;
	s0 =	rddreg [dreg:$0x1]  }
0x181: {  	s0 =	sadd.s32 @!p0 $0x100000, s0  }
0x182: {  	[sflag:s0] =	ssyncadd.tile.s32 @!p0 $0x1;
	_ =	shalt  }
.Lfunc_end2:
_tile_overlayer_lowered:
.L_overlay_start_2:
0x183: {  	(tag) =	ssettag $0x2  }
0x184: {  	s0 =	rddreg [dreg:$0x0];
	s2 =	stileid.u32  }
0x185: {  	s1 =	rddreg [dreg:$0x1];
	p0 =	sne.s32 s2, $0x0  }
0x186: {  	s3 =	rddreg [dreg:$0x2];
	[bflag:$0x3] =	sbarrier.arrive $0xFFFF;
	s2 =	simm.s32 @!p0 $0x1C09  }
0x187: {  	[timem:s3], [sflag:s2] =	dma.local @!p0 [hbm:s0], s1  }
0x188: {  	s0 =	simm.s32 @!p0 $0x9  }
0x189: {  	_ =	swait.ge @!p0 [sflag:s0], s1  }
0x18a: {  	s1 =	ssub.s32 @!p0 $0x0, s1;
	[sflag:s0] =	ssyncset.done @!p0 $0x0  }
0x18b: {  	[sflag:s0] =	ssyncadd.s32 @!p0 s1  }
0x18c: {  	[bflag:$0x3] =	sbarrier.arrive $0xFFFF  }
0x18d: {  	_ =	shalt  }

</sc_bundles>
